<compile_context>
chip_gen: v7x
topology: tpu7x:2x2x1
jax: 0.10.2.dev20260603
libtpu: 0.0.44.dev20260713+nightly
codegen_flags: <defaults>
</compile_context>

<pallas_src>
import functools

import jax
import jax.numpy as jnp
from jax import lax
from jax.experimental import pallas as pl
from jax.experimental.pallas import tpu as pltpu
from jax.experimental.pallas import tpu_sc as plsc

B, C, H, W = 2, 96, 512, 512
CPAD = 128
HW = H * W
NC, NS = 2, 16
NW = NC * NS
PPW = B * HW // NW
M = 64
NCHUNK = PPW // M
N2 = NCHUNK // 2


def _warp_sc(table, dispi, dispj):
    mesh = plsc.VectorSubcoreMesh(core_axis_name="c", subcore_axis_name="s")

    @functools.partial(
        pl.kernel,
        mesh=mesh,
        compiler_params=pltpu.CompilerParams(
            needs_layout_passes=False,
        ),
        out_type=jax.ShapeDtypeStruct((B * HW, C), jnp.float32),
        scratch_types=[
            pltpu.VMEM((2, M), jnp.float32),
            pltpu.VMEM((2, M), jnp.float32),
            pltpu.VMEM((2, M + 16), jnp.float32),
            pltpu.VMEM((2, M + 16), jnp.float32),
            pltpu.VMEM((2, M), jnp.int32),
            pltpu.VMEM((2, M), jnp.int32),
            pltpu.VMEM((2, M), jnp.int32),
            pltpu.VMEM((2, M), jnp.int32),
            pltpu.VMEM((2, M, CPAD), jnp.float32),
            pltpu.VMEM((2, M, CPAD), jnp.float32),
            pltpu.VMEM((2, M, CPAD), jnp.float32),
            pltpu.VMEM((2, M, CPAD), jnp.float32),
            pltpu.VMEM((2, M, C), jnp.float32),
            pltpu.SemaphoreType.DMA,
            pltpu.SemaphoreType.DMA,
            pltpu.SemaphoreType.DMA,
            pltpu.SemaphoreType.DMA,
            pltpu.SemaphoreType.DMA,
            pltpu.SemaphoreType.DMA,
        ],
    )
    def k(table_h, di_h, dj_h, out_h,
          di_v, dj_v, wi_v, wj_v,
          i00, i01, i10, i11,
          g00, g01, g10, g11,
          oU, dsem0, dsem1, gsem0, gsem1, ssem0, ssem1):
        wid = lax.axis_index("s") * NC + lax.axis_index("c")
        pix0 = wid * PPW
        b = pix0 // HW
        tab_base = b * HW
        lane = lax.iota(jnp.int32, 16)
        dsem = (dsem0, dsem1)
        gsem = (gsem0, gsem1)
        ssem = (ssem0, ssem1)

        def fire_disp(t, par):
            p0 = pix0 + t * M
            pltpu.async_copy(di_h.at[pl.ds(p0, M)], di_v.at[par], dsem[par])
            pltpu.async_copy(dj_h.at[pl.ds(p0, M)], dj_v.at[par], dsem[par])

        def wait_disp(par):
            pltpu.make_async_copy(
                di_h.at[pl.ds(0, M)], di_v.at[par], dsem[par]).wait()
            pltpu.make_async_copy(
                dj_h.at[pl.ds(0, M)], dj_v.at[par], dsem[par]).wait()

        def prep(t, par):
            p0 = pix0 + t * M
            for g in range(M // 16):
                pvec = p0 + g * 16 + lane
                ii = lax.shift_right_logical(pvec, 9) & (H - 1)
                jj = pvec & (W - 1)
                li = ii.astype(jnp.float32) + di_v[par, pl.ds(g * 16, 16)]
                lj = jj.astype(jnp.float32) + dj_v[par, pl.ds(g * 16, 16)]
                lic = jnp.clip(li, 0.0, float(H - 1))
                ljc = jnp.clip(lj, 0.0, float(W - 1))
                ai = jnp.minimum(lic.astype(jnp.int32), H - 2)
                aj = jnp.minimum(ljc.astype(jnp.int32), W - 2)
                wi_v[par, pl.ds(g * 16, 16)] = lic - ai.astype(jnp.float32)
                wj_v[par, pl.ds(g * 16, 16)] = ljc - aj.astype(jnp.float32)
                r00 = tab_base + ai * W + aj
                i00[par, pl.ds(g * 16, 16)] = r00
                i01[par, pl.ds(g * 16, 16)] = r00 + 1
                i10[par, pl.ds(g * 16, 16)] = r00 + W
                i11[par, pl.ds(g * 16, 16)] = r00 + W + 1
            sem = gsem[par]
            pltpu.async_copy(table_h.at[i00.at[par]], g00.at[par], sem)
            pltpu.async_copy(table_h.at[i01.at[par]], g01.at[par], sem)
            pltpu.async_copy(table_h.at[i10.at[par]], g10.at[par], sem)
            pltpu.async_copy(table_h.at[i11.at[par]], g11.at[par], sem)

        def wait_gathers(par):
            sem = gsem[par]
            for gbuf, ibuf in ((g00, i00), (g01, i01), (g10, i10), (g11, i11)):
                pltpu.make_async_copy(
                    table_h.at[ibuf.at[par]], gbuf.at[par], sem).wait()

        def blend(par):
            def pix(p, cc):
                w_i = jnp.full((16,), wi_v[par, pl.ds(p, 16)][0], jnp.float32)
                w_j = jnp.full((16,), wj_v[par, pl.ds(p, 16)][0], jnp.float32)
                for q in range(C // 16):
                    sl = pl.ds(q * 16, 16)
                    v00 = g00[par, p, sl]
                    v01 = g01[par, p, sl]
                    v10 = g10[par, p, sl]
                    v11 = g11[par, p, sl]
                    top = v00 + w_j * (v01 - v00)
                    bot = v10 + w_j * (v11 - v10)
                    oU[par, p, sl] = top + w_i * (bot - top)
                return cc
            lax.fori_loop(0, M, pix, 0)

        def fire_out(t, par):
            p0 = pix0 + t * M
            pltpu.async_copy(oU.at[par], out_h.at[pl.ds(p0, M)], ssem[par])

        def wait_out(par):
            pltpu.make_async_copy(
                oU.at[par], out_h.at[pl.ds(0, M)], ssem[par]).wait()

        fire_disp(0, 0)
        fire_disp(1, 1)
        wait_disp(0)
        prep(0, 0)

        def body(u, carry):
            t0 = 2 * u
            t1 = t0 + 1
            @pl.when(u < N2 - 1)
            def _():
                fire_disp(t0 + 2, 0)
            wait_disp(1)
            prep(t1, 1)
            wait_gathers(0)

            @pl.when(u > 0)
            def _():
                wait_out(0)
            blend(0)
            fire_out(t0, 0)
            @pl.when(u < N2 - 1)
            def _():
                fire_disp(t1 + 2, 1)
                wait_disp(0)
                prep(t0 + 2, 0)
            wait_gathers(1)

            @pl.when(u > 0)
            def _():
                wait_out(1)
            blend(1)
            fire_out(t1, 1)
            return carry

        lax.fori_loop(0, N2, body, 0)
        wait_out(0)
        wait_out(1)

    return k(table, dispi, dispj)


def kernel(img, trf):
    table = jnp.pad(
        jnp.transpose(img, (0, 2, 3, 1)).reshape(B * HW, C),
        ((0, 0), (0, CPAD - C)))
    dispi = trf[:, 0].reshape(B * HW)
    dispj = trf[:, 1].reshape(B * HW)
    out = _warp_sc(table, dispi, dispj)
    return jnp.transpose(out.reshape(B, H, W, C), (0, 3, 1, 2))

# --- scband reference (transcript-rebuilt; emitter-appended) ---
"""Pipeline reference for scband-spatial-transformer-274877907312 (READ-ONLY COPY).

The authoritative reference and input builder live on the scoring server;
editing this copy changes nothing except your own understanding.
"""

import jax, jax.numpy as jnp
import numpy as np


def setup_inputs(seed: int = 0) -> dict:
    key = jax.random.key(seed)
    k1, k2 = jax.random.split(key)
    img = jax.random.normal(k1, (2, 96, 512, 512), dtype=jnp.float32)
    trf = jax.random.normal(k2, (2, 2, 512, 512), dtype=jnp.float32)
    return {"img": img, "trf": trf}


def _warp_single(vol, disp):
    # vol: [H, W, C] channels-last moving image
    # disp: [H, W, 2] dense displacement field ('ij' indexing)
    H, W, _ = vol.shape
    gi = jnp.arange(H, dtype=jnp.float32)[:, None]
    gj = jnp.arange(W, dtype=jnp.float32)[None, :]
    li = gi + disp[..., 0]
    lj = gj + disp[..., 1]
    i0 = jnp.floor(li)
    j0 = jnp.floor(lj)
    wi = (li - i0)[..., None]
    wj = (lj - j0)[..., None]
    i0c = jnp.clip(i0, 0, H - 1).astype(jnp.int32)
    i1c = jnp.clip(i0 + 1.0, 0, H - 1).astype(jnp.int32)
    j0c = jnp.clip(j0, 0, W - 1).astype(jnp.int32)
    j1c = jnp.clip(j0 + 1.0, 0, W - 1).astype(jnp.int32)
    v00 = vol[i0c, j0c]
    v01 = vol[i0c, j1c]
    v10 = vol[i1c, j0c]
    v11 = vol[i1c, j1c]
    return ((1.0 - wi) * (1.0 - wj) * v00
            + (1.0 - wi) * wj * v01
            + wi * (1.0 - wj) * v10
            + wi * wj * v11)


def reference(img, trf):
    # img: [B, C, H, W]; trf: [B, 2, H, W] dense warp (displacements)
    vol = jnp.transpose(img, (0, 2, 3, 1))   # [B, H, W, C]
    disp = jnp.transpose(trf, (0, 2, 3, 1))  # [B, H, W, 2]
    out = jax.vmap(_warp_single)(vol, disp)  # [B, H, W, C]
    return jnp.transpose(out, (0, 3, 1, 2))  # [B, C, H, W]

if __name__ == "__main__":
    import jax
    _d = setup_inputs()
    print(jax.jit(kernel)(*tuple(_d.values())))

</pallas_src>

<mosaic_0001>
#map = affine_map<(d0, d1) -> (0, 0)>
#map1 = affine_map<(d0, d1) -> (0)>
module attributes {stable_mosaic.version = 14 : i64} {
  func.func @k(%arg0: i32, %arg1: i32, %arg2: memref<524288x128xf32, #tpu.memory_space<hbm>>, %arg3: memref<524288xf32, #tpu.memory_space<hbm>>, %arg4: memref<524288xf32, #tpu.memory_space<hbm>>, %arg5: memref<524288x96xf32, #tpu.memory_space<hbm>>, %arg6: memref<2x64xf32, #tpu.memory_space<vmem>>, %arg7: memref<2x64xf32, #tpu.memory_space<vmem>>, %arg8: memref<2x80xf32, #tpu.memory_space<vmem>>, %arg9: memref<2x80xf32, #tpu.memory_space<vmem>>, %arg10: memref<2x64xi32, #tpu.memory_space<vmem>>, %arg11: memref<2x64xi32, #tpu.memory_space<vmem>>, %arg12: memref<2x64xi32, #tpu.memory_space<vmem>>, %arg13: memref<2x64xi32, #tpu.memory_space<vmem>>, %arg14: memref<2x64x128xf32, #tpu.memory_space<vmem>>, %arg15: memref<2x64x128xf32, #tpu.memory_space<vmem>>, %arg16: memref<2x64x128xf32, #tpu.memory_space<vmem>>, %arg17: memref<2x64x128xf32, #tpu.memory_space<vmem>>, %arg18: memref<2x64x96xf32, #tpu.memory_space<vmem>>, %arg19: memref<!tpu.dma_semaphore, #tpu.memory_space<semaphore_mem>>, %arg20: memref<!tpu.dma_semaphore, #tpu.memory_space<semaphore_mem>>, %arg21: memref<!tpu.dma_semaphore, #tpu.memory_space<semaphore_mem>>, %arg22: memref<!tpu.dma_semaphore, #tpu.memory_space<semaphore_mem>>, %arg23: memref<!tpu.dma_semaphore, #tpu.memory_space<semaphore_mem>>, %arg24: memref<!tpu.dma_semaphore, #tpu.memory_space<semaphore_mem>>) attributes {dimension_semantics = [#tpu.dimension_semantics<core_parallel>, #tpu.dimension_semantics<subcore_parallel>], iteration_bounds = array<i64: 2, 16>, scalar_prefetch = 0 : i64, scratch_operands = 19 : i64, tpu.core_type = #tpu.core_type<sc_vector_subcore>, window_params = [{transform_indices = #map}, {transform_indices = #map1}, {transform_indices = #map1}, {transform_indices = #map}]} {
    %mul3A = arith.constant 2 : i32
    %mul3A_0 = arith.muli %arg1, %mul3A : i32
    %add3A = arith.addi %mul3A_0, %arg0 : i32
    %mul3A_1 = arith.constant 16384 : i32
    %mul3A_2 = arith.muli %add3A, %mul3A_1 : i32
    %jit3A = arith.constant 262144 : i32
    %div3A = arith.divsi %mul3A_2, %jit3A : i32
    %sign3A = arith.constant 0 : i32
    %sign3A_3 = arith.cmpi sgt, %mul3A_2, %sign3A : i32
    %sign3A_4 = arith.extui %sign3A_3 : i1 to i32
    %sign3A_5 = arith.constant 0 : i32
    %sign3A_6 = arith.cmpi slt, %mul3A_2, %sign3A_5 : i32
    %sign3A_7 = arith.extui %sign3A_6 : i1 to i32
    %sign3A_8 = arith.subi %sign3A_4, %sign3A_7 : i32
    %sign3A_9 = arith.constant 0 : i32
    %sign3A_10 = arith.cmpi sgt, %jit3A, %sign3A_9 : i32
    %sign3A_11 = arith.extui %sign3A_10 : i1 to i32
    %sign3A_12 = arith.constant 0 : i32
    %sign3A_13 = arith.cmpi slt, %jit3A, %sign3A_12 : i32
    %sign3A_14 = arith.extui %sign3A_13 : i1 to i32
    %sign3A_15 = arith.subi %sign3A_11, %sign3A_14 : i32
    %ne3A = arith.cmpi ne, %sign3A_8, %sign3A_15 : i32
    %rem3A = arith.remsi %mul3A_2, %jit3A : i32
    %ne3A_16 = arith.constant 0 : i32
    %ne3A_17 = arith.cmpi ne, %rem3A, %ne3A_16 : i32
    %and3A = arith.andi %ne3A, %ne3A_17 : i1
    %sub3A = arith.constant 1 : i32
    %sub3A_18 = arith.subi %div3A, %sub3A : i32
    %select_n3A = arith.select %and3A, %sub3A_18, %div3A : i32
    %mul3A_19 = arith.constant 262144 : i32
    %mul3A_20 = arith.muli %select_n3A, %mul3A_19 : i32
    %iota3A = tpu.iota {dimensions = array<i32: 0>} : vector<16xi32>
    %add3A_21 = arith.constant 0 : i32
    %add3A_22 = arith.addi %mul3A_2, %add3A_21 : i32
    %dma_start3A = arith.constant 0 : i32
    %dma_start3A_23 = arith.constant 0 : i32
    %dma_start3A_24 = tpu.memref_slice %arg6[%dma_start3A, %dma_start3A_23] : memref<2x64xf32, #tpu.memory_space<vmem>> -> memref<1x64xf32, #tpu.memory_space<vmem>>
    %dma_start3A_25 = tpu.memref_squeeze %dma_start3A_24 : memref<1x64xf32, #tpu.memory_space<vmem>> -> memref<64xf32, #tpu.memory_space<vmem>>
    %dma_start3A_26 = tpu.memref_slice %arg3[%add3A_22] : memref<524288xf32, #tpu.memory_space<hbm>> -> memref<64xf32, #tpu.memory_space<hbm>>
    %dma_start3A_27 = arith.constant 0 : i32
    %dma_start3A_28 = tpu.memref_slice %arg6[%dma_start3A, %dma_start3A_27] : memref<2x64xf32, #tpu.memory_space<vmem>> -> memref<1x64xf32, #tpu.memory_space<vmem>>
    %dma_start3A_29 = tpu.memref_squeeze %dma_start3A_28 : memref<1x64xf32, #tpu.memory_space<vmem>> -> memref<64xf32, #tpu.memory_space<vmem>>
    %dma_start3A_30 = tpu.memref_slice %arg3[%add3A_22] : memref<524288xf32, #tpu.memory_space<hbm>> -> memref<64xf32, #tpu.memory_space<hbm>>
    tpu.enqueue_dma source(%dma_start3A_30 : memref<64xf32, #tpu.memory_space<hbm>>) target(%dma_start3A_29 : memref<64xf32, #tpu.memory_space<vmem>>) target_semaphore(%arg19 : memref<!tpu.dma_semaphore, #tpu.memory_space<semaphore_mem>>)
    %dma_start3A_31 = arith.constant 0 : i32
    %dma_start3A_32 = arith.constant 0 : i32
    %dma_start3A_33 = tpu.memref_slice %arg7[%dma_start3A_31, %dma_start3A_32] : memref<2x64xf32, #tpu.memory_space<vmem>> -> memref<1x64xf32, #tpu.memory_space<vmem>>
    %dma_start3A_34 = tpu.memref_squeeze %dma_start3A_33 : memref<1x64xf32, #tpu.memory_space<vmem>> -> memref<64xf32, #tpu.memory_space<vmem>>
    %dma_start3A_35 = tpu.memref_slice %arg4[%add3A_22] : memref<524288xf32, #tpu.memory_space<hbm>> -> memref<64xf32, #tpu.memory_space<hbm>>
    %dma_start3A_36 = arith.constant 0 : i32
    %dma_start3A_37 = tpu.memref_slice %arg7[%dma_start3A_31, %dma_start3A_36] : memref<2x64xf32, #tpu.memory_space<vmem>> -> memref<1x64xf32, #tpu.memory_space<vmem>>
    %dma_start3A_38 = tpu.memref_squeeze %dma_start3A_37 : memref<1x64xf32, #tpu.memory_space<vmem>> -> memref<64xf32, #tpu.memory_space<vmem>>
    %dma_start3A_39 = tpu.memref_slice %arg4[%add3A_22] : memref<524288xf32, #tpu.memory_space<hbm>> -> memref<64xf32, #tpu.memory_space<hbm>>
    tpu.enqueue_dma source(%dma_start3A_39 : memref<64xf32, #tpu.memory_space<hbm>>) target(%dma_start3A_38 : memref<64xf32, #tpu.memory_space<vmem>>) target_semaphore(%arg19 : memref<!tpu.dma_semaphore, #tpu.memory_space<semaphore_mem>>)
    %add3A_40 = arith.constant 64 : i32
    %add3A_41 = arith.addi %mul3A_2, %add3A_40 : i32
    %dma_start3A_42 = arith.constant 1 : i32
    %dma_start3A_43 = arith.constant 0 : i32
    %dma_start3A_44 = tpu.memref_slice %arg6[%dma_start3A_42, %dma_start3A_43] : memref<2x64xf32, #tpu.memory_space<vmem>> -> memref<1x64xf32, #tpu.memory_space<vmem>>
    %dma_start3A_45 = tpu.memref_squeeze %dma_start3A_44 : memref<1x64xf32, #tpu.memory_space<vmem>> -> memref<64xf32, #tpu.memory_space<vmem>>
    %dma_start3A_46 = tpu.memref_slice %arg3[%add3A_41] : memref<524288xf32, #tpu.memory_space<hbm>> -> memref<64xf32, #tpu.memory_space<hbm>>
    %dma_start3A_47 = arith.constant 0 : i32
    %dma_start3A_48 = tpu.memref_slice %arg6[%dma_start3A_42, %dma_start3A_47] : memref<2x64xf32, #tpu.memory_space<vmem>> -> memref<1x64xf32, #tpu.memory_space<vmem>>
    %dma_start3A_49 = tpu.memref_squeeze %dma_start3A_48 : memref<1x64xf32, #tpu.memory_space<vmem>> -> memref<64xf32, #tpu.memory_space<vmem>>
    %dma_start3A_50 = tpu.memref_slice %arg3[%add3A_41] : memref<524288xf32, #tpu.memory_space<hbm>> -> memref<64xf32, #tpu.memory_space<hbm>>
    tpu.enqueue_dma source(%dma_start3A_50 : memref<64xf32, #tpu.memory_space<hbm>>) target(%dma_start3A_49 : memref<64xf32, #tpu.memory_space<vmem>>) target_semaphore(%arg20 : memref<!tpu.dma_semaphore, #tpu.memory_space<semaphore_mem>>)
    %dma_start3A_51 = arith.constant 1 : i32
    %dma_start3A_52 = arith.constant 0 : i32
    %dma_start3A_53 = tpu.memref_slice %arg7[%dma_start3A_51, %dma_start3A_52] : memref<2x64xf32, #tpu.memory_space<vmem>> -> memref<1x64xf32, #tpu.memory_space<vmem>>
    %dma_start3A_54 = tpu.memref_squeeze %dma_start3A_53 : memref<1x64xf32, #tpu.memory_space<vmem>> -> memref<64xf32, #tpu.memory_space<vmem>>
    %dma_start3A_55 = tpu.memref_slice %arg4[%add3A_41] : memref<524288xf32, #tpu.memory_space<hbm>> -> memref<64xf32, #tpu.memory_space<hbm>>
    %dma_start3A_56 = arith.constant 0 : i32
    %dma_start3A_57 = tpu.memref_slice %arg7[%dma_start3A_51, %dma_start3A_56] : memref<2x64xf32, #tpu.memory_space<vmem>> -> memref<1x64xf32, #tpu.memory_space<vmem>>
    %dma_start3A_58 = tpu.memref_squeeze %dma_start3A_57 : memref<1x64xf32, #tpu.memory_space<vmem>> -> memref<64xf32, #tpu.memory_space<vmem>>
    %dma_start3A_59 = tpu.memref_slice %arg4[%add3A_41] : memref<524288xf32, #tpu.memory_space<hbm>> -> memref<64xf32, #tpu.memory_space<hbm>>
    tpu.enqueue_dma source(%dma_start3A_59 : memref<64xf32, #tpu.memory_space<hbm>>) target(%dma_start3A_58 : memref<64xf32, #tpu.memory_space<vmem>>) target_semaphore(%arg20 : memref<!tpu.dma_semaphore, #tpu.memory_space<semaphore_mem>>)
    %dma_wait3A = arith.constant 0 : i32
    %dma_wait3A_60 = arith.constant 0 : i32
    %dma_wait3A_61 = tpu.memref_slice %arg6[%dma_wait3A, %dma_wait3A_60] : memref<2x64xf32, #tpu.memory_space<vmem>> -> memref<1x64xf32, #tpu.memory_space<vmem>>
    %dma_wait3A_62 = tpu.memref_squeeze %dma_wait3A_61 : memref<1x64xf32, #tpu.memory_space<vmem>> -> memref<64xf32, #tpu.memory_space<vmem>>
    %dma_wait3A_63 = arith.constant 0 : i32
    %dma_wait3A_64 = tpu.memref_slice %arg3[%dma_wait3A_63] : memref<524288xf32, #tpu.memory_space<hbm>> -> memref<64xf32, #tpu.memory_space<hbm>>
    %dma_wait3A_65 = arith.constant 0 : i32
    %dma_wait3A_66 = tpu.memref_slice %arg6[%dma_wait3A, %dma_wait3A_65] : memref<2x64xf32, #tpu.memory_space<vmem>> -> memref<1x64xf32, #tpu.memory_space<vmem>>
    %dma_wait3A_67 = tpu.memref_squeeze %dma_wait3A_66 : memref<1x64xf32, #tpu.memory_space<vmem>> -> memref<64xf32, #tpu.memory_space<vmem>>
    %dma_wait3A_68 = arith.constant 0 : i32
    %dma_wait3A_69 = tpu.memref_slice %arg3[%dma_wait3A_68] : memref<524288xf32, #tpu.memory_space<hbm>> -> memref<64xf32, #tpu.memory_space<hbm>>
    tpu.wait_dma2 semaphore(%arg19 : memref<!tpu.dma_semaphore, #tpu.memory_space<semaphore_mem>>) src(%dma_wait3A_69 : memref<64xf32, #tpu.memory_space<hbm>>) dst(%dma_wait3A_67 : memref<64xf32, #tpu.memory_space<vmem>>)
    %dma_wait3A_70 = arith.constant 0 : i32
    %dma_wait3A_71 = arith.constant 0 : i32
    %dma_wait3A_72 = tpu.memref_slice %arg7[%dma_wait3A_70, %dma_wait3A_71] : memref<2x64xf32, #tpu.memory_space<vmem>> -> memref<1x64xf32, #tpu.memory_space<vmem>>
    %dma_wait3A_73 = tpu.memref_squeeze %dma_wait3A_72 : memref<1x64xf32, #tpu.memory_space<vmem>> -> memref<64xf32, #tpu.memory_space<vmem>>
    %dma_wait3A_74 = arith.constant 0 : i32
    %dma_wait3A_75 = tpu.memref_slice %arg4[%dma_wait3A_74] : memref<524288xf32, #tpu.memory_space<hbm>> -> memref<64xf32, #tpu.memory_space<hbm>>
    %dma_wait3A_76 = arith.constant 0 : i32
    %dma_wait3A_77 = tpu.memref_slice %arg7[%dma_wait3A_70, %dma_wait3A_76] : memref<2x64xf32, #tpu.memory_space<vmem>> -> memref<1x64xf32, #tpu.memory_space<vmem>>
    %dma_wait3A_78 = tpu.memref_squeeze %dma_wait3A_77 : memref<1x64xf32, #tpu.memory_space<vmem>> -> memref<64xf32, #tpu.memory_space<vmem>>
    %dma_wait3A_79 = arith.constant 0 : i32
    %dma_wait3A_80 = tpu.memref_slice %arg4[%dma_wait3A_79] : memref<524288xf32, #tpu.memory_space<hbm>> -> memref<64xf32, #tpu.memory_space<hbm>>
    tpu.wait_dma2 semaphore(%arg19 : memref<!tpu.dma_semaphore, #tpu.memory_space<semaphore_mem>>) src(%dma_wait3A_80 : memref<64xf32, #tpu.memory_space<hbm>>) dst(%dma_wait3A_78 : memref<64xf32, #tpu.memory_space<vmem>>)
    %add3A_81 = arith.constant 0 : i32
    %add3A_82 = arith.addi %mul3A_2, %add3A_81 : i32
    %add3A_83 = arith.constant 0 : i32
    %add3A_84 = arith.addi %add3A_82, %add3A_83 : i32
    %add3A_85 = vector.broadcast %add3A_84 : i32 to vector<16xi32>
    %add3A_86 = arith.addi %add3A_85, %iota3A : vector<16xi32>
    %shift_right_logical3A = arith.constant 9 : i32
    %shift_right_logical3A_87 = vector.broadcast %shift_right_logical3A : i32 to vector<16xi32>
    %shift_right_logical3A_88 = arith.shrui %add3A_86, %shift_right_logical3A_87 : vector<16xi32>
    %and3A_89 = arith.constant 511 : i32
    %and3A_90 = vector.broadcast %and3A_89 : i32 to vector<16xi32>
    %and3A_91 = arith.andi %shift_right_logical3A_88, %and3A_90 : vector<16xi32>
    %and3A_92 = arith.constant 511 : i32
    %and3A_93 = vector.broadcast %and3A_92 : i32 to vector<16xi32>
    %and3A_94 = arith.andi %add3A_86, %and3A_93 : vector<16xi32>
    %convert_element_type3A = arith.sitofp %and3A_91 : vector<16xi32> to vector<16xf32>
    %get3A = arith.constant 0 : i32
    %get3A_95 = arith.index_cast %get3A : i32 to index
    %get3A_96 = arith.constant 0 : index
    %get3A_97 = tpu.vector_load %arg6[%get3A_95, %get3A_96] {strides = array<i32>} : memref<2x64xf32, #tpu.memory_space<vmem>>, vector<16xf32>,
    %add3A_98 = arith.addf %convert_element_type3A, %get3A_97 : vector<16xf32>
    %convert_element_type3A_99 = arith.sitofp %and3A_94 : vector<16xi32> to vector<16xf32>
    %get3A_100 = arith.constant 0 : i32
    %get3A_101 = arith.index_cast %get3A_100 : i32 to index
    %get3A_102 = arith.constant 0 : index
    %get3A_103 = tpu.vector_load %arg7[%get3A_101, %get3A_102] {strides = array<i32>} : memref<2x64xf32, #tpu.memory_space<vmem>>, vector<16xf32>,
    %add3A_104 = arith.addf %convert_element_type3A_99, %get3A_103 : vector<16xf32>
    %jit3A_105 = arith.constant 0.000000e+00 : f32
    %jit3A_106 = arith.constant 5.110000e+02 : f32
    %max3A = vector.broadcast %jit3A_105 : f32 to vector<16xf32>
    %max3A_107 = arith.maximumf %max3A, %add3A_98 : vector<16xf32>
    %min3A = vector.broadcast %jit3A_106 : f32 to vector<16xf32>
    %min3A_108 = arith.minimumf %min3A, %max3A_107 : vector<16xf32>
    %jit3A_109 = arith.constant 0.000000e+00 : f32
    %jit3A_110 = arith.constant 5.110000e+02 : f32
    %max3A_111 = vector.broadcast %jit3A_109 : f32 to vector<16xf32>
    %max3A_112 = arith.maximumf %max3A_111, %add3A_104 : vector<16xf32>
    %min3A_113 = vector.broadcast %jit3A_110 : f32 to vector<16xf32>
    %min3A_114 = arith.minimumf %min3A_113, %max3A_112 : vector<16xf32>
    %convert_element_type3A_115 = arith.fptosi %min3A_108 : vector<16xf32> to vector<16xi32>
    %min3A_116 = arith.constant 510 : i32
    %min3A_117 = vector.broadcast %min3A_116 : i32 to vector<16xi32>
    %min3A_118 = arith.minsi %convert_element_type3A_115, %min3A_117 : vector<16xi32>
    %convert_element_type3A_119 = arith.fptosi %min3A_114 : vector<16xf32> to vector<16xi32>
    %min3A_120 = arith.constant 510 : i32
    %min3A_121 = vector.broadcast %min3A_120 : i32 to vector<16xi32>
    %min3A_122 = arith.minsi %convert_element_type3A_119, %min3A_121 : vector<16xi32>
    %convert_element_type3A_123 = arith.sitofp %min3A_118 : vector<16xi32> to vector<16xf32>
    %sub3A_124 = arith.subf %min3A_108, %convert_element_type3A_123 : vector<16xf32>
    %swap3A = arith.constant 0 : i32
    %swap3A_125 = arith.index_cast %swap3A : i32 to index
    %swap3A_126 = arith.constant 0 : index
    %swap3A_127 = tpu.vector_load %arg8[%swap3A_125, %swap3A_126] {strides = array<i32>} : memref<2x80xf32, #tpu.memory_space<vmem>>, vector<16xf32>,
    tpu.vector_store %arg8[%swap3A_125, %swap3A_126], %sub3A_124 {strides = array<i32>} : memref<2x80xf32, #tpu.memory_space<vmem>>, vector<16xf32>,
    %convert_element_type3A_128 = arith.sitofp %min3A_122 : vector<16xi32> to vector<16xf32>
    %sub3A_129 = arith.subf %min3A_114, %convert_element_type3A_128 : vector<16xf32>
    %swap3A_130 = arith.constant 0 : i32
    %swap3A_131 = arith.index_cast %swap3A_130 : i32 to index
    %swap3A_132 = arith.constant 0 : index
    %swap3A_133 = tpu.vector_load %arg9[%swap3A_131, %swap3A_132] {strides = array<i32>} : memref<2x80xf32, #tpu.memory_space<vmem>>, vector<16xf32>,
    tpu.vector_store %arg9[%swap3A_131, %swap3A_132], %sub3A_129 {strides = array<i32>} : memref<2x80xf32, #tpu.memory_space<vmem>>, vector<16xf32>,
    %mul3A_134 = arith.constant 512 : i32
    %mul3A_135 = vector.broadcast %mul3A_134 : i32 to vector<16xi32>
    %mul3A_136 = arith.muli %min3A_118, %mul3A_135 : vector<16xi32>
    %add3A_137 = vector.broadcast %mul3A_20 : i32 to vector<16xi32>
    %add3A_138 = arith.addi %add3A_137, %mul3A_136 : vector<16xi32>
    %add3A_139 = arith.addi %add3A_138, %min3A_122 : vector<16xi32>
    %swap3A_140 = arith.constant 0 : i32
    %swap3A_141 = arith.index_cast %swap3A_140 : i32 to index
    %swap3A_142 = arith.constant 0 : index
    %swap3A_143 = tpu.vector_load %arg10[%swap3A_141, %swap3A_142] {strides = array<i32>} : memref<2x64xi32, #tpu.memory_space<vmem>>, vector<16xi32>,
    tpu.vector_store %arg10[%swap3A_141, %swap3A_142], %add3A_139 {strides = array<i32>} : memref<2x64xi32, #tpu.memory_space<vmem>>, vector<16xi32>,
    %add3A_144 = arith.constant 1 : i32
    %add3A_145 = vector.broadcast %add3A_144 : i32 to vector<16xi32>
    %add3A_146 = arith.addi %add3A_139, %add3A_145 : vector<16xi32>
    %swap3A_147 = arith.constant 0 : i32
    %swap3A_148 = arith.index_cast %swap3A_147 : i32 to index
    %swap3A_149 = arith.constant 0 : index
    %swap3A_150 = tpu.vector_load %arg11[%swap3A_148, %swap3A_149] {strides = array<i32>} : memref<2x64xi32, #tpu.memory_space<vmem>>, vector<16xi32>,
    tpu.vector_store %arg11[%swap3A_148, %swap3A_149], %add3A_146 {strides = array<i32>} : memref<2x64xi32, #tpu.memory_space<vmem>>, vector<16xi32>,
    %add3A_151 = arith.constant 512 : i32
    %add3A_152 = vector.broadcast %add3A_151 : i32 to vector<16xi32>
    %add3A_153 = arith.addi %add3A_139, %add3A_152 : vector<16xi32>
    %swap3A_154 = arith.constant 0 : i32
    %swap3A_155 = arith.index_cast %swap3A_154 : i32 to index
    %swap3A_156 = arith.constant 0 : index
    %swap3A_157 = tpu.vector_load %arg12[%swap3A_155, %swap3A_156] {strides = array<i32>} : memref<2x64xi32, #tpu.memory_space<vmem>>, vector<16xi32>,
    tpu.vector_store %arg12[%swap3A_155, %swap3A_156], %add3A_153 {strides = array<i32>} : memref<2x64xi32, #tpu.memory_space<vmem>>, vector<16xi32>,
    %add3A_158 = arith.constant 512 : i32
    %add3A_159 = vector.broadcast %add3A_158 : i32 to vector<16xi32>
    %add3A_160 = arith.addi %add3A_139, %add3A_159 : vector<16xi32>
    %add3A_161 = arith.constant 1 : i32
    %add3A_162 = vector.broadcast %add3A_161 : i32 to vector<16xi32>
    %add3A_163 = arith.addi %add3A_160, %add3A_162 : vector<16xi32>
    %swap3A_164 = arith.constant 0 : i32
    %swap3A_165 = arith.index_cast %swap3A_164 : i32 to index
    %swap3A_166 = arith.constant 0 : index
    %swap3A_167 = tpu.vector_load %arg13[%swap3A_165, %swap3A_166] {strides = array<i32>} : memref<2x64xi32, #tpu.memory_space<vmem>>, vector<16xi32>,
    tpu.vector_store %arg13[%swap3A_165, %swap3A_166], %add3A_163 {strides = array<i32>} : memref<2x64xi32, #tpu.memory_space<vmem>>, vector<16xi32>,
    %add3A_168 = arith.constant 16 : i32
    %add3A_169 = arith.addi %add3A_82, %add3A_168 : i32
    %add3A_170 = vector.broadcast %add3A_169 : i32 to vector<16xi32>
    %add3A_171 = arith.addi %add3A_170, %iota3A : vector<16xi32>
    %shift_right_logical3A_172 = arith.constant 9 : i32
    %shift_right_logical3A_173 = vector.broadcast %shift_right_logical3A_172 : i32 to vector<16xi32>
    %shift_right_logical3A_174 = arith.shrui %add3A_171, %shift_right_logical3A_173 : vector<16xi32>
    %and3A_175 = arith.constant 511 : i32
    %and3A_176 = vector.broadcast %and3A_175 : i32 to vector<16xi32>
    %and3A_177 = arith.andi %shift_right_logical3A_174, %and3A_176 : vector<16xi32>
    %and3A_178 = arith.constant 511 : i32
    %and3A_179 = vector.broadcast %and3A_178 : i32 to vector<16xi32>
    %and3A_180 = arith.andi %add3A_171, %and3A_179 : vector<16xi32>
    %convert_element_type3A_181 = arith.sitofp %and3A_177 : vector<16xi32> to vector<16xf32>
    %get3A_182 = arith.constant 0 : i32
    %get3A_183 = arith.index_cast %get3A_182 : i32 to index
    %get3A_184 = arith.constant 16 : index
    %get3A_185 = tpu.vector_load %arg6[%get3A_183, %get3A_184] {strides = array<i32>} : memref<2x64xf32, #tpu.memory_space<vmem>>, vector<16xf32>,
    %add3A_186 = arith.addf %convert_element_type3A_181, %get3A_185 : vector<16xf32>
    %convert_element_type3A_187 = arith.sitofp %and3A_180 : vector<16xi32> to vector<16xf32>
    %get3A_188 = arith.constant 0 : i32
    %get3A_189 = arith.index_cast %get3A_188 : i32 to index
    %get3A_190 = arith.constant 16 : index
    %get3A_191 = tpu.vector_load %arg7[%get3A_189, %get3A_190] {strides = array<i32>} : memref<2x64xf32, #tpu.memory_space<vmem>>, vector<16xf32>,
    %add3A_192 = arith.addf %convert_element_type3A_187, %get3A_191 : vector<16xf32>
    %jit3A_193 = arith.constant 0.000000e+00 : f32
    %jit3A_194 = arith.constant 5.110000e+02 : f32
    %max3A_195 = vector.broadcast %jit3A_193 : f32 to vector<16xf32>
    %max3A_196 = arith.maximumf %max3A_195, %add3A_186 : vector<16xf32>
    %min3A_197 = vector.broadcast %jit3A_194 : f32 to vector<16xf32>
    %min3A_198 = arith.minimumf %min3A_197, %max3A_196 : vector<16xf32>
    %jit3A_199 = arith.constant 0.000000e+00 : f32
    %jit3A_200 = arith.constant 5.110000e+02 : f32
    %max3A_201 = vector.broadcast %jit3A_199 : f32 to vector<16xf32>
    %max3A_202 = arith.maximumf %max3A_201, %add3A_192 : vector<16xf32>
    %min3A_203 = vector.broadcast %jit3A_200 : f32 to vector<16xf32>
    %min3A_204 = arith.minimumf %min3A_203, %max3A_202 : vector<16xf32>
    %convert_element_type3A_205 = arith.fptosi %min3A_198 : vector<16xf32> to vector<16xi32>
    %min3A_206 = arith.constant 510 : i32
    %min3A_207 = vector.broadcast %min3A_206 : i32 to vector<16xi32>
    %min3A_208 = arith.minsi %convert_element_type3A_205, %min3A_207 : vector<16xi32>
    %convert_element_type3A_209 = arith.fptosi %min3A_204 : vector<16xf32> to vector<16xi32>
    %min3A_210 = arith.constant 510 : i32
    %min3A_211 = vector.broadcast %min3A_210 : i32 to vector<16xi32>
    %min3A_212 = arith.minsi %convert_element_type3A_209, %min3A_211 : vector<16xi32>
    %convert_element_type3A_213 = arith.sitofp %min3A_208 : vector<16xi32> to vector<16xf32>
    %sub3A_214 = arith.subf %min3A_198, %convert_element_type3A_213 : vector<16xf32>
    %swap3A_215 = arith.constant 0 : i32
    %swap3A_216 = arith.index_cast %swap3A_215 : i32 to index
    %swap3A_217 = arith.constant 16 : index
    %swap3A_218 = tpu.vector_load %arg8[%swap3A_216, %swap3A_217] {strides = array<i32>} : memref<2x80xf32, #tpu.memory_space<vmem>>, vector<16xf32>,
    tpu.vector_store %arg8[%swap3A_216, %swap3A_217], %sub3A_214 {strides = array<i32>} : memref<2x80xf32, #tpu.memory_space<vmem>>, vector<16xf32>,
    %convert_element_type3A_219 = arith.sitofp %min3A_212 : vector<16xi32> to vector<16xf32>
    %sub3A_220 = arith.subf %min3A_204, %convert_element_type3A_219 : vector<16xf32>
    %swap3A_221 = arith.constant 0 : i32
    %swap3A_222 = arith.index_cast %swap3A_221 : i32 to index
    %swap3A_223 = arith.constant 16 : index
    %swap3A_224 = tpu.vector_load %arg9[%swap3A_222, %swap3A_223] {strides = array<i32>} : memref<2x80xf32, #tpu.memory_space<vmem>>, vector<16xf32>,
    tpu.vector_store %arg9[%swap3A_222, %swap3A_223], %sub3A_220 {strides = array<i32>} : memref<2x80xf32, #tpu.memory_space<vmem>>, vector<16xf32>,
    %mul3A_225 = arith.constant 512 : i32
    %mul3A_226 = vector.broadcast %mul3A_225 : i32 to vector<16xi32>
    %mul3A_227 = arith.muli %min3A_208, %mul3A_226 : vector<16xi32>
    %add3A_228 = vector.broadcast %mul3A_20 : i32 to vector<16xi32>
    %add3A_229 = arith.addi %add3A_228, %mul3A_227 : vector<16xi32>
    %add3A_230 = arith.addi %add3A_229, %min3A_212 : vector<16xi32>
    %swap3A_231 = arith.constant 0 : i32
    %swap3A_232 = arith.index_cast %swap3A_231 : i32 to index
    %swap3A_233 = arith.constant 16 : index
    %swap3A_234 = tpu.vector_load %arg10[%swap3A_232, %swap3A_233] {strides = array<i32>} : memref<2x64xi32, #tpu.memory_space<vmem>>, vector<16xi32>,
    tpu.vector_store %arg10[%swap3A_232, %swap3A_233], %add3A_230 {strides = array<i32>} : memref<2x64xi32, #tpu.memory_space<vmem>>, vector<16xi32>,
    %add3A_235 = arith.constant 1 : i32
    %add3A_236 = vector.broadcast %add3A_235 : i32 to vector<16xi32>
    %add3A_237 = arith.addi %add3A_230, %add3A_236 : vector<16xi32>
    %swap3A_238 = arith.constant 0 : i32
    %swap3A_239 = arith.index_cast %swap3A_238 : i32 to index
    %swap3A_240 = arith.constant 16 : index
    %swap3A_241 = tpu.vector_load %arg11[%swap3A_239, %swap3A_240] {strides = array<i32>} : memref<2x64xi32, #tpu.memory_space<vmem>>, vector<16xi32>,
    tpu.vector_store %arg11[%swap3A_239, %swap3A_240], %add3A_237 {strides = array<i32>} : memref<2x64xi32, #tpu.memory_space<vmem>>, vector<16xi32>,
    %add3A_242 = arith.constant 512 : i32
    %add3A_243 = vector.broadcast %add3A_242 : i32 to vector<16xi32>
    %add3A_244 = arith.addi %add3A_230, %add3A_243 : vector<16xi32>
    %swap3A_245 = arith.constant 0 : i32
    %swap3A_246 = arith.index_cast %swap3A_245 : i32 to index
    %swap3A_247 = arith.constant 16 : index
    %swap3A_248 = tpu.vector_load %arg12[%swap3A_246, %swap3A_247] {strides = array<i32>} : memref<2x64xi32, #tpu.memory_space<vmem>>, vector<16xi32>,
    tpu.vector_store %arg12[%swap3A_246, %swap3A_247], %add3A_244 {strides = array<i32>} : memref<2x64xi32, #tpu.memory_space<vmem>>, vector<16xi32>,
    %add3A_249 = arith.constant 512 : i32
    %add3A_250 = vector.broadcast %add3A_249 : i32 to vector<16xi32>
    %add3A_251 = arith.addi %add3A_230, %add3A_250 : vector<16xi32>
    %add3A_252 = arith.constant 1 : i32
    %add3A_253 = vector.broadcast %add3A_252 : i32 to vector<16xi32>
    %add3A_254 = arith.addi %add3A_251, %add3A_253 : vector<16xi32>
    %swap3A_255 = arith.constant 0 : i32
    %swap3A_256 = arith.index_cast %swap3A_255 : i32 to index
    %swap3A_257 = arith.constant 16 : index
    %swap3A_258 = tpu.vector_load %arg13[%swap3A_256, %swap3A_257] {strides = array<i32>} : memref<2x64xi32, #tpu.memory_space<vmem>>, vector<16xi32>,
    tpu.vector_store %arg13[%swap3A_256, %swap3A_257], %add3A_254 {strides = array<i32>} : memref<2x64xi32, #tpu.memory_space<vmem>>, vector<16xi32>,
    %add3A_259 = arith.constant 32 : i32
    %add3A_260 = arith.addi %add3A_82, %add3A_259 : i32
    %add3A_261 = vector.broadcast %add3A_260 : i32 to vector<16xi32>
    %add3A_262 = arith.addi %add3A_261, %iota3A : vector<16xi32>
    %shift_right_logical3A_263 = arith.constant 9 : i32
    %shift_right_logical3A_264 = vector.broadcast %shift_right_logical3A_263 : i32 to vector<16xi32>
    %shift_right_logical3A_265 = arith.shrui %add3A_262, %shift_right_logical3A_264 : vector<16xi32>
    %and3A_266 = arith.constant 511 : i32
    %and3A_267 = vector.broadcast %and3A_266 : i32 to vector<16xi32>
    %and3A_268 = arith.andi %shift_right_logical3A_265, %and3A_267 : vector<16xi32>
    %and3A_269 = arith.constant 511 : i32
    %and3A_270 = vector.broadcast %and3A_269 : i32 to vector<16xi32>
    %and3A_271 = arith.andi %add3A_262, %and3A_270 : vector<16xi32>
    %convert_element_type3A_272 = arith.sitofp %and3A_268 : vector<16xi32> to vector<16xf32>
    %get3A_273 = arith.constant 0 : i32
    %get3A_274 = arith.index_cast %get3A_273 : i32 to index
    %get3A_275 = arith.constant 32 : index
    %get3A_276 = tpu.vector_load %arg6[%get3A_274, %get3A_275] {strides = array<i32>} : memref<2x64xf32, #tpu.memory_space<vmem>>, vector<16xf32>,
    %add3A_277 = arith.addf %convert_element_type3A_272, %get3A_276 : vector<16xf32>
    %convert_element_type3A_278 = arith.sitofp %and3A_271 : vector<16xi32> to vector<16xf32>
    %get3A_279 = arith.constant 0 : i32
    %get3A_280 = arith.index_cast %get3A_279 : i32 to index
    %get3A_281 = arith.constant 32 : index
    %get3A_282 = tpu.vector_load %arg7[%get3A_280, %get3A_281] {strides = array<i32>} : memref<2x64xf32, #tpu.memory_space<vmem>>, vector<16xf32>,
    %add3A_283 = arith.addf %convert_element_type3A_278, %get3A_282 : vector<16xf32>
    %jit3A_284 = arith.constant 0.000000e+00 : f32
    %jit3A_285 = arith.constant 5.110000e+02 : f32
    %max3A_286 = vector.broadcast %jit3A_284 : f32 to vector<16xf32>
    %max3A_287 = arith.maximumf %max3A_286, %add3A_277 : vector<16xf32>
    %min3A_288 = vector.broadcast %jit3A_285 : f32 to vector<16xf32>
    %min3A_289 = arith.minimumf %min3A_288, %max3A_287 : vector<16xf32>
    %jit3A_290 = arith.constant 0.000000e+00 : f32
    %jit3A_291 = arith.constant 5.110000e+02 : f32
    %max3A_292 = vector.broadcast %jit3A_290 : f32 to vector<16xf32>
    %max3A_293 = arith.maximumf %max3A_292, %add3A_283 : vector<16xf32>
    %min3A_294 = vector.broadcast %jit3A_291 : f32 to vector<16xf32>
    %min3A_295 = arith.minimumf %min3A_294, %max3A_293 : vector<16xf32>
    %convert_element_type3A_296 = arith.fptosi %min3A_289 : vector<16xf32> to vector<16xi32>
    %min3A_297 = arith.constant 510 : i32
    %min3A_298 = vector.broadcast %min3A_297 : i32 to vector<16xi32>
    %min3A_299 = arith.minsi %convert_element_type3A_296, %min3A_298 : vector<16xi32>
    %convert_element_type3A_300 = arith.fptosi %min3A_295 : vector<16xf32> to vector<16xi32>
    %min3A_301 = arith.constant 510 : i32
    %min3A_302 = vector.broadcast %min3A_301 : i32 to vector<16xi32>
    %min3A_303 = arith.minsi %convert_element_type3A_300, %min3A_302 : vector<16xi32>
    %convert_element_type3A_304 = arith.sitofp %min3A_299 : vector<16xi32> to vector<16xf32>
    %sub3A_305 = arith.subf %min3A_289, %convert_element_type3A_304 : vector<16xf32>
    %swap3A_306 = arith.constant 0 : i32
    %swap3A_307 = arith.index_cast %swap3A_306 : i32 to index
    %swap3A_308 = arith.constant 32 : index
    %swap3A_309 = tpu.vector_load %arg8[%swap3A_307, %swap3A_308] {strides = array<i32>} : memref<2x80xf32, #tpu.memory_space<vmem>>, vector<16xf32>,
    tpu.vector_store %arg8[%swap3A_307, %swap3A_308], %sub3A_305 {strides = array<i32>} : memref<2x80xf32, #tpu.memory_space<vmem>>, vector<16xf32>,
    %convert_element_type3A_310 = arith.sitofp %min3A_303 : vector<16xi32> to vector<16xf32>
    %sub3A_311 = arith.subf %min3A_295, %convert_element_type3A_310 : vector<16xf32>
    %swap3A_312 = arith.constant 0 : i32
    %swap3A_313 = arith.index_cast %swap3A_312 : i32 to index
    %swap3A_314 = arith.constant 32 : index
    %swap3A_315 = tpu.vector_load %arg9[%swap3A_313, %swap3A_314] {strides = array<i32>} : memref<2x80xf32, #tpu.memory_space<vmem>>, vector<16xf32>,
    tpu.vector_store %arg9[%swap3A_313, %swap3A_314], %sub3A_311 {strides = array<i32>} : memref<2x80xf32, #tpu.memory_space<vmem>>, vector<16xf32>,
    %mul3A_316 = arith.constant 512 : i32
    %mul3A_317 = vector.broadcast %mul3A_316 : i32 to vector<16xi32>
    %mul3A_318 = arith.muli %min3A_299, %mul3A_317 : vector<16xi32>
    %add3A_319 = vector.broadcast %mul3A_20 : i32 to vector<16xi32>
    %add3A_320 = arith.addi %add3A_319, %mul3A_318 : vector<16xi32>
    %add3A_321 = arith.addi %add3A_320, %min3A_303 : vector<16xi32>
    %swap3A_322 = arith.constant 0 : i32
    %swap3A_323 = arith.index_cast %swap3A_322 : i32 to index
    %swap3A_324 = arith.constant 32 : index
    %swap3A_325 = tpu.vector_load %arg10[%swap3A_323, %swap3A_324] {strides = array<i32>} : memref<2x64xi32, #tpu.memory_space<vmem>>, vector<16xi32>,
    tpu.vector_store %arg10[%swap3A_323, %swap3A_324], %add3A_321 {strides = array<i32>} : memref<2x64xi32, #tpu.memory_space<vmem>>, vector<16xi32>,
    %add3A_326 = arith.constant 1 : i32
    %add3A_327 = vector.broadcast %add3A_326 : i32 to vector<16xi32>
    %add3A_328 = arith.addi %add3A_321, %add3A_327 : vector<16xi32>
    %swap3A_329 = arith.constant 0 : i32
    %swap3A_330 = arith.index_cast %swap3A_329 : i32 to index
    %swap3A_331 = arith.constant 32 : index
    %swap3A_332 = tpu.vector_load %arg11[%swap3A_330, %swap3A_331] {strides = array<i32>} : memref<2x64xi32, #tpu.memory_space<vmem>>, vector<16xi32>,
    tpu.vector_store %arg11[%swap3A_330, %swap3A_331], %add3A_328 {strides = array<i32>} : memref<2x64xi32, #tpu.memory_space<vmem>>, vector<16xi32>,
    %add3A_333 = arith.constant 512 : i32
    %add3A_334 = vector.broadcast %add3A_333 : i32 to vector<16xi32>
    %add3A_335 = arith.addi %add3A_321, %add3A_334 : vector<16xi32>
    %swap3A_336 = arith.constant 0 : i32
    %swap3A_337 = arith.index_cast %swap3A_336 : i32 to index
    %swap3A_338 = arith.constant 32 : index
    %swap3A_339 = tpu.vector_load %arg12[%swap3A_337, %swap3A_338] {strides = array<i32>} : memref<2x64xi32, #tpu.memory_space<vmem>>, vector<16xi32>,
    tpu.vector_store %arg12[%swap3A_337, %swap3A_338], %add3A_335 {strides = array<i32>} : memref<2x64xi32, #tpu.memory_space<vmem>>, vector<16xi32>,
    %add3A_340 = arith.constant 512 : i32
    %add3A_341 = vector.broadcast %add3A_340 : i32 to vector<16xi32>
    %add3A_342 = arith.addi %add3A_321, %add3A_341 : vector<16xi32>
    %add3A_343 = arith.constant 1 : i32
    %add3A_344 = vector.broadcast %add3A_343 : i32 to vector<16xi32>
    %add3A_345 = arith.addi %add3A_342, %add3A_344 : vector<16xi32>
    %swap3A_346 = arith.constant 0 : i32
    %swap3A_347 = arith.index_cast %swap3A_346 : i32 to index
    %swap3A_348 = arith.constant 32 : index
    %swap3A_349 = tpu.vector_load %arg13[%swap3A_347, %swap3A_348] {strides = array<i32>} : memref<2x64xi32, #tpu.memory_space<vmem>>, vector<16xi32>,
    tpu.vector_store %arg13[%swap3A_347, %swap3A_348], %add3A_345 {strides = array<i32>} : memref<2x64xi32, #tpu.memory_space<vmem>>, vector<16xi32>,
    %add3A_350 = arith.constant 48 : i32
    %add3A_351 = arith.addi %add3A_82, %add3A_350 : i32
    %add3A_352 = vector.broadcast %add3A_351 : i32 to vector<16xi32>
    %add3A_353 = arith.addi %add3A_352, %iota3A : vector<16xi32>
    %shift_right_logical3A_354 = arith.constant 9 : i32
    %shift_right_logical3A_355 = vector.broadcast %shift_right_logical3A_354 : i32 to vector<16xi32>
    %shift_right_logical3A_356 = arith.shrui %add3A_353, %shift_right_logical3A_355 : vector<16xi32>
    %and3A_357 = arith.constant 511 : i32
    %and3A_358 = vector.broadcast %and3A_357 : i32 to vector<16xi32>
    %and3A_359 = arith.andi %shift_right_logical3A_356, %and3A_358 : vector<16xi32>
    %and3A_360 = arith.constant 511 : i32
    %and3A_361 = vector.broadcast %and3A_360 : i32 to vector<16xi32>
    %and3A_362 = arith.andi %add3A_353, %and3A_361 : vector<16xi32>
    %convert_element_type3A_363 = arith.sitofp %and3A_359 : vector<16xi32> to vector<16xf32>
    %get3A_364 = arith.constant 0 : i32
    %get3A_365 = arith.index_cast %get3A_364 : i32 to index
    %get3A_366 = arith.constant 48 : index
    %get3A_367 = tpu.vector_load %arg6[%get3A_365, %get3A_366] {strides = array<i32>} : memref<2x64xf32, #tpu.memory_space<vmem>>, vector<16xf32>,
    %add3A_368 = arith.addf %convert_element_type3A_363, %get3A_367 : vector<16xf32>
    %convert_element_type3A_369 = arith.sitofp %and3A_362 : vector<16xi32> to vector<16xf32>
    %get3A_370 = arith.constant 0 : i32
    %get3A_371 = arith.index_cast %get3A_370 : i32 to index
    %get3A_372 = arith.constant 48 : index
    %get3A_373 = tpu.vector_load %arg7[%get3A_371, %get3A_372] {strides = array<i32>} : memref<2x64xf32, #tpu.memory_space<vmem>>, vector<16xf32>,
    %add3A_374 = arith.addf %convert_element_type3A_369, %get3A_373 : vector<16xf32>
    %jit3A_375 = arith.constant 0.000000e+00 : f32
    %jit3A_376 = arith.constant 5.110000e+02 : f32
    %max3A_377 = vector.broadcast %jit3A_375 : f32 to vector<16xf32>
    %max3A_378 = arith.maximumf %max3A_377, %add3A_368 : vector<16xf32>
    %min3A_379 = vector.broadcast %jit3A_376 : f32 to vector<16xf32>
    %min3A_380 = arith.minimumf %min3A_379, %max3A_378 : vector<16xf32>
    %jit3A_381 = arith.constant 0.000000e+00 : f32
    %jit3A_382 = arith.constant 5.110000e+02 : f32
    %max3A_383 = vector.broadcast %jit3A_381 : f32 to vector<16xf32>
    %max3A_384 = arith.maximumf %max3A_383, %add3A_374 : vector<16xf32>
    %min3A_385 = vector.broadcast %jit3A_382 : f32 to vector<16xf32>
    %min3A_386 = arith.minimumf %min3A_385, %max3A_384 : vector<16xf32>
    %convert_element_type3A_387 = arith.fptosi %min3A_380 : vector<16xf32> to vector<16xi32>
    %min3A_388 = arith.constant 510 : i32
    %min3A_389 = vector.broadcast %min3A_388 : i32 to vector<16xi32>
    %min3A_390 = arith.minsi %convert_element_type3A_387, %min3A_389 : vector<16xi32>
    %convert_element_type3A_391 = arith.fptosi %min3A_386 : vector<16xf32> to vector<16xi32>
    %min3A_392 = arith.constant 510 : i32
    %min3A_393 = vector.broadcast %min3A_392 : i32 to vector<16xi32>
    %min3A_394 = arith.minsi %convert_element_type3A_391, %min3A_393 : vector<16xi32>
    %convert_element_type3A_395 = arith.sitofp %min3A_390 : vector<16xi32> to vector<16xf32>
    %sub3A_396 = arith.subf %min3A_380, %convert_element_type3A_395 : vector<16xf32>
    %swap3A_397 = arith.constant 0 : i32
    %swap3A_398 = arith.index_cast %swap3A_397 : i32 to index
    %swap3A_399 = arith.constant 48 : index
    %swap3A_400 = tpu.vector_load %arg8[%swap3A_398, %swap3A_399] {strides = array<i32>} : memref<2x80xf32, #tpu.memory_space<vmem>>, vector<16xf32>,
    tpu.vector_store %arg8[%swap3A_398, %swap3A_399], %sub3A_396 {strides = array<i32>} : memref<2x80xf32, #tpu.memory_space<vmem>>, vector<16xf32>,
    %convert_element_type3A_401 = arith.sitofp %min3A_394 : vector<16xi32> to vector<16xf32>
    %sub3A_402 = arith.subf %min3A_386, %convert_element_type3A_401 : vector<16xf32>
    %swap3A_403 = arith.constant 0 : i32
    %swap3A_404 = arith.index_cast %swap3A_403 : i32 to index
    %swap3A_405 = arith.constant 48 : index
    %swap3A_406 = tpu.vector_load %arg9[%swap3A_404, %swap3A_405] {strides = array<i32>} : memref<2x80xf32, #tpu.memory_space<vmem>>, vector<16xf32>,
    tpu.vector_store %arg9[%swap3A_404, %swap3A_405], %sub3A_402 {strides = array<i32>} : memref<2x80xf32, #tpu.memory_space<vmem>>, vector<16xf32>,
    %mul3A_407 = arith.constant 512 : i32
    %mul3A_408 = vector.broadcast %mul3A_407 : i32 to vector<16xi32>
    %mul3A_409 = arith.muli %min3A_390, %mul3A_408 : vector<16xi32>
    %add3A_410 = vector.broadcast %mul3A_20 : i32 to vector<16xi32>
    %add3A_411 = arith.addi %add3A_410, %mul3A_409 : vector<16xi32>
    %add3A_412 = arith.addi %add3A_411, %min3A_394 : vector<16xi32>
    %swap3A_413 = arith.constant 0 : i32
    %swap3A_414 = arith.index_cast %swap3A_413 : i32 to index
    %swap3A_415 = arith.constant 48 : index
    %swap3A_416 = tpu.vector_load %arg10[%swap3A_414, %swap3A_415] {strides = array<i32>} : memref<2x64xi32, #tpu.memory_space<vmem>>, vector<16xi32>,
    tpu.vector_store %arg10[%swap3A_414, %swap3A_415], %add3A_412 {strides = array<i32>} : memref<2x64xi32, #tpu.memory_space<vmem>>, vector<16xi32>,
    %add3A_417 = arith.constant 1 : i32
    %add3A_418 = vector.broadcast %add3A_417 : i32 to vector<16xi32>
    %add3A_419 = arith.addi %add3A_412, %add3A_418 : vector<16xi32>
    %swap3A_420 = arith.constant 0 : i32
    %swap3A_421 = arith.index_cast %swap3A_420 : i32 to index
    %swap3A_422 = arith.constant 48 : index
    %swap3A_423 = tpu.vector_load %arg11[%swap3A_421, %swap3A_422] {strides = array<i32>} : memref<2x64xi32, #tpu.memory_space<vmem>>, vector<16xi32>,
    tpu.vector_store %arg11[%swap3A_421, %swap3A_422], %add3A_419 {strides = array<i32>} : memref<2x64xi32, #tpu.memory_space<vmem>>, vector<16xi32>,
    %add3A_424 = arith.constant 512 : i32
    %add3A_425 = vector.broadcast %add3A_424 : i32 to vector<16xi32>
    %add3A_426 = arith.addi %add3A_412, %add3A_425 : vector<16xi32>
    %swap3A_427 = arith.constant 0 : i32
    %swap3A_428 = arith.index_cast %swap3A_427 : i32 to index
    %swap3A_429 = arith.constant 48 : index
    %swap3A_430 = tpu.vector_load %arg12[%swap3A_428, %swap3A_429] {strides = array<i32>} : memref<2x64xi32, #tpu.memory_space<vmem>>, vector<16xi32>,
    tpu.vector_store %arg12[%swap3A_428, %swap3A_429], %add3A_426 {strides = array<i32>} : memref<2x64xi32, #tpu.memory_space<vmem>>, vector<16xi32>,
    %add3A_431 = arith.constant 512 : i32
    %add3A_432 = vector.broadcast %add3A_431 : i32 to vector<16xi32>
    %add3A_433 = arith.addi %add3A_412, %add3A_432 : vector<16xi32>
    %add3A_434 = arith.constant 1 : i32
    %add3A_435 = vector.broadcast %add3A_434 : i32 to vector<16xi32>
    %add3A_436 = arith.addi %add3A_433, %add3A_435 : vector<16xi32>
    %swap3A_437 = arith.constant 0 : i32
    %swap3A_438 = arith.index_cast %swap3A_437 : i32 to index
    %swap3A_439 = arith.constant 48 : index
    %swap3A_440 = tpu.vector_load %arg13[%swap3A_438, %swap3A_439] {strides = array<i32>} : memref<2x64xi32, #tpu.memory_space<vmem>>, vector<16xi32>,
    tpu.vector_store %arg13[%swap3A_438, %swap3A_439], %add3A_436 {strides = array<i32>} : memref<2x64xi32, #tpu.memory_space<vmem>>, vector<16xi32>,
    %dma_start3A_441 = arith.constant 0 : i32
    %dma_start3A_442 = arith.constant 0 : i32
    %dma_start3A_443 = arith.constant 0 : i32
    %dma_start3A_444 = arith.constant 0 : i32
    %dma_start3A_445 = tpu.memref_slice %arg14[%dma_start3A_442, %dma_start3A_443, %dma_start3A_444] : memref<2x64x128xf32, #tpu.memory_space<vmem>> -> memref<1x64x128xf32, #tpu.memory_space<vmem>>
    %dma_start3A_446 = tpu.memref_squeeze %dma_start3A_445 : memref<1x64x128xf32, #tpu.memory_space<vmem>> -> memref<64x128xf32, #tpu.memory_space<vmem>>
    %dma_start3A_447 = arith.constant 0 : i32
    %dma_start3A_448 = tpu.memref_slice %arg10[%dma_start3A_441, %dma_start3A_447] : memref<2x64xi32, #tpu.memory_space<vmem>> -> memref<1x64xi32, #tpu.memory_space<vmem>>
    %dma_start3A_449 = tpu.memref_squeeze %dma_start3A_448 : memref<1x64xi32, #tpu.memory_space<vmem>> -> memref<64xi32, #tpu.memory_space<vmem>>
    %dma_start3A_450 = arith.constant 0 : i32
    %dma_start3A_451 = arith.constant 0 : i32
    %dma_start3A_452 = tpu.memref_slice %arg2[%dma_start3A_450, %dma_start3A_451] : memref<524288x128xf32, #tpu.memory_space<hbm>> -> memref<524288x128xf32, #tpu.memory_space<hbm>>
    tpu.enqueue_indirect_dma source(%dma_start3A_452 : memref<524288x128xf32, #tpu.memory_space<hbm>>) target(%dma_start3A_446 : memref<64x128xf32, #tpu.memory_space<vmem>>) offsets(%dma_start3A_449 : memref<64xi32, #tpu.memory_space<vmem>>) semaphore(%arg21 : memref<!tpu.dma_semaphore, #tpu.memory_space<semaphore_mem>>)
    %dma_start3A_453 = arith.constant 0 : i32
    %dma_start3A_454 = arith.constant 0 : i32
    %dma_start3A_455 = arith.constant 0 : i32
    %dma_start3A_456 = arith.constant 0 : i32
    %dma_start3A_457 = tpu.memref_slice %arg15[%dma_start3A_454, %dma_start3A_455, %dma_start3A_456] : memref<2x64x128xf32, #tpu.memory_space<vmem>> -> memref<1x64x128xf32, #tpu.memory_space<vmem>>
    %dma_start3A_458 = tpu.memref_squeeze %dma_start3A_457 : memref<1x64x128xf32, #tpu.memory_space<vmem>> -> memref<64x128xf32, #tpu.memory_space<vmem>>
    %dma_start3A_459 = arith.constant 0 : i32
    %dma_start3A_460 = tpu.memref_slice %arg11[%dma_start3A_453, %dma_start3A_459] : memref<2x64xi32, #tpu.memory_space<vmem>> -> memref<1x64xi32, #tpu.memory_space<vmem>>
    %dma_start3A_461 = tpu.memref_squeeze %dma_start3A_460 : memref<1x64xi32, #tpu.memory_space<vmem>> -> memref<64xi32, #tpu.memory_space<vmem>>
    %dma_start3A_462 = arith.constant 0 : i32
    %dma_start3A_463 = arith.constant 0 : i32
    %dma_start3A_464 = tpu.memref_slice %arg2[%dma_start3A_462, %dma_start3A_463] : memref<524288x128xf32, #tpu.memory_space<hbm>> -> memref<524288x128xf32, #tpu.memory_space<hbm>>
    tpu.enqueue_indirect_dma source(%dma_start3A_464 : memref<524288x128xf32, #tpu.memory_space<hbm>>) target(%dma_start3A_458 : memref<64x128xf32, #tpu.memory_space<vmem>>) offsets(%dma_start3A_461 : memref<64xi32, #tpu.memory_space<vmem>>) semaphore(%arg21 : memref<!tpu.dma_semaphore, #tpu.memory_space<semaphore_mem>>)
    %dma_start3A_465 = arith.constant 0 : i32
    %dma_start3A_466 = arith.constant 0 : i32
    %dma_start3A_467 = arith.constant 0 : i32
    %dma_start3A_468 = arith.constant 0 : i32
    %dma_start3A_469 = tpu.memref_slice %arg16[%dma_start3A_466, %dma_start3A_467, %dma_start3A_468] : memref<2x64x128xf32, #tpu.memory_space<vmem>> -> memref<1x64x128xf32, #tpu.memory_space<vmem>>
    %dma_start3A_470 = tpu.memref_squeeze %dma_start3A_469 : memref<1x64x128xf32, #tpu.memory_space<vmem>> -> memref<64x128xf32, #tpu.memory_space<vmem>>
    %dma_start3A_471 = arith.constant 0 : i32
    %dma_start3A_472 = tpu.memref_slice %arg12[%dma_start3A_465, %dma_start3A_471] : memref<2x64xi32, #tpu.memory_space<vmem>> -> memref<1x64xi32, #tpu.memory_space<vmem>>
    %dma_start3A_473 = tpu.memref_squeeze %dma_start3A_472 : memref<1x64xi32, #tpu.memory_space<vmem>> -> memref<64xi32, #tpu.memory_space<vmem>>
    %dma_start3A_474 = arith.constant 0 : i32
    %dma_start3A_475 = arith.constant 0 : i32
    %dma_start3A_476 = tpu.memref_slice %arg2[%dma_start3A_474, %dma_start3A_475] : memref<524288x128xf32, #tpu.memory_space<hbm>> -> memref<524288x128xf32, #tpu.memory_space<hbm>>
    tpu.enqueue_indirect_dma source(%dma_start3A_476 : memref<524288x128xf32, #tpu.memory_space<hbm>>) target(%dma_start3A_470 : memref<64x128xf32, #tpu.memory_space<vmem>>) offsets(%dma_start3A_473 : memref<64xi32, #tpu.memory_space<vmem>>) semaphore(%arg21 : memref<!tpu.dma_semaphore, #tpu.memory_space<semaphore_mem>>)
    %dma_start3A_477 = arith.constant 0 : i32
    %dma_start3A_478 = arith.constant 0 : i32
    %dma_start3A_479 = arith.constant 0 : i32
    %dma_start3A_480 = arith.constant 0 : i32
    %dma_start3A_481 = tpu.memref_slice %arg17[%dma_start3A_478, %dma_start3A_479, %dma_start3A_480] : memref<2x64x128xf32, #tpu.memory_space<vmem>> -> memref<1x64x128xf32, #tpu.memory_space<vmem>>
    %dma_start3A_482 = tpu.memref_squeeze %dma_start3A_481 : memref<1x64x128xf32, #tpu.memory_space<vmem>> -> memref<64x128xf32, #tpu.memory_space<vmem>>
    %dma_start3A_483 = arith.constant 0 : i32
    %dma_start3A_484 = tpu.memref_slice %arg13[%dma_start3A_477, %dma_start3A_483] : memref<2x64xi32, #tpu.memory_space<vmem>> -> memref<1x64xi32, #tpu.memory_space<vmem>>
    %dma_start3A_485 = tpu.memref_squeeze %dma_start3A_484 : memref<1x64xi32, #tpu.memory_space<vmem>> -> memref<64xi32, #tpu.memory_space<vmem>>
    %dma_start3A_486 = arith.constant 0 : i32
    %dma_start3A_487 = arith.constant 0 : i32
    %dma_start3A_488 = tpu.memref_slice %arg2[%dma_start3A_486, %dma_start3A_487] : memref<524288x128xf32, #tpu.memory_space<hbm>> -> memref<524288x128xf32, #tpu.memory_space<hbm>>
    tpu.enqueue_indirect_dma source(%dma_start3A_488 : memref<524288x128xf32, #tpu.memory_space<hbm>>) target(%dma_start3A_482 : memref<64x128xf32, #tpu.memory_space<vmem>>) offsets(%dma_start3A_485 : memref<64xi32, #tpu.memory_space<vmem>>) semaphore(%arg21 : memref<!tpu.dma_semaphore, #tpu.memory_space<semaphore_mem>>)
    %scan3A = arith.constant 0 : i32
    %scan3A_489 = arith.constant 0 : i32
    %scan3A_490 = arith.constant 128 : i32
    %scan3A_491 = arith.addi %scan3A_489, %scan3A_490 : i32
    %scan3A_492 = arith.constant 1 : i32
    scf.for %scan3A_524 = %scan3A_489 to %scan3A_491 step %scan3A_492  : i32 {
      %mul3A_525 = arith.constant 2 : i32
      %mul3A_526 = arith.muli %mul3A_525, %scan3A_524 : i32
      %add3A_527 = arith.constant 1 : i32
      %add3A_528 = arith.addi %mul3A_526, %add3A_527 : i32
      %lt3A = arith.constant 127 : i32
      %lt3A_529 = arith.cmpi slt, %scan3A_524, %lt3A : i32
      %convert_element_type3A_530 = arith.extui %lt3A_529 : i1 to i32
      %cond3A = arith.constant 0 : i32
      %cond3A_531 = arith.cmpi ne, %convert_element_type3A_530, %cond3A : i32
      scf.if %cond3A_531 {
        %add3A_1123 = arith.constant 2 : i32
        %add3A_1124 = arith.addi %mul3A_526, %add3A_1123 : i32
        %mul3A_1125 = arith.constant 64 : i32
        %mul3A_1126 = arith.muli %add3A_1124, %mul3A_1125 : i32
        %add3A_1127 = arith.addi %mul3A_2, %mul3A_1126 : i32
        %dma_start3A_1128 = arith.constant 0 : i32
        %dma_start3A_1129 = arith.constant 0 : i32
        %dma_start3A_1130 = tpu.memref_slice %arg6[%dma_start3A_1128, %dma_start3A_1129] : memref<2x64xf32, #tpu.memory_space<vmem>> -> memref<1x64xf32, #tpu.memory_space<vmem>>
        %dma_start3A_1131 = tpu.memref_squeeze %dma_start3A_1130 : memref<1x64xf32, #tpu.memory_space<vmem>> -> memref<64xf32, #tpu.memory_space<vmem>>
        %dma_start3A_1132 = tpu.memref_slice %arg3[%add3A_1127] : memref<524288xf32, #tpu.memory_space<hbm>> -> memref<64xf32, #tpu.memory_space<hbm>>
        %dma_start3A_1133 = arith.constant 0 : i32
        %dma_start3A_1134 = tpu.memref_slice %arg6[%dma_start3A_1128, %dma_start3A_1133] : memref<2x64xf32, #tpu.memory_space<vmem>> -> memref<1x64xf32, #tpu.memory_space<vmem>>
        %dma_start3A_1135 = tpu.memref_squeeze %dma_start3A_1134 : memref<1x64xf32, #tpu.memory_space<vmem>> -> memref<64xf32, #tpu.memory_space<vmem>>
        %dma_start3A_1136 = tpu.memref_slice %arg3[%add3A_1127] : memref<524288xf32, #tpu.memory_space<hbm>> -> memref<64xf32, #tpu.memory_space<hbm>>
        tpu.enqueue_dma source(%dma_start3A_1136 : memref<64xf32, #tpu.memory_space<hbm>>) target(%dma_start3A_1135 : memref<64xf32, #tpu.memory_space<vmem>>) target_semaphore(%arg19 : memref<!tpu.dma_semaphore, #tpu.memory_space<semaphore_mem>>)
        %dma_start3A_1137 = arith.constant 0 : i32
        %dma_start3A_1138 = arith.constant 0 : i32
        %dma_start3A_1139 = tpu.memref_slice %arg7[%dma_start3A_1137, %dma_start3A_1138] : memref<2x64xf32, #tpu.memory_space<vmem>> -> memref<1x64xf32, #tpu.memory_space<vmem>>
        %dma_start3A_1140 = tpu.memref_squeeze %dma_start3A_1139 : memref<1x64xf32, #tpu.memory_space<vmem>> -> memref<64xf32, #tpu.memory_space<vmem>>
        %dma_start3A_1141 = tpu.memref_slice %arg4[%add3A_1127] : memref<524288xf32, #tpu.memory_space<hbm>> -> memref<64xf32, #tpu.memory_space<hbm>>
        %dma_start3A_1142 = arith.constant 0 : i32
        %dma_start3A_1143 = tpu.memref_slice %arg7[%dma_start3A_1137, %dma_start3A_1142] : memref<2x64xf32, #tpu.memory_space<vmem>> -> memref<1x64xf32, #tpu.memory_space<vmem>>
        %dma_start3A_1144 = tpu.memref_squeeze %dma_start3A_1143 : memref<1x64xf32, #tpu.memory_space<vmem>> -> memref<64xf32, #tpu.memory_space<vmem>>
        %dma_start3A_1145 = tpu.memref_slice %arg4[%add3A_1127] : memref<524288xf32, #tpu.memory_space<hbm>> -> memref<64xf32, #tpu.memory_space<hbm>>
        tpu.enqueue_dma source(%dma_start3A_1145 : memref<64xf32, #tpu.memory_space<hbm>>) target(%dma_start3A_1144 : memref<64xf32, #tpu.memory_space<vmem>>) target_semaphore(%arg19 : memref<!tpu.dma_semaphore, #tpu.memory_space<semaphore_mem>>)
      } else {
      }
      %dma_wait3A_532 = arith.constant 1 : i32
      %dma_wait3A_533 = arith.constant 0 : i32
      %dma_wait3A_534 = tpu.memref_slice %arg6[%dma_wait3A_532, %dma_wait3A_533] : memref<2x64xf32, #tpu.memory_space<vmem>> -> memref<1x64xf32, #tpu.memory_space<vmem>>
      %dma_wait3A_535 = tpu.memref_squeeze %dma_wait3A_534 : memref<1x64xf32, #tpu.memory_space<vmem>> -> memref<64xf32, #tpu.memory_space<vmem>>
      %dma_wait3A_536 = arith.constant 0 : i32
      %dma_wait3A_537 = tpu.memref_slice %arg3[%dma_wait3A_536] : memref<524288xf32, #tpu.memory_space<hbm>> -> memref<64xf32, #tpu.memory_space<hbm>>
      %dma_wait3A_538 = arith.constant 0 : i32
      %dma_wait3A_539 = tpu.memref_slice %arg6[%dma_wait3A_532, %dma_wait3A_538] : memref<2x64xf32, #tpu.memory_space<vmem>> -> memref<1x64xf32, #tpu.memory_space<vmem>>
      %dma_wait3A_540 = tpu.memref_squeeze %dma_wait3A_539 : memref<1x64xf32, #tpu.memory_space<vmem>> -> memref<64xf32, #tpu.memory_space<vmem>>
      %dma_wait3A_541 = arith.constant 0 : i32
      %dma_wait3A_542 = tpu.memref_slice %arg3[%dma_wait3A_541] : memref<524288xf32, #tpu.memory_space<hbm>> -> memref<64xf32, #tpu.memory_space<hbm>>
      tpu.wait_dma2 semaphore(%arg20 : memref<!tpu.dma_semaphore, #tpu.memory_space<semaphore_mem>>) src(%dma_wait3A_542 : memref<64xf32, #tpu.memory_space<hbm>>) dst(%dma_wait3A_540 : memref<64xf32, #tpu.memory_space<vmem>>)
      %dma_wait3A_543 = arith.constant 1 : i32
      %dma_wait3A_544 = arith.constant 0 : i32
      %dma_wait3A_545 = tpu.memref_slice %arg7[%dma_wait3A_543, %dma_wait3A_544] : memref<2x64xf32, #tpu.memory_space<vmem>> -> memref<1x64xf32, #tpu.memory_space<vmem>>
      %dma_wait3A_546 = tpu.memref_squeeze %dma_wait3A_545 : memref<1x64xf32, #tpu.memory_space<vmem>> -> memref<64xf32, #tpu.memory_space<vmem>>
      %dma_wait3A_547 = arith.constant 0 : i32
      %dma_wait3A_548 = tpu.memref_slice %arg4[%dma_wait3A_547] : memref<524288xf32, #tpu.memory_space<hbm>> -> memref<64xf32, #tpu.memory_space<hbm>>
      %dma_wait3A_549 = arith.constant 0 : i32
      %dma_wait3A_550 = tpu.memref_slice %arg7[%dma_wait3A_543, %dma_wait3A_549] : memref<2x64xf32, #tpu.memory_space<vmem>> -> memref<1x64xf32, #tpu.memory_space<vmem>>
      %dma_wait3A_551 = tpu.memref_squeeze %dma_wait3A_550 : memref<1x64xf32, #tpu.memory_space<vmem>> -> memref<64xf32, #tpu.memory_space<vmem>>
      %dma_wait3A_552 = arith.constant 0 : i32
      %dma_wait3A_553 = tpu.memref_slice %arg4[%dma_wait3A_552] : memref<524288xf32, #tpu.memory_space<hbm>> -> memref<64xf32, #tpu.memory_space<hbm>>
      tpu.wait_dma2 semaphore(%arg20 : memref<!tpu.dma_semaphore, #tpu.memory_space<semaphore_mem>>) src(%dma_wait3A_553 : memref<64xf32, #tpu.memory_space<hbm>>) dst(%dma_wait3A_551 : memref<64xf32, #tpu.memory_space<vmem>>)
      %mul3A_554 = arith.constant 64 : i32
      %mul3A_555 = arith.muli %add3A_528, %mul3A_554 : i32
      %add3A_556 = arith.addi %mul3A_2, %mul3A_555 : i32
      %add3A_557 = arith.constant 0 : i32
      %add3A_558 = arith.addi %add3A_556, %add3A_557 : i32
      %add3A_559 = vector.broadcast %add3A_558 : i32 to vector<16xi32>
      %add3A_560 = arith.addi %add3A_559, %iota3A : vector<16xi32>
      %shift_right_logical3A_561 = arith.constant 9 : i32
      %shift_right_logical3A_562 = vector.broadcast %shift_right_logical3A_561 : i32 to vector<16xi32>
      %shift_right_logical3A_563 = arith.shrui %add3A_560, %shift_right_logical3A_562 : vector<16xi32>
      %and3A_564 = arith.constant 511 : i32
      %and3A_565 = vector.broadcast %and3A_564 : i32 to vector<16xi32>
      %and3A_566 = arith.andi %shift_right_logical3A_563, %and3A_565 : vector<16xi32>
      %and3A_567 = arith.constant 511 : i32
      %and3A_568 = vector.broadcast %and3A_567 : i32 to vector<16xi32>
      %and3A_569 = arith.andi %add3A_560, %and3A_568 : vector<16xi32>
      %convert_element_type3A_570 = arith.sitofp %and3A_566 : vector<16xi32> to vector<16xf32>
      %get3A_571 = arith.constant 1 : i32
      %get3A_572 = arith.index_cast %get3A_571 : i32 to index
      %get3A_573 = arith.constant 0 : index
      %get3A_574 = tpu.vector_load %arg6[%get3A_572, %get3A_573] {strides = array<i32>} : memref<2x64xf32, #tpu.memory_space<vmem>>, vector<16xf32>,
      %add3A_575 = arith.addf %convert_element_type3A_570, %get3A_574 : vector<16xf32>
      %convert_element_type3A_576 = arith.sitofp %and3A_569 : vector<16xi32> to vector<16xf32>
      %get3A_577 = arith.constant 1 : i32
      %get3A_578 = arith.index_cast %get3A_577 : i32 to index
      %get3A_579 = arith.constant 0 : index
      %get3A_580 = tpu.vector_load %arg7[%get3A_578, %get3A_579] {strides = array<i32>} : memref<2x64xf32, #tpu.memory_space<vmem>>, vector<16xf32>,
      %add3A_581 = arith.addf %convert_element_type3A_576, %get3A_580 : vector<16xf32>
      %jit3A_582 = arith.constant 0.000000e+00 : f32
      %jit3A_583 = arith.constant 5.110000e+02 : f32
      %max3A_584 = vector.broadcast %jit3A_582 : f32 to vector<16xf32>
      %max3A_585 = arith.maximumf %max3A_584, %add3A_575 : vector<16xf32>
      %min3A_586 = vector.broadcast %jit3A_583 : f32 to vector<16xf32>
      %min3A_587 = arith.minimumf %min3A_586, %max3A_585 : vector<16xf32>
      %jit3A_588 = arith.constant 0.000000e+00 : f32
      %jit3A_589 = arith.constant 5.110000e+02 : f32
      %max3A_590 = vector.broadcast %jit3A_588 : f32 to vector<16xf32>
      %max3A_591 = arith.maximumf %max3A_590, %add3A_581 : vector<16xf32>
      %min3A_592 = vector.broadcast %jit3A_589 : f32 to vector<16xf32>
      %min3A_593 = arith.minimumf %min3A_592, %max3A_591 : vector<16xf32>
      %convert_element_type3A_594 = arith.fptosi %min3A_587 : vector<16xf32> to vector<16xi32>
      %min3A_595 = arith.constant 510 : i32
      %min3A_596 = vector.broadcast %min3A_595 : i32 to vector<16xi32>
      %min3A_597 = arith.minsi %convert_element_type3A_594, %min3A_596 : vector<16xi32>
      %convert_element_type3A_598 = arith.fptosi %min3A_593 : vector<16xf32> to vector<16xi32>
      %min3A_599 = arith.constant 510 : i32
      %min3A_600 = vector.broadcast %min3A_599 : i32 to vector<16xi32>
      %min3A_601 = arith.minsi %convert_element_type3A_598, %min3A_600 : vector<16xi32>
      %convert_element_type3A_602 = arith.sitofp %min3A_597 : vector<16xi32> to vector<16xf32>
      %sub3A_603 = arith.subf %min3A_587, %convert_element_type3A_602 : vector<16xf32>
      %swap3A_604 = arith.constant 1 : i32
      %swap3A_605 = arith.index_cast %swap3A_604 : i32 to index
      %swap3A_606 = arith.constant 0 : index
      %swap3A_607 = tpu.vector_load %arg8[%swap3A_605, %swap3A_606] {strides = array<i32>} : memref<2x80xf32, #tpu.memory_space<vmem>>, vector<16xf32>,
      tpu.vector_store %arg8[%swap3A_605, %swap3A_606], %sub3A_603 {strides = array<i32>} : memref<2x80xf32, #tpu.memory_space<vmem>>, vector<16xf32>,
      %convert_element_type3A_608 = arith.sitofp %min3A_601 : vector<16xi32> to vector<16xf32>
      %sub3A_609 = arith.subf %min3A_593, %convert_element_type3A_608 : vector<16xf32>
      %swap3A_610 = arith.constant 1 : i32
      %swap3A_611 = arith.index_cast %swap3A_610 : i32 to index
      %swap3A_612 = arith.constant 0 : index
      %swap3A_613 = tpu.vector_load %arg9[%swap3A_611, %swap3A_612] {strides = array<i32>} : memref<2x80xf32, #tpu.memory_space<vmem>>, vector<16xf32>,
      tpu.vector_store %arg9[%swap3A_611, %swap3A_612], %sub3A_609 {strides = array<i32>} : memref<2x80xf32, #tpu.memory_space<vmem>>, vector<16xf32>,
      %mul3A_614 = arith.constant 512 : i32
      %mul3A_615 = vector.broadcast %mul3A_614 : i32 to vector<16xi32>
      %mul3A_616 = arith.muli %min3A_597, %mul3A_615 : vector<16xi32>
      %add3A_617 = vector.broadcast %mul3A_20 : i32 to vector<16xi32>
      %add3A_618 = arith.addi %add3A_617, %mul3A_616 : vector<16xi32>
      %add3A_619 = arith.addi %add3A_618, %min3A_601 : vector<16xi32>
      %swap3A_620 = arith.constant 1 : i32
      %swap3A_621 = arith.index_cast %swap3A_620 : i32 to index
      %swap3A_622 = arith.constant 0 : index
      %swap3A_623 = tpu.vector_load %arg10[%swap3A_621, %swap3A_622] {strides = array<i32>} : memref<2x64xi32, #tpu.memory_space<vmem>>, vector<16xi32>,
      tpu.vector_store %arg10[%swap3A_621, %swap3A_622], %add3A_619 {strides = array<i32>} : memref<2x64xi32, #tpu.memory_space<vmem>>, vector<16xi32>,
      %add3A_624 = arith.constant 1 : i32
      %add3A_625 = vector.broadcast %add3A_624 : i32 to vector<16xi32>
      %add3A_626 = arith.addi %add3A_619, %add3A_625 : vector<16xi32>
      %swap3A_627 = arith.constant 1 : i32
      %swap3A_628 = arith.index_cast %swap3A_627 : i32 to index
      %swap3A_629 = arith.constant 0 : index
      %swap3A_630 = tpu.vector_load %arg11[%swap3A_628, %swap3A_629] {strides = array<i32>} : memref<2x64xi32, #tpu.memory_space<vmem>>, vector<16xi32>,
      tpu.vector_store %arg11[%swap3A_628, %swap3A_629], %add3A_626 {strides = array<i32>} : memref<2x64xi32, #tpu.memory_space<vmem>>, vector<16xi32>,
      %add3A_631 = arith.constant 512 : i32
      %add3A_632 = vector.broadcast %add3A_631 : i32 to vector<16xi32>
      %add3A_633 = arith.addi %add3A_619, %add3A_632 : vector<16xi32>
      %swap3A_634 = arith.constant 1 : i32
      %swap3A_635 = arith.index_cast %swap3A_634 : i32 to index
      %swap3A_636 = arith.constant 0 : index
      %swap3A_637 = tpu.vector_load %arg12[%swap3A_635, %swap3A_636] {strides = array<i32>} : memref<2x64xi32, #tpu.memory_space<vmem>>, vector<16xi32>,
      tpu.vector_store %arg12[%swap3A_635, %swap3A_636], %add3A_633 {strides = array<i32>} : memref<2x64xi32, #tpu.memory_space<vmem>>, vector<16xi32>,
      %add3A_638 = arith.constant 512 : i32
      %add3A_639 = vector.broadcast %add3A_638 : i32 to vector<16xi32>
      %add3A_640 = arith.addi %add3A_619, %add3A_639 : vector<16xi32>
      %add3A_641 = arith.constant 1 : i32
      %add3A_642 = vector.broadcast %add3A_641 : i32 to vector<16xi32>
      %add3A_643 = arith.addi %add3A_640, %add3A_642 : vector<16xi32>
      %swap3A_644 = arith.constant 1 : i32
      %swap3A_645 = arith.index_cast %swap3A_644 : i32 to index
      %swap3A_646 = arith.constant 0 : index
      %swap3A_647 = tpu.vector_load %arg13[%swap3A_645, %swap3A_646] {strides = array<i32>} : memref<2x64xi32, #tpu.memory_space<vmem>>, vector<16xi32>,
      tpu.vector_store %arg13[%swap3A_645, %swap3A_646], %add3A_643 {strides = array<i32>} : memref<2x64xi32, #tpu.memory_space<vmem>>, vector<16xi32>,
      %add3A_648 = arith.constant 16 : i32
      %add3A_649 = arith.addi %add3A_556, %add3A_648 : i32
      %add3A_650 = vector.broadcast %add3A_649 : i32 to vector<16xi32>
      %add3A_651 = arith.addi %add3A_650, %iota3A : vector<16xi32>
      %shift_right_logical3A_652 = arith.constant 9 : i32
      %shift_right_logical3A_653 = vector.broadcast %shift_right_logical3A_652 : i32 to vector<16xi32>
      %shift_right_logical3A_654 = arith.shrui %add3A_651, %shift_right_logical3A_653 : vector<16xi32>
      %and3A_655 = arith.constant 511 : i32
      %and3A_656 = vector.broadcast %and3A_655 : i32 to vector<16xi32>
      %and3A_657 = arith.andi %shift_right_logical3A_654, %and3A_656 : vector<16xi32>
      %and3A_658 = arith.constant 511 : i32
      %and3A_659 = vector.broadcast %and3A_658 : i32 to vector<16xi32>
      %and3A_660 = arith.andi %add3A_651, %and3A_659 : vector<16xi32>
      %convert_element_type3A_661 = arith.sitofp %and3A_657 : vector<16xi32> to vector<16xf32>
      %get3A_662 = arith.constant 1 : i32
      %get3A_663 = arith.index_cast %get3A_662 : i32 to index
      %get3A_664 = arith.constant 16 : index
      %get3A_665 = tpu.vector_load %arg6[%get3A_663, %get3A_664] {strides = array<i32>} : memref<2x64xf32, #tpu.memory_space<vmem>>, vector<16xf32>,
      %add3A_666 = arith.addf %convert_element_type3A_661, %get3A_665 : vector<16xf32>
      %convert_element_type3A_667 = arith.sitofp %and3A_660 : vector<16xi32> to vector<16xf32>
      %get3A_668 = arith.constant 1 : i32
      %get3A_669 = arith.index_cast %get3A_668 : i32 to index
      %get3A_670 = arith.constant 16 : index
      %get3A_671 = tpu.vector_load %arg7[%get3A_669, %get3A_670] {strides = array<i32>} : memref<2x64xf32, #tpu.memory_space<vmem>>, vector<16xf32>,
      %add3A_672 = arith.addf %convert_element_type3A_667, %get3A_671 : vector<16xf32>
      %jit3A_673 = arith.constant 0.000000e+00 : f32
      %jit3A_674 = arith.constant 5.110000e+02 : f32
      %max3A_675 = vector.broadcast %jit3A_673 : f32 to vector<16xf32>
      %max3A_676 = arith.maximumf %max3A_675, %add3A_666 : vector<16xf32>
      %min3A_677 = vector.broadcast %jit3A_674 : f32 to vector<16xf32>
      %min3A_678 = arith.minimumf %min3A_677, %max3A_676 : vector<16xf32>
      %jit3A_679 = arith.constant 0.000000e+00 : f32
      %jit3A_680 = arith.constant 5.110000e+02 : f32
      %max3A_681 = vector.broadcast %jit3A_679 : f32 to vector<16xf32>
      %max3A_682 = arith.maximumf %max3A_681, %add3A_672 : vector<16xf32>
      %min3A_683 = vector.broadcast %jit3A_680 : f32 to vector<16xf32>
      %min3A_684 = arith.minimumf %min3A_683, %max3A_682 : vector<16xf32>
      %convert_element_type3A_685 = arith.fptosi %min3A_678 : vector<16xf32> to vector<16xi32>
      %min3A_686 = arith.constant 510 : i32
      %min3A_687 = vector.broadcast %min3A_686 : i32 to vector<16xi32>
      %min3A_688 = arith.minsi %convert_element_type3A_685, %min3A_687 : vector<16xi32>
      %convert_element_type3A_689 = arith.fptosi %min3A_684 : vector<16xf32> to vector<16xi32>
      %min3A_690 = arith.constant 510 : i32
      %min3A_691 = vector.broadcast %min3A_690 : i32 to vector<16xi32>
      %min3A_692 = arith.minsi %convert_element_type3A_689, %min3A_691 : vector<16xi32>
      %convert_element_type3A_693 = arith.sitofp %min3A_688 : vector<16xi32> to vector<16xf32>
      %sub3A_694 = arith.subf %min3A_678, %convert_element_type3A_693 : vector<16xf32>
      %swap3A_695 = arith.constant 1 : i32
      %swap3A_696 = arith.index_cast %swap3A_695 : i32 to index
      %swap3A_697 = arith.constant 16 : index
      %swap3A_698 = tpu.vector_load %arg8[%swap3A_696, %swap3A_697] {strides = array<i32>} : memref<2x80xf32, #tpu.memory_space<vmem>>, vector<16xf32>,
      tpu.vector_store %arg8[%swap3A_696, %swap3A_697], %sub3A_694 {strides = array<i32>} : memref<2x80xf32, #tpu.memory_space<vmem>>, vector<16xf32>,
      %convert_element_type3A_699 = arith.sitofp %min3A_692 : vector<16xi32> to vector<16xf32>
      %sub3A_700 = arith.subf %min3A_684, %convert_element_type3A_699 : vector<16xf32>
      %swap3A_701 = arith.constant 1 : i32
      %swap3A_702 = arith.index_cast %swap3A_701 : i32 to index
      %swap3A_703 = arith.constant 16 : index
      %swap3A_704 = tpu.vector_load %arg9[%swap3A_702, %swap3A_703] {strides = array<i32>} : memref<2x80xf32, #tpu.memory_space<vmem>>, vector<16xf32>,
      tpu.vector_store %arg9[%swap3A_702, %swap3A_703], %sub3A_700 {strides = array<i32>} : memref<2x80xf32, #tpu.memory_space<vmem>>, vector<16xf32>,
      %mul3A_705 = arith.constant 512 : i32
      %mul3A_706 = vector.broadcast %mul3A_705 : i32 to vector<16xi32>
      %mul3A_707 = arith.muli %min3A_688, %mul3A_706 : vector<16xi32>
      %add3A_708 = vector.broadcast %mul3A_20 : i32 to vector<16xi32>
      %add3A_709 = arith.addi %add3A_708, %mul3A_707 : vector<16xi32>
      %add3A_710 = arith.addi %add3A_709, %min3A_692 : vector<16xi32>
      %swap3A_711 = arith.constant 1 : i32
      %swap3A_712 = arith.index_cast %swap3A_711 : i32 to index
      %swap3A_713 = arith.constant 16 : index
      %swap3A_714 = tpu.vector_load %arg10[%swap3A_712, %swap3A_713] {strides = array<i32>} : memref<2x64xi32, #tpu.memory_space<vmem>>, vector<16xi32>,
      tpu.vector_store %arg10[%swap3A_712, %swap3A_713], %add3A_710 {strides = array<i32>} : memref<2x64xi32, #tpu.memory_space<vmem>>, vector<16xi32>,
      %add3A_715 = arith.constant 1 : i32
      %add3A_716 = vector.broadcast %add3A_715 : i32 to vector<16xi32>
      %add3A_717 = arith.addi %add3A_710, %add3A_716 : vector<16xi32>
      %swap3A_718 = arith.constant 1 : i32
      %swap3A_719 = arith.index_cast %swap3A_718 : i32 to index
      %swap3A_720 = arith.constant 16 : index
      %swap3A_721 = tpu.vector_load %arg11[%swap3A_719, %swap3A_720] {strides = array<i32>} : memref<2x64xi32, #tpu.memory_space<vmem>>, vector<16xi32>,
      tpu.vector_store %arg11[%swap3A_719, %swap3A_720], %add3A_717 {strides = array<i32>} : memref<2x64xi32, #tpu.memory_space<vmem>>, vector<16xi32>,
      %add3A_722 = arith.constant 512 : i32
      %add3A_723 = vector.broadcast %add3A_722 : i32 to vector<16xi32>
      %add3A_724 = arith.addi %add3A_710, %add3A_723 : vector<16xi32>
      %swap3A_725 = arith.constant 1 : i32
      %swap3A_726 = arith.index_cast %swap3A_725 : i32 to index
      %swap3A_727 = arith.constant 16 : index
      %swap3A_728 = tpu.vector_load %arg12[%swap3A_726, %swap3A_727] {strides = array<i32>} : memref<2x64xi32, #tpu.memory_space<vmem>>, vector<16xi32>,
      tpu.vector_store %arg12[%swap3A_726, %swap3A_727], %add3A_724 {strides = array<i32>} : memref<2x64xi32, #tpu.memory_space<vmem>>, vector<16xi32>,
      %add3A_729 = arith.constant 512 : i32
      %add3A_730 = vector.broadcast %add3A_729 : i32 to vector<16xi32>
      %add3A_731 = arith.addi %add3A_710, %add3A_730 : vector<16xi32>
      %add3A_732 = arith.constant 1 : i32
      %add3A_733 = vector.broadcast %add3A_732 : i32 to vector<16xi32>
      %add3A_734 = arith.addi %add3A_731, %add3A_733 : vector<16xi32>
      %swap3A_735 = arith.constant 1 : i32
      %swap3A_736 = arith.index_cast %swap3A_735 : i32 to index
      %swap3A_737 = arith.constant 16 : index
      %swap3A_738 = tpu.vector_load %arg13[%swap3A_736, %swap3A_737] {strides = array<i32>} : memref<2x64xi32, #tpu.memory_space<vmem>>, vector<16xi32>,
      tpu.vector_store %arg13[%swap3A_736, %swap3A_737], %add3A_734 {strides = array<i32>} : memref<2x64xi32, #tpu.memory_space<vmem>>, vector<16xi32>,
      %add3A_739 = arith.constant 32 : i32
      %add3A_740 = arith.addi %add3A_556, %add3A_739 : i32
      %add3A_741 = vector.broadcast %add3A_740 : i32 to vector<16xi32>
      %add3A_742 = arith.addi %add3A_741, %iota3A : vector<16xi32>
      %shift_right_logical3A_743 = arith.constant 9 : i32
      %shift_right_logical3A_744 = vector.broadcast %shift_right_logical3A_743 : i32 to vector<16xi32>
      %shift_right_logical3A_745 = arith.shrui %add3A_742, %shift_right_logical3A_744 : vector<16xi32>
      %and3A_746 = arith.constant 511 : i32
      %and3A_747 = vector.broadcast %and3A_746 : i32 to vector<16xi32>
      %and3A_748 = arith.andi %shift_right_logical3A_745, %and3A_747 : vector<16xi32>
      %and3A_749 = arith.constant 511 : i32
      %and3A_750 = vector.broadcast %and3A_749 : i32 to vector<16xi32>
      %and3A_751 = arith.andi %add3A_742, %and3A_750 : vector<16xi32>
      %convert_element_type3A_752 = arith.sitofp %and3A_748 : vector<16xi32> to vector<16xf32>
      %get3A_753 = arith.constant 1 : i32
      %get3A_754 = arith.index_cast %get3A_753 : i32 to index
      %get3A_755 = arith.constant 32 : index
      %get3A_756 = tpu.vector_load %arg6[%get3A_754, %get3A_755] {strides = array<i32>} : memref<2x64xf32, #tpu.memory_space<vmem>>, vector<16xf32>,
      %add3A_757 = arith.addf %convert_element_type3A_752, %get3A_756 : vector<16xf32>
      %convert_element_type3A_758 = arith.sitofp %and3A_751 : vector<16xi32> to vector<16xf32>
      %get3A_759 = arith.constant 1 : i32
      %get3A_760 = arith.index_cast %get3A_759 : i32 to index
      %get3A_761 = arith.constant 32 : index
      %get3A_762 = tpu.vector_load %arg7[%get3A_760, %get3A_761] {strides = array<i32>} : memref<2x64xf32, #tpu.memory_space<vmem>>, vector<16xf32>,
      %add3A_763 = arith.addf %convert_element_type3A_758, %get3A_762 : vector<16xf32>
      %jit3A_764 = arith.constant 0.000000e+00 : f32
      %jit3A_765 = arith.constant 5.110000e+02 : f32
      %max3A_766 = vector.broadcast %jit3A_764 : f32 to vector<16xf32>
      %max3A_767 = arith.maximumf %max3A_766, %add3A_757 : vector<16xf32>
      %min3A_768 = vector.broadcast %jit3A_765 : f32 to vector<16xf32>
      %min3A_769 = arith.minimumf %min3A_768, %max3A_767 : vector<16xf32>
      %jit3A_770 = arith.constant 0.000000e+00 : f32
      %jit3A_771 = arith.constant 5.110000e+02 : f32
      %max3A_772 = vector.broadcast %jit3A_770 : f32 to vector<16xf32>
      %max3A_773 = arith.maximumf %max3A_772, %add3A_763 : vector<16xf32>
      %min3A_774 = vector.broadcast %jit3A_771 : f32 to vector<16xf32>
      %min3A_775 = arith.minimumf %min3A_774, %max3A_773 : vector<16xf32>
      %convert_element_type3A_776 = arith.fptosi %min3A_769 : vector<16xf32> to vector<16xi32>
      %min3A_777 = arith.constant 510 : i32
      %min3A_778 = vector.broadcast %min3A_777 : i32 to vector<16xi32>
      %min3A_779 = arith.minsi %convert_element_type3A_776, %min3A_778 : vector<16xi32>
      %convert_element_type3A_780 = arith.fptosi %min3A_775 : vector<16xf32> to vector<16xi32>
      %min3A_781 = arith.constant 510 : i32
      %min3A_782 = vector.broadcast %min3A_781 : i32 to vector<16xi32>
      %min3A_783 = arith.minsi %convert_element_type3A_780, %min3A_782 : vector<16xi32>
      %convert_element_type3A_784 = arith.sitofp %min3A_779 : vector<16xi32> to vector<16xf32>
      %sub3A_785 = arith.subf %min3A_769, %convert_element_type3A_784 : vector<16xf32>
      %swap3A_786 = arith.constant 1 : i32
      %swap3A_787 = arith.index_cast %swap3A_786 : i32 to index
      %swap3A_788 = arith.constant 32 : index
      %swap3A_789 = tpu.vector_load %arg8[%swap3A_787, %swap3A_788] {strides = array<i32>} : memref<2x80xf32, #tpu.memory_space<vmem>>, vector<16xf32>,
      tpu.vector_store %arg8[%swap3A_787, %swap3A_788], %sub3A_785 {strides = array<i32>} : memref<2x80xf32, #tpu.memory_space<vmem>>, vector<16xf32>,
      %convert_element_type3A_790 = arith.sitofp %min3A_783 : vector<16xi32> to vector<16xf32>
      %sub3A_791 = arith.subf %min3A_775, %convert_element_type3A_790 : vector<16xf32>
      %swap3A_792 = arith.constant 1 : i32
      %swap3A_793 = arith.index_cast %swap3A_792 : i32 to index
      %swap3A_794 = arith.constant 32 : index
      %swap3A_795 = tpu.vector_load %arg9[%swap3A_793, %swap3A_794] {strides = array<i32>} : memref<2x80xf32, #tpu.memory_space<vmem>>, vector<16xf32>,
      tpu.vector_store %arg9[%swap3A_793, %swap3A_794], %sub3A_791 {strides = array<i32>} : memref<2x80xf32, #tpu.memory_space<vmem>>, vector<16xf32>,
      %mul3A_796 = arith.constant 512 : i32
      %mul3A_797 = vector.broadcast %mul3A_796 : i32 to vector<16xi32>
      %mul3A_798 = arith.muli %min3A_779, %mul3A_797 : vector<16xi32>
      %add3A_799 = vector.broadcast %mul3A_20 : i32 to vector<16xi32>
      %add3A_800 = arith.addi %add3A_799, %mul3A_798 : vector<16xi32>
      %add3A_801 = arith.addi %add3A_800, %min3A_783 : vector<16xi32>
      %swap3A_802 = arith.constant 1 : i32
      %swap3A_803 = arith.index_cast %swap3A_802 : i32 to index
      %swap3A_804 = arith.constant 32 : index
      %swap3A_805 = tpu.vector_load %arg10[%swap3A_803, %swap3A_804] {strides = array<i32>} : memref<2x64xi32, #tpu.memory_space<vmem>>, vector<16xi32>,
      tpu.vector_store %arg10[%swap3A_803, %swap3A_804], %add3A_801 {strides = array<i32>} : memref<2x64xi32, #tpu.memory_space<vmem>>, vector<16xi32>,
      %add3A_806 = arith.constant 1 : i32
      %add3A_807 = vector.broadcast %add3A_806 : i32 to vector<16xi32>
      %add3A_808 = arith.addi %add3A_801, %add3A_807 : vector<16xi32>
      %swap3A_809 = arith.constant 1 : i32
      %swap3A_810 = arith.index_cast %swap3A_809 : i32 to index
      %swap3A_811 = arith.constant 32 : index
      %swap3A_812 = tpu.vector_load %arg11[%swap3A_810, %swap3A_811] {strides = array<i32>} : memref<2x64xi32, #tpu.memory_space<vmem>>, vector<16xi32>,
      tpu.vector_store %arg11[%swap3A_810, %swap3A_811], %add3A_808 {strides = array<i32>} : memref<2x64xi32, #tpu.memory_space<vmem>>, vector<16xi32>,
      %add3A_813 = arith.constant 512 : i32
      %add3A_814 = vector.broadcast %add3A_813 : i32 to vector<16xi32>
      %add3A_815 = arith.addi %add3A_801, %add3A_814 : vector<16xi32>
      %swap3A_816 = arith.constant 1 : i32
      %swap3A_817 = arith.index_cast %swap3A_816 : i32 to index
      %swap3A_818 = arith.constant 32 : index
      %swap3A_819 = tpu.vector_load %arg12[%swap3A_817, %swap3A_818] {strides = array<i32>} : memref<2x64xi32, #tpu.memory_space<vmem>>, vector<16xi32>,
      tpu.vector_store %arg12[%swap3A_817, %swap3A_818], %add3A_815 {strides = array<i32>} : memref<2x64xi32, #tpu.memory_space<vmem>>, vector<16xi32>,
      %add3A_820 = arith.constant 512 : i32
      %add3A_821 = vector.broadcast %add3A_820 : i32 to vector<16xi32>
      %add3A_822 = arith.addi %add3A_801, %add3A_821 : vector<16xi32>
      %add3A_823 = arith.constant 1 : i32
      %add3A_824 = vector.broadcast %add3A_823 : i32 to vector<16xi32>
      %add3A_825 = arith.addi %add3A_822, %add3A_824 : vector<16xi32>
      %swap3A_826 = arith.constant 1 : i32
      %swap3A_827 = arith.index_cast %swap3A_826 : i32 to index
      %swap3A_828 = arith.constant 32 : index
      %swap3A_829 = tpu.vector_load %arg13[%swap3A_827, %swap3A_828] {strides = array<i32>} : memref<2x64xi32, #tpu.memory_space<vmem>>, vector<16xi32>,
      tpu.vector_store %arg13[%swap3A_827, %swap3A_828], %add3A_825 {strides = array<i32>} : memref<2x64xi32, #tpu.memory_space<vmem>>, vector<16xi32>,
      %add3A_830 = arith.constant 48 : i32
      %add3A_831 = arith.addi %add3A_556, %add3A_830 : i32
      %add3A_832 = vector.broadcast %add3A_831 : i32 to vector<16xi32>
      %add3A_833 = arith.addi %add3A_832, %iota3A : vector<16xi32>
      %shift_right_logical3A_834 = arith.constant 9 : i32
      %shift_right_logical3A_835 = vector.broadcast %shift_right_logical3A_834 : i32 to vector<16xi32>
      %shift_right_logical3A_836 = arith.shrui %add3A_833, %shift_right_logical3A_835 : vector<16xi32>
      %and3A_837 = arith.constant 511 : i32
      %and3A_838 = vector.broadcast %and3A_837 : i32 to vector<16xi32>
      %and3A_839 = arith.andi %shift_right_logical3A_836, %and3A_838 : vector<16xi32>
      %and3A_840 = arith.constant 511 : i32
      %and3A_841 = vector.broadcast %and3A_840 : i32 to vector<16xi32>
      %and3A_842 = arith.andi %add3A_833, %and3A_841 : vector<16xi32>
      %convert_element_type3A_843 = arith.sitofp %and3A_839 : vector<16xi32> to vector<16xf32>
      %get3A_844 = arith.constant 1 : i32
      %get3A_845 = arith.index_cast %get3A_844 : i32 to index
      %get3A_846 = arith.constant 48 : index
      %get3A_847 = tpu.vector_load %arg6[%get3A_845, %get3A_846] {strides = array<i32>} : memref<2x64xf32, #tpu.memory_space<vmem>>, vector<16xf32>,
      %add3A_848 = arith.addf %convert_element_type3A_843, %get3A_847 : vector<16xf32>
      %convert_element_type3A_849 = arith.sitofp %and3A_842 : vector<16xi32> to vector<16xf32>
      %get3A_850 = arith.constant 1 : i32
      %get3A_851 = arith.index_cast %get3A_850 : i32 to index
      %get3A_852 = arith.constant 48 : index
      %get3A_853 = tpu.vector_load %arg7[%get3A_851, %get3A_852] {strides = array<i32>} : memref<2x64xf32, #tpu.memory_space<vmem>>, vector<16xf32>,
      %add3A_854 = arith.addf %convert_element_type3A_849, %get3A_853 : vector<16xf32>
      %jit3A_855 = arith.constant 0.000000e+00 : f32
      %jit3A_856 = arith.constant 5.110000e+02 : f32
      %max3A_857 = vector.broadcast %jit3A_855 : f32 to vector<16xf32>
      %max3A_858 = arith.maximumf %max3A_857, %add3A_848 : vector<16xf32>
      %min3A_859 = vector.broadcast %jit3A_856 : f32 to vector<16xf32>
      %min3A_860 = arith.minimumf %min3A_859, %max3A_858 : vector<16xf32>
      %jit3A_861 = arith.constant 0.000000e+00 : f32
      %jit3A_862 = arith.constant 5.110000e+02 : f32
      %max3A_863 = vector.broadcast %jit3A_861 : f32 to vector<16xf32>
      %max3A_864 = arith.maximumf %max3A_863, %add3A_854 : vector<16xf32>
      %min3A_865 = vector.broadcast %jit3A_862 : f32 to vector<16xf32>
      %min3A_866 = arith.minimumf %min3A_865, %max3A_864 : vector<16xf32>
      %convert_element_type3A_867 = arith.fptosi %min3A_860 : vector<16xf32> to vector<16xi32>
      %min3A_868 = arith.constant 510 : i32
      %min3A_869 = vector.broadcast %min3A_868 : i32 to vector<16xi32>
      %min3A_870 = arith.minsi %convert_element_type3A_867, %min3A_869 : vector<16xi32>
      %convert_element_type3A_871 = arith.fptosi %min3A_866 : vector<16xf32> to vector<16xi32>
      %min3A_872 = arith.constant 510 : i32
      %min3A_873 = vector.broadcast %min3A_872 : i32 to vector<16xi32>
      %min3A_874 = arith.minsi %convert_element_type3A_871, %min3A_873 : vector<16xi32>
      %convert_element_type3A_875 = arith.sitofp %min3A_870 : vector<16xi32> to vector<16xf32>
      %sub3A_876 = arith.subf %min3A_860, %convert_element_type3A_875 : vector<16xf32>
      %swap3A_877 = arith.constant 1 : i32
      %swap3A_878 = arith.index_cast %swap3A_877 : i32 to index
      %swap3A_879 = arith.constant 48 : index
      %swap3A_880 = tpu.vector_load %arg8[%swap3A_878, %swap3A_879] {strides = array<i32>} : memref<2x80xf32, #tpu.memory_space<vmem>>, vector<16xf32>,
      tpu.vector_store %arg8[%swap3A_878, %swap3A_879], %sub3A_876 {strides = array<i32>} : memref<2x80xf32, #tpu.memory_space<vmem>>, vector<16xf32>,
      %convert_element_type3A_881 = arith.sitofp %min3A_874 : vector<16xi32> to vector<16xf32>
      %sub3A_882 = arith.subf %min3A_866, %convert_element_type3A_881 : vector<16xf32>
      %swap3A_883 = arith.constant 1 : i32
      %swap3A_884 = arith.index_cast %swap3A_883 : i32 to index
      %swap3A_885 = arith.constant 48 : index
      %swap3A_886 = tpu.vector_load %arg9[%swap3A_884, %swap3A_885] {strides = array<i32>} : memref<2x80xf32, #tpu.memory_space<vmem>>, vector<16xf32>,
      tpu.vector_store %arg9[%swap3A_884, %swap3A_885], %sub3A_882 {strides = array<i32>} : memref<2x80xf32, #tpu.memory_space<vmem>>, vector<16xf32>,
      %mul3A_887 = arith.constant 512 : i32
      %mul3A_888 = vector.broadcast %mul3A_887 : i32 to vector<16xi32>
      %mul3A_889 = arith.muli %min3A_870, %mul3A_888 : vector<16xi32>
      %add3A_890 = vector.broadcast %mul3A_20 : i32 to vector<16xi32>
      %add3A_891 = arith.addi %add3A_890, %mul3A_889 : vector<16xi32>
      %add3A_892 = arith.addi %add3A_891, %min3A_874 : vector<16xi32>
      %swap3A_893 = arith.constant 1 : i32
      %swap3A_894 = arith.index_cast %swap3A_893 : i32 to index
      %swap3A_895 = arith.constant 48 : index
      %swap3A_896 = tpu.vector_load %arg10[%swap3A_894, %swap3A_895] {strides = array<i32>} : memref<2x64xi32, #tpu.memory_space<vmem>>, vector<16xi32>,
      tpu.vector_store %arg10[%swap3A_894, %swap3A_895], %add3A_892 {strides = array<i32>} : memref<2x64xi32, #tpu.memory_space<vmem>>, vector<16xi32>,
      %add3A_897 = arith.constant 1 : i32
      %add3A_898 = vector.broadcast %add3A_897 : i32 to vector<16xi32>
      %add3A_899 = arith.addi %add3A_892, %add3A_898 : vector<16xi32>
      %swap3A_900 = arith.constant 1 : i32
      %swap3A_901 = arith.index_cast %swap3A_900 : i32 to index
      %swap3A_902 = arith.constant 48 : index
      %swap3A_903 = tpu.vector_load %arg11[%swap3A_901, %swap3A_902] {strides = array<i32>} : memref<2x64xi32, #tpu.memory_space<vmem>>, vector<16xi32>,
      tpu.vector_store %arg11[%swap3A_901, %swap3A_902], %add3A_899 {strides = array<i32>} : memref<2x64xi32, #tpu.memory_space<vmem>>, vector<16xi32>,
      %add3A_904 = arith.constant 512 : i32
      %add3A_905 = vector.broadcast %add3A_904 : i32 to vector<16xi32>
      %add3A_906 = arith.addi %add3A_892, %add3A_905 : vector<16xi32>
      %swap3A_907 = arith.constant 1 : i32
      %swap3A_908 = arith.index_cast %swap3A_907 : i32 to index
      %swap3A_909 = arith.constant 48 : index
      %swap3A_910 = tpu.vector_load %arg12[%swap3A_908, %swap3A_909] {strides = array<i32>} : memref<2x64xi32, #tpu.memory_space<vmem>>, vector<16xi32>,
      tpu.vector_store %arg12[%swap3A_908, %swap3A_909], %add3A_906 {strides = array<i32>} : memref<2x64xi32, #tpu.memory_space<vmem>>, vector<16xi32>,
      %add3A_911 = arith.constant 512 : i32
      %add3A_912 = vector.broadcast %add3A_911 : i32 to vector<16xi32>
      %add3A_913 = arith.addi %add3A_892, %add3A_912 : vector<16xi32>
      %add3A_914 = arith.constant 1 : i32
      %add3A_915 = vector.broadcast %add3A_914 : i32 to vector<16xi32>
      %add3A_916 = arith.addi %add3A_913, %add3A_915 : vector<16xi32>
      %swap3A_917 = arith.constant 1 : i32
      %swap3A_918 = arith.index_cast %swap3A_917 : i32 to index
      %swap3A_919 = arith.constant 48 : index
      %swap3A_920 = tpu.vector_load %arg13[%swap3A_918, %swap3A_919] {strides = array<i32>} : memref<2x64xi32, #tpu.memory_space<vmem>>, vector<16xi32>,
      tpu.vector_store %arg13[%swap3A_918, %swap3A_919], %add3A_916 {strides = array<i32>} : memref<2x64xi32, #tpu.memory_space<vmem>>, vector<16xi32>,
      %dma_start3A_921 = arith.constant 1 : i32
      %dma_start3A_922 = arith.constant 1 : i32
      %dma_start3A_923 = arith.constant 0 : i32
      %dma_start3A_924 = arith.constant 0 : i32
      %dma_start3A_925 = tpu.memref_slice %arg14[%dma_start3A_922, %dma_start3A_923, %dma_start3A_924] : memref<2x64x128xf32, #tpu.memory_space<vmem>> -> memref<1x64x128xf32, #tpu.memory_space<vmem>>
      %dma_start3A_926 = tpu.memref_squeeze %dma_start3A_925 : memref<1x64x128xf32, #tpu.memory_space<vmem>> -> memref<64x128xf32, #tpu.memory_space<vmem>>
      %dma_start3A_927 = arith.constant 0 : i32
      %dma_start3A_928 = tpu.memref_slice %arg10[%dma_start3A_921, %dma_start3A_927] : memref<2x64xi32, #tpu.memory_space<vmem>> -> memref<1x64xi32, #tpu.memory_space<vmem>>
      %dma_start3A_929 = tpu.memref_squeeze %dma_start3A_928 : memref<1x64xi32, #tpu.memory_space<vmem>> -> memref<64xi32, #tpu.memory_space<vmem>>
      %dma_start3A_930 = arith.constant 0 : i32
      %dma_start3A_931 = arith.constant 0 : i32
      %dma_start3A_932 = tpu.memref_slice %arg2[%dma_start3A_930, %dma_start3A_931] : memref<524288x128xf32, #tpu.memory_space<hbm>> -> memref<524288x128xf32, #tpu.memory_space<hbm>>
      tpu.enqueue_indirect_dma source(%dma_start3A_932 : memref<524288x128xf32, #tpu.memory_space<hbm>>) target(%dma_start3A_926 : memref<64x128xf32, #tpu.memory_space<vmem>>) offsets(%dma_start3A_929 : memref<64xi32, #tpu.memory_space<vmem>>) semaphore(%arg22 : memref<!tpu.dma_semaphore, #tpu.memory_space<semaphore_mem>>)
      %dma_start3A_933 = arith.constant 1 : i32
      %dma_start3A_934 = arith.constant 1 : i32
      %dma_start3A_935 = arith.constant 0 : i32
      %dma_start3A_936 = arith.constant 0 : i32
      %dma_start3A_937 = tpu.memref_slice %arg15[%dma_start3A_934, %dma_start3A_935, %dma_start3A_936] : memref<2x64x128xf32, #tpu.memory_space<vmem>> -> memref<1x64x128xf32, #tpu.memory_space<vmem>>
      %dma_start3A_938 = tpu.memref_squeeze %dma_start3A_937 : memref<1x64x128xf32, #tpu.memory_space<vmem>> -> memref<64x128xf32, #tpu.memory_space<vmem>>
      %dma_start3A_939 = arith.constant 0 : i32
      %dma_start3A_940 = tpu.memref_slice %arg11[%dma_start3A_933, %dma_start3A_939] : memref<2x64xi32, #tpu.memory_space<vmem>> -> memref<1x64xi32, #tpu.memory_space<vmem>>
      %dma_start3A_941 = tpu.memref_squeeze %dma_start3A_940 : memref<1x64xi32, #tpu.memory_space<vmem>> -> memref<64xi32, #tpu.memory_space<vmem>>
      %dma_start3A_942 = arith.constant 0 : i32
      %dma_start3A_943 = arith.constant 0 : i32
      %dma_start3A_944 = tpu.memref_slice %arg2[%dma_start3A_942, %dma_start3A_943] : memref<524288x128xf32, #tpu.memory_space<hbm>> -> memref<524288x128xf32, #tpu.memory_space<hbm>>
      tpu.enqueue_indirect_dma source(%dma_start3A_944 : memref<524288x128xf32, #tpu.memory_space<hbm>>) target(%dma_start3A_938 : memref<64x128xf32, #tpu.memory_space<vmem>>) offsets(%dma_start3A_941 : memref<64xi32, #tpu.memory_space<vmem>>) semaphore(%arg22 : memref<!tpu.dma_semaphore, #tpu.memory_space<semaphore_mem>>)
      %dma_start3A_945 = arith.constant 1 : i32
      %dma_start3A_946 = arith.constant 1 : i32
      %dma_start3A_947 = arith.constant 0 : i32
      %dma_start3A_948 = arith.constant 0 : i32
      %dma_start3A_949 = tpu.memref_slice %arg16[%dma_start3A_946, %dma_start3A_947, %dma_start3A_948] : memref<2x64x128xf32, #tpu.memory_space<vmem>> -> memref<1x64x128xf32, #tpu.memory_space<vmem>>
      %dma_start3A_950 = tpu.memref_squeeze %dma_start3A_949 : memref<1x64x128xf32, #tpu.memory_space<vmem>> -> memref<64x128xf32, #tpu.memory_space<vmem>>
      %dma_start3A_951 = arith.constant 0 : i32
      %dma_start3A_952 = tpu.memref_slice %arg12[%dma_start3A_945, %dma_start3A_951] : memref<2x64xi32, #tpu.memory_space<vmem>> -> memref<1x64xi32, #tpu.memory_space<vmem>>
      %dma_start3A_953 = tpu.memref_squeeze %dma_start3A_952 : memref<1x64xi32, #tpu.memory_space<vmem>> -> memref<64xi32, #tpu.memory_space<vmem>>
      %dma_start3A_954 = arith.constant 0 : i32
      %dma_start3A_955 = arith.constant 0 : i32
      %dma_start3A_956 = tpu.memref_slice %arg2[%dma_start3A_954, %dma_start3A_955] : memref<524288x128xf32, #tpu.memory_space<hbm>> -> memref<524288x128xf32, #tpu.memory_space<hbm>>
      tpu.enqueue_indirect_dma source(%dma_start3A_956 : memref<524288x128xf32, #tpu.memory_space<hbm>>) target(%dma_start3A_950 : memref<64x128xf32, #tpu.memory_space<vmem>>) offsets(%dma_start3A_953 : memref<64xi32, #tpu.memory_space<vmem>>) semaphore(%arg22 : memref<!tpu.dma_semaphore, #tpu.memory_space<semaphore_mem>>)
      %dma_start3A_957 = arith.constant 1 : i32
      %dma_start3A_958 = arith.constant 1 : i32
      %dma_start3A_959 = arith.constant 0 : i32
      %dma_start3A_960 = arith.constant 0 : i32
      %dma_start3A_961 = tpu.memref_slice %arg17[%dma_start3A_958, %dma_start3A_959, %dma_start3A_960] : memref<2x64x128xf32, #tpu.memory_space<vmem>> -> memref<1x64x128xf32, #tpu.memory_space<vmem>>
      %dma_start3A_962 = tpu.memref_squeeze %dma_start3A_961 : memref<1x64x128xf32, #tpu.memory_space<vmem>> -> memref<64x128xf32, #tpu.memory_space<vmem>>
      %dma_start3A_963 = arith.constant 0 : i32
      %dma_start3A_964 = tpu.memref_slice %arg13[%dma_start3A_957, %dma_start3A_963] : memref<2x64xi32, #tpu.memory_space<vmem>> -> memref<1x64xi32, #tpu.memory_space<vmem>>
      %dma_start3A_965 = tpu.memref_squeeze %dma_start3A_964 : memref<1x64xi32, #tpu.memory_space<vmem>> -> memref<64xi32, #tpu.memory_space<vmem>>
      %dma_start3A_966 = arith.constant 0 : i32
      %dma_start3A_967 = arith.constant 0 : i32
      %dma_start3A_968 = tpu.memref_slice %arg2[%dma_start3A_966, %dma_start3A_967] : memref<524288x128xf32, #tpu.memory_space<hbm>> -> memref<524288x128xf32, #tpu.memory_space<hbm>>
      tpu.enqueue_indirect_dma source(%dma_start3A_968 : memref<524288x128xf32, #tpu.memory_space<hbm>>) target(%dma_start3A_962 : memref<64x128xf32, #tpu.memory_space<vmem>>) offsets(%dma_start3A_965 : memref<64xi32, #tpu.memory_space<vmem>>) semaphore(%arg22 : memref<!tpu.dma_semaphore, #tpu.memory_space<semaphore_mem>>)
      %dma_wait3A_969 = arith.constant 0 : i32
      %dma_wait3A_970 = arith.constant 0 : i32
      %dma_wait3A_971 = arith.constant 0 : i32
      %dma_wait3A_972 = arith.constant 0 : i32
      %dma_wait3A_973 = tpu.memref_slice %arg14[%dma_wait3A_970, %dma_wait3A_971, %dma_wait3A_972] : memref<2x64x128xf32, #tpu.memory_space<vmem>> -> memref<1x64x128xf32, #tpu.memory_space<vmem>>
      %dma_wait3A_974 = tpu.memref_squeeze %dma_wait3A_973 : memref<1x64x128xf32, #tpu.memory_space<vmem>> -> memref<64x128xf32, #tpu.memory_space<vmem>>
      %dma_wait3A_975 = arith.constant 0 : i32
      %dma_wait3A_976 = tpu.memref_slice %arg10[%dma_wait3A_969, %dma_wait3A_975] : memref<2x64xi32, #tpu.memory_space<vmem>> -> memref<1x64xi32, #tpu.memory_space<vmem>>
      %dma_wait3A_977 = tpu.memref_squeeze %dma_wait3A_976 : memref<1x64xi32, #tpu.memory_space<vmem>> -> memref<64xi32, #tpu.memory_space<vmem>>
      %dma_wait3A_978 = arith.constant 0 : i32
      %dma_wait3A_979 = arith.constant 0 : i32
      %dma_wait3A_980 = tpu.memref_slice %arg2[%dma_wait3A_978, %dma_wait3A_979] : memref<524288x128xf32, #tpu.memory_space<hbm>> -> memref<524288x128xf32, #tpu.memory_space<hbm>>
      tpu.wait_indirect_dma semaphore(%arg21 : memref<!tpu.dma_semaphore, #tpu.memory_space<semaphore_mem>>) src(%dma_wait3A_980 : memref<524288x128xf32, #tpu.memory_space<hbm>>) dst(%dma_wait3A_974 : memref<64x128xf32, #tpu.memory_space<vmem>>)
      %dma_wait3A_981 = arith.constant 0 : i32
      %dma_wait3A_982 = arith.constant 0 : i32
      %dma_wait3A_983 = arith.constant 0 : i32
      %dma_wait3A_984 = arith.constant 0 : i32
      %dma_wait3A_985 = tpu.memref_slice %arg15[%dma_wait3A_982, %dma_wait3A_983, %dma_wait3A_984] : memref<2x64x128xf32, #tpu.memory_space<vmem>> -> memref<1x64x128xf32, #tpu.memory_space<vmem>>
      %dma_wait3A_986 = tpu.memref_squeeze %dma_wait3A_985 : memref<1x64x128xf32, #tpu.memory_space<vmem>> -> memref<64x128xf32, #tpu.memory_space<vmem>>
      %dma_wait3A_987 = arith.constant 0 : i32
      %dma_wait3A_988 = tpu.memref_slice %arg11[%dma_wait3A_981, %dma_wait3A_987] : memref<2x64xi32, #tpu.memory_space<vmem>> -> memref<1x64xi32, #tpu.memory_space<vmem>>
      %dma_wait3A_989 = tpu.memref_squeeze %dma_wait3A_988 : memref<1x64xi32, #tpu.memory_space<vmem>> -> memref<64xi32, #tpu.memory_space<vmem>>
      %dma_wait3A_990 = arith.constant 0 : i32
      %dma_wait3A_991 = arith.constant 0 : i32
      %dma_wait3A_992 = tpu.memref_slice %arg2[%dma_wait3A_990, %dma_wait3A_991] : memref<524288x128xf32, #tpu.memory_space<hbm>> -> memref<524288x128xf32, #tpu.memory_space<hbm>>
      tpu.wait_indirect_dma semaphore(%arg21 : memref<!tpu.dma_semaphore, #tpu.memory_space<semaphore_mem>>) src(%dma_wait3A_992 : memref<524288x128xf32, #tpu.memory_space<hbm>>) dst(%dma_wait3A_986 : memref<64x128xf32, #tpu.memory_space<vmem>>)
      %dma_wait3A_993 = arith.constant 0 : i32
      %dma_wait3A_994 = arith.constant 0 : i32
      %dma_wait3A_995 = arith.constant 0 : i32
      %dma_wait3A_996 = arith.constant 0 : i32
      %dma_wait3A_997 = tpu.memref_slice %arg16[%dma_wait3A_994, %dma_wait3A_995, %dma_wait3A_996] : memref<2x64x128xf32, #tpu.memory_space<vmem>> -> memref<1x64x128xf32, #tpu.memory_space<vmem>>
      %dma_wait3A_998 = tpu.memref_squeeze %dma_wait3A_997 : memref<1x64x128xf32, #tpu.memory_space<vmem>> -> memref<64x128xf32, #tpu.memory_space<vmem>>
      %dma_wait3A_999 = arith.constant 0 : i32
      %dma_wait3A_1000 = tpu.memref_slice %arg12[%dma_wait3A_993, %dma_wait3A_999] : memref<2x64xi32, #tpu.memory_space<vmem>> -> memref<1x64xi32, #tpu.memory_space<vmem>>
      %dma_wait3A_1001 = tpu.memref_squeeze %dma_wait3A_1000 : memref<1x64xi32, #tpu.memory_space<vmem>> -> memref<64xi32, #tpu.memory_space<vmem>>
      %dma_wait3A_1002 = arith.constant 0 : i32
      %dma_wait3A_1003 = arith.constant 0 : i32
      %dma_wait3A_1004 = tpu.memref_slice %arg2[%dma_wait3A_1002, %dma_wait3A_1003] : memref<524288x128xf32, #tpu.memory_space<hbm>> -> memref<524288x128xf32, #tpu.memory_space<hbm>>
      tpu.wait_indirect_dma semaphore(%arg21 : memref<!tpu.dma_semaphore, #tpu.memory_space<semaphore_mem>>) src(%dma_wait3A_1004 : memref<524288x128xf32, #tpu.memory_space<hbm>>) dst(%dma_wait3A_998 : memref<64x128xf32, #tpu.memory_space<vmem>>)
      %dma_wait3A_1005 = arith.constant 0 : i32
      %dma_wait3A_1006 = arith.constant 0 : i32
      %dma_wait3A_1007 = arith.constant 0 : i32
      %dma_wait3A_1008 = arith.constant 0 : i32
      %dma_wait3A_1009 = tpu.memref_slice %arg17[%dma_wait3A_1006, %dma_wait3A_1007, %dma_wait3A_1008] : memref<2x64x128xf32, #tpu.memory_space<vmem>> -> memref<1x64x128xf32, #tpu.memory_space<vmem>>
      %dma_wait3A_1010 = tpu.memref_squeeze %dma_wait3A_1009 : memref<1x64x128xf32, #tpu.memory_space<vmem>> -> memref<64x128xf32, #tpu.memory_space<vmem>>
      %dma_wait3A_1011 = arith.constant 0 : i32
      %dma_wait3A_1012 = tpu.memref_slice %arg13[%dma_wait3A_1005, %dma_wait3A_1011] : memref<2x64xi32, #tpu.memory_space<vmem>> -> memref<1x64xi32, #tpu.memory_space<vmem>>
      %dma_wait3A_1013 = tpu.memref_squeeze %dma_wait3A_1012 : memref<1x64xi32, #tpu.memory_space<vmem>> -> memref<64xi32, #tpu.memory_space<vmem>>
      %dma_wait3A_1014 = arith.constant 0 : i32
      %dma_wait3A_1015 = arith.constant 0 : i32
      %dma_wait3A_1016 = tpu.memref_slice %arg2[%dma_wait3A_1014, %dma_wait3A_1015] : memref<524288x128xf32, #tpu.memory_space<hbm>> -> memref<524288x128xf32, #tpu.memory_space<hbm>>
      tpu.wait_indirect_dma semaphore(%arg21 : memref<!tpu.dma_semaphore, #tpu.memory_space<semaphore_mem>>) src(%dma_wait3A_1016 : memref<524288x128xf32, #tpu.memory_space<hbm>>) dst(%dma_wait3A_1010 : memref<64x128xf32, #tpu.memory_space<vmem>>)
      %gt3A = arith.constant 0 : i32
      %gt3A_1017 = arith.cmpi sgt, %scan3A_524, %gt3A : i32
      %convert_element_type3A_1018 = arith.extui %gt3A_1017 : i1 to i32
      %cond3A_1019 = arith.constant 0 : i32
      %cond3A_1020 = arith.cmpi ne, %convert_element_type3A_1018, %cond3A_1019 : i32
      scf.if %cond3A_1020 {
        %dma_wait3A_1123 = arith.constant 0 : i32
        %dma_wait3A_1124 = arith.constant 0 : i32
        %dma_wait3A_1125 = arith.constant 0 : i32
        %dma_wait3A_1126 = tpu.memref_slice %arg18[%dma_wait3A_1123, %dma_wait3A_1124, %dma_wait3A_1125] : memref<2x64x96xf32, #tpu.memory_space<vmem>> -> memref<1x64x96xf32, #tpu.memory_space<vmem>>
        %dma_wait3A_1127 = tpu.memref_squeeze %dma_wait3A_1126 : memref<1x64x96xf32, #tpu.memory_space<vmem>> -> memref<64x96xf32, #tpu.memory_space<vmem>>
        %dma_wait3A_1128 = arith.constant 0 : i32
        %dma_wait3A_1129 = arith.constant 0 : i32
        %dma_wait3A_1130 = tpu.memref_slice %arg5[%dma_wait3A_1128, %dma_wait3A_1129] : memref<524288x96xf32, #tpu.memory_space<hbm>> -> memref<64x96xf32, #tpu.memory_space<hbm>>
        %dma_wait3A_1131 = arith.constant 0 : i32
        %dma_wait3A_1132 = arith.constant 0 : i32
        %dma_wait3A_1133 = tpu.memref_slice %arg5[%dma_wait3A_1131, %dma_wait3A_1132] : memref<524288x96xf32, #tpu.memory_space<hbm>> -> memref<64x96xf32, #tpu.memory_space<hbm>>
        %dma_wait3A_1134 = arith.constant 0 : i32
        %dma_wait3A_1135 = arith.constant 0 : i32
        %dma_wait3A_1136 = tpu.memref_slice %arg18[%dma_wait3A_1123, %dma_wait3A_1134, %dma_wait3A_1135] : memref<2x64x96xf32, #tpu.memory_space<vmem>> -> memref<1x64x96xf32, #tpu.memory_space<vmem>>
        %dma_wait3A_1137 = tpu.memref_squeeze %dma_wait3A_1136 : memref<1x64x96xf32, #tpu.memory_space<vmem>> -> memref<64x96xf32, #tpu.memory_space<vmem>>
        tpu.wait_dma2 semaphore(%arg23 : memref<!tpu.dma_semaphore, #tpu.memory_space<semaphore_mem>>) src(%dma_wait3A_1137 : memref<64x96xf32, #tpu.memory_space<vmem>>) dst(%dma_wait3A_1133 : memref<64x96xf32, #tpu.memory_space<hbm>>)
      } else {
      }
      %scan3A_1021 = arith.constant 0 : i32
      %scan3A_1022 = arith.constant 0 : i32
      %scan3A_1023 = arith.constant 64 : i32
      %scan3A_1024 = arith.addi %scan3A_1022, %scan3A_1023 : i32
      %scan3A_1025 = arith.constant 1 : i32
      scf.for %scan3A_1123 = %scan3A_1022 to %scan3A_1024 step %scan3A_1025  : i32 {
        %get3A_1124 = arith.constant 0 : i32
        %get3A_1125 = arith.index_cast %get3A_1124 : i32 to index
        %get3A_1126 = arith.index_cast %scan3A_1123 : i32 to index
        %get3A_1127 = tpu.vector_load %arg8[%get3A_1125, %get3A_1126] {strides = array<i32>} : memref<2x80xf32, #tpu.memory_space<vmem>>, vector<16xf32>,
        %slice3A = vector.extract_strided_slice %get3A_1127 {offsets = [0], sizes = [1], strides = [1]} : vector<16xf32> to vector<1xf32>
        %squeeze3A = vector.extract %slice3A[0] : f32 from vector<1xf32>
        %broadcast_in_dim3A = vector.broadcast %squeeze3A : f32 to vector<16xf32>
        %get3A_1128 = arith.constant 0 : i32
        %get3A_1129 = arith.index_cast %get3A_1128 : i32 to index
        %get3A_1130 = arith.index_cast %scan3A_1123 : i32 to index
        %get3A_1131 = tpu.vector_load %arg9[%get3A_1129, %get3A_1130] {strides = array<i32>} : memref<2x80xf32, #tpu.memory_space<vmem>>, vector<16xf32>,
        %slice3A_1132 = vector.extract_strided_slice %get3A_1131 {offsets = [0], sizes = [1], strides = [1]} : vector<16xf32> to vector<1xf32>
        %squeeze3A_1133 = vector.extract %slice3A_1132[0] : f32 from vector<1xf32>
        %broadcast_in_dim3A_1134 = vector.broadcast %squeeze3A_1133 : f32 to vector<16xf32>
        %get3A_1135 = arith.constant 0 : i32
        %get3A_1136 = arith.index_cast %get3A_1135 : i32 to index
        %get3A_1137 = arith.index_cast %scan3A_1123 : i32 to index
        %get3A_1138 = arith.constant 0 : index
        %get3A_1139 = tpu.vector_load %arg14[%get3A_1136, %get3A_1137, %get3A_1138] {strides = array<i32>} : memref<2x64x128xf32, #tpu.memory_space<vmem>>, vector<16xf32>,
        %get3A_1140 = arith.constant 0 : i32
        %get3A_1141 = arith.index_cast %get3A_1140 : i32 to index
        %get3A_1142 = arith.index_cast %scan3A_1123 : i32 to index
        %get3A_1143 = arith.constant 0 : index
        %get3A_1144 = tpu.vector_load %arg15[%get3A_1141, %get3A_1142, %get3A_1143] {strides = array<i32>} : memref<2x64x128xf32, #tpu.memory_space<vmem>>, vector<16xf32>,
        %get3A_1145 = arith.constant 0 : i32
        %get3A_1146 = arith.index_cast %get3A_1145 : i32 to index
        %get3A_1147 = arith.index_cast %scan3A_1123 : i32 to index
        %get3A_1148 = arith.constant 0 : index
        %get3A_1149 = tpu.vector_load %arg16[%get3A_1146, %get3A_1147, %get3A_1148] {strides = array<i32>} : memref<2x64x128xf32, #tpu.memory_space<vmem>>, vector<16xf32>,
        %get3A_1150 = arith.constant 0 : i32
        %get3A_1151 = arith.index_cast %get3A_1150 : i32 to index
        %get3A_1152 = arith.index_cast %scan3A_1123 : i32 to index
        %get3A_1153 = arith.constant 0 : index
        %get3A_1154 = tpu.vector_load %arg17[%get3A_1151, %get3A_1152, %get3A_1153] {strides = array<i32>} : memref<2x64x128xf32, #tpu.memory_space<vmem>>, vector<16xf32>,
        %sub3A_1155 = arith.subf %get3A_1144, %get3A_1139 : vector<16xf32>
        %mul3A_1156 = arith.mulf %broadcast_in_dim3A_1134, %sub3A_1155 : vector<16xf32>
        %add3A_1157 = arith.addf %get3A_1139, %mul3A_1156 : vector<16xf32>
        %sub3A_1158 = arith.subf %get3A_1154, %get3A_1149 : vector<16xf32>
        %mul3A_1159 = arith.mulf %broadcast_in_dim3A_1134, %sub3A_1158 : vector<16xf32>
        %add3A_1160 = arith.addf %get3A_1149, %mul3A_1159 : vector<16xf32>
        %sub3A_1161 = arith.subf %add3A_1160, %add3A_1157 : vector<16xf32>
        %mul3A_1162 = arith.mulf %broadcast_in_dim3A, %sub3A_1161 : vector<16xf32>
        %add3A_1163 = arith.addf %add3A_1157, %mul3A_1162 : vector<16xf32>
        %swap3A_1164 = arith.constant 0 : i32
        %swap3A_1165 = arith.index_cast %swap3A_1164 : i32 to index
        %swap3A_1166 = arith.index_cast %scan3A_1123 : i32 to index
        %swap3A_1167 = arith.constant 0 : index
        %swap3A_1168 = tpu.vector_load %arg18[%swap3A_1165, %swap3A_1166, %swap3A_1167] {strides = array<i32>} : memref<2x64x96xf32, #tpu.memory_space<vmem>>, vector<16xf32>,
        tpu.vector_store %arg18[%swap3A_1165, %swap3A_1166, %swap3A_1167], %add3A_1163 {strides = array<i32>} : memref<2x64x96xf32, #tpu.memory_space<vmem>>, vector<16xf32>,
        %get3A_1169 = arith.constant 0 : i32
        %get3A_1170 = arith.index_cast %get3A_1169 : i32 to index
        %get3A_1171 = arith.index_cast %scan3A_1123 : i32 to index
        %get3A_1172 = arith.constant 16 : index
        %get3A_1173 = tpu.vector_load %arg14[%get3A_1170, %get3A_1171, %get3A_1172] {strides = array<i32>} : memref<2x64x128xf32, #tpu.memory_space<vmem>>, vector<16xf32>,
        %get3A_1174 = arith.constant 0 : i32
        %get3A_1175 = arith.index_cast %get3A_1174 : i32 to index
        %get3A_1176 = arith.index_cast %scan3A_1123 : i32 to index
        %get3A_1177 = arith.constant 16 : index
        %get3A_1178 = tpu.vector_load %arg15[%get3A_1175, %get3A_1176, %get3A_1177] {strides = array<i32>} : memref<2x64x128xf32, #tpu.memory_space<vmem>>, vector<16xf32>,
        %get3A_1179 = arith.constant 0 : i32
        %get3A_1180 = arith.index_cast %get3A_1179 : i32 to index
        %get3A_1181 = arith.index_cast %scan3A_1123 : i32 to index
        %get3A_1182 = arith.constant 16 : index
        %get3A_1183 = tpu.vector_load %arg16[%get3A_1180, %get3A_1181, %get3A_1182] {strides = array<i32>} : memref<2x64x128xf32, #tpu.memory_space<vmem>>, vector<16xf32>,
        %get3A_1184 = arith.constant 0 : i32
        %get3A_1185 = arith.index_cast %get3A_1184 : i32 to index
        %get3A_1186 = arith.index_cast %scan3A_1123 : i32 to index
        %get3A_1187 = arith.constant 16 : index
        %get3A_1188 = tpu.vector_load %arg17[%get3A_1185, %get3A_1186, %get3A_1187] {strides = array<i32>} : memref<2x64x128xf32, #tpu.memory_space<vmem>>, vector<16xf32>,
        %sub3A_1189 = arith.subf %get3A_1178, %get3A_1173 : vector<16xf32>
        %mul3A_1190 = arith.mulf %broadcast_in_dim3A_1134, %sub3A_1189 : vector<16xf32>
        %add3A_1191 = arith.addf %get3A_1173, %mul3A_1190 : vector<16xf32>
        %sub3A_1192 = arith.subf %get3A_1188, %get3A_1183 : vector<16xf32>
        %mul3A_1193 = arith.mulf %broadcast_in_dim3A_1134, %sub3A_1192 : vector<16xf32>
        %add3A_1194 = arith.addf %get3A_1183, %mul3A_1193 : vector<16xf32>
        %sub3A_1195 = arith.subf %add3A_1194, %add3A_1191 : vector<16xf32>
        %mul3A_1196 = arith.mulf %broadcast_in_dim3A, %sub3A_1195 : vector<16xf32>
        %add3A_1197 = arith.addf %add3A_1191, %mul3A_1196 : vector<16xf32>
        %swap3A_1198 = arith.constant 0 : i32
        %swap3A_1199 = arith.index_cast %swap3A_1198 : i32 to index
        %swap3A_1200 = arith.index_cast %scan3A_1123 : i32 to index
        %swap3A_1201 = arith.constant 16 : index
        %swap3A_1202 = tpu.vector_load %arg18[%swap3A_1199, %swap3A_1200, %swap3A_1201] {strides = array<i32>} : memref<2x64x96xf32, #tpu.memory_space<vmem>>, vector<16xf32>,
        tpu.vector_store %arg18[%swap3A_1199, %swap3A_1200, %swap3A_1201], %add3A_1197 {strides = array<i32>} : memref<2x64x96xf32, #tpu.memory_space<vmem>>, vector<16xf32>,
        %get3A_1203 = arith.constant 0 : i32
        %get3A_1204 = arith.index_cast %get3A_1203 : i32 to index
        %get3A_1205 = arith.index_cast %scan3A_1123 : i32 to index
        %get3A_1206 = arith.constant 32 : index
        %get3A_1207 = tpu.vector_load %arg14[%get3A_1204, %get3A_1205, %get3A_1206] {strides = array<i32>} : memref<2x64x128xf32, #tpu.memory_space<vmem>>, vector<16xf32>,
        %get3A_1208 = arith.constant 0 : i32
        %get3A_1209 = arith.index_cast %get3A_1208 : i32 to index
        %get3A_1210 = arith.index_cast %scan3A_1123 : i32 to index
        %get3A_1211 = arith.constant 32 : index
        %get3A_1212 = tpu.vector_load %arg15[%get3A_1209, %get3A_1210, %get3A_1211] {strides = array<i32>} : memref<2x64x128xf32, #tpu.memory_space<vmem>>, vector<16xf32>,
        %get3A_1213 = arith.constant 0 : i32
        %get3A_1214 = arith.index_cast %get3A_1213 : i32 to index
        %get3A_1215 = arith.index_cast %scan3A_1123 : i32 to index
        %get3A_1216 = arith.constant 32 : index
        %get3A_1217 = tpu.vector_load %arg16[%get3A_1214, %get3A_1215, %get3A_1216] {strides = array<i32>} : memref<2x64x128xf32, #tpu.memory_space<vmem>>, vector<16xf32>,
        %get3A_1218 = arith.constant 0 : i32
        %get3A_1219 = arith.index_cast %get3A_1218 : i32 to index
        %get3A_1220 = arith.index_cast %scan3A_1123 : i32 to index
        %get3A_1221 = arith.constant 32 : index
        %get3A_1222 = tpu.vector_load %arg17[%get3A_1219, %get3A_1220, %get3A_1221] {strides = array<i32>} : memref<2x64x128xf32, #tpu.memory_space<vmem>>, vector<16xf32>,
        %sub3A_1223 = arith.subf %get3A_1212, %get3A_1207 : vector<16xf32>
        %mul3A_1224 = arith.mulf %broadcast_in_dim3A_1134, %sub3A_1223 : vector<16xf32>
        %add3A_1225 = arith.addf %get3A_1207, %mul3A_1224 : vector<16xf32>
        %sub3A_1226 = arith.subf %get3A_1222, %get3A_1217 : vector<16xf32>
        %mul3A_1227 = arith.mulf %broadcast_in_dim3A_1134, %sub3A_1226 : vector<16xf32>
        %add3A_1228 = arith.addf %get3A_1217, %mul3A_1227 : vector<16xf32>
        %sub3A_1229 = arith.subf %add3A_1228, %add3A_1225 : vector<16xf32>
        %mul3A_1230 = arith.mulf %broadcast_in_dim3A, %sub3A_1229 : vector<16xf32>
        %add3A_1231 = arith.addf %add3A_1225, %mul3A_1230 : vector<16xf32>
        %swap3A_1232 = arith.constant 0 : i32
        %swap3A_1233 = arith.index_cast %swap3A_1232 : i32 to index
        %swap3A_1234 = arith.index_cast %scan3A_1123 : i32 to index
        %swap3A_1235 = arith.constant 32 : index
        %swap3A_1236 = tpu.vector_load %arg18[%swap3A_1233, %swap3A_1234, %swap3A_1235] {strides = array<i32>} : memref<2x64x96xf32, #tpu.memory_space<vmem>>, vector<16xf32>,
        tpu.vector_store %arg18[%swap3A_1233, %swap3A_1234, %swap3A_1235], %add3A_1231 {strides = array<i32>} : memref<2x64x96xf32, #tpu.memory_space<vmem>>, vector<16xf32>,
        %get3A_1237 = arith.constant 0 : i32
        %get3A_1238 = arith.index_cast %get3A_1237 : i32 to index
        %get3A_1239 = arith.index_cast %scan3A_1123 : i32 to index
        %get3A_1240 = arith.constant 48 : index
        %get3A_1241 = tpu.vector_load %arg14[%get3A_1238, %get3A_1239, %get3A_1240] {strides = array<i32>} : memref<2x64x128xf32, #tpu.memory_space<vmem>>, vector<16xf32>,
        %get3A_1242 = arith.constant 0 : i32
        %get3A_1243 = arith.index_cast %get3A_1242 : i32 to index
        %get3A_1244 = arith.index_cast %scan3A_1123 : i32 to index
        %get3A_1245 = arith.constant 48 : index
        %get3A_1246 = tpu.vector_load %arg15[%get3A_1243, %get3A_1244, %get3A_1245] {strides = array<i32>} : memref<2x64x128xf32, #tpu.memory_space<vmem>>, vector<16xf32>,
        %get3A_1247 = arith.constant 0 : i32
        %get3A_1248 = arith.index_cast %get3A_1247 : i32 to index
        %get3A_1249 = arith.index_cast %scan3A_1123 : i32 to index
        %get3A_1250 = arith.constant 48 : index
        %get3A_1251 = tpu.vector_load %arg16[%get3A_1248, %get3A_1249, %get3A_1250] {strides = array<i32>} : memref<2x64x128xf32, #tpu.memory_space<vmem>>, vector<16xf32>,
        %get3A_1252 = arith.constant 0 : i32
        %get3A_1253 = arith.index_cast %get3A_1252 : i32 to index
        %get3A_1254 = arith.index_cast %scan3A_1123 : i32 to index
        %get3A_1255 = arith.constant 48 : index
        %get3A_1256 = tpu.vector_load %arg17[%get3A_1253, %get3A_1254, %get3A_1255] {strides = array<i32>} : memref<2x64x128xf32, #tpu.memory_space<vmem>>, vector<16xf32>,
        %sub3A_1257 = arith.subf %get3A_1246, %get3A_1241 : vector<16xf32>
        %mul3A_1258 = arith.mulf %broadcast_in_dim3A_1134, %sub3A_1257 : vector<16xf32>
        %add3A_1259 = arith.addf %get3A_1241, %mul3A_1258 : vector<16xf32>
        %sub3A_1260 = arith.subf %get3A_1256, %get3A_1251 : vector<16xf32>
        %mul3A_1261 = arith.mulf %broadcast_in_dim3A_1134, %sub3A_1260 : vector<16xf32>
        %add3A_1262 = arith.addf %get3A_1251, %mul3A_1261 : vector<16xf32>
        %sub3A_1263 = arith.subf %add3A_1262, %add3A_1259 : vector<16xf32>
        %mul3A_1264 = arith.mulf %broadcast_in_dim3A, %sub3A_1263 : vector<16xf32>
        %add3A_1265 = arith.addf %add3A_1259, %mul3A_1264 : vector<16xf32>
        %swap3A_1266 = arith.constant 0 : i32
        %swap3A_1267 = arith.index_cast %swap3A_1266 : i32 to index
        %swap3A_1268 = arith.index_cast %scan3A_1123 : i32 to index
        %swap3A_1269 = arith.constant 48 : index
        %swap3A_1270 = tpu.vector_load %arg18[%swap3A_1267, %swap3A_1268, %swap3A_1269] {strides = array<i32>} : memref<2x64x96xf32, #tpu.memory_space<vmem>>, vector<16xf32>,
        tpu.vector_store %arg18[%swap3A_1267, %swap3A_1268, %swap3A_1269], %add3A_1265 {strides = array<i32>} : memref<2x64x96xf32, #tpu.memory_space<vmem>>, vector<16xf32>,
        %get3A_1271 = arith.constant 0 : i32
        %get3A_1272 = arith.index_cast %get3A_1271 : i32 to index
        %get3A_1273 = arith.index_cast %scan3A_1123 : i32 to index
        %get3A_1274 = arith.constant 64 : index
        %get3A_1275 = tpu.vector_load %arg14[%get3A_1272, %get3A_1273, %get3A_1274] {strides = array<i32>} : memref<2x64x128xf32, #tpu.memory_space<vmem>>, vector<16xf32>,
        %get3A_1276 = arith.constant 0 : i32
        %get3A_1277 = arith.index_cast %get3A_1276 : i32 to index
        %get3A_1278 = arith.index_cast %scan3A_1123 : i32 to index
        %get3A_1279 = arith.constant 64 : index
        %get3A_1280 = tpu.vector_load %arg15[%get3A_1277, %get3A_1278, %get3A_1279] {strides = array<i32>} : memref<2x64x128xf32, #tpu.memory_space<vmem>>, vector<16xf32>,
        %get3A_1281 = arith.constant 0 : i32
        %get3A_1282 = arith.index_cast %get3A_1281 : i32 to index
        %get3A_1283 = arith.index_cast %scan3A_1123 : i32 to index
        %get3A_1284 = arith.constant 64 : index
        %get3A_1285 = tpu.vector_load %arg16[%get3A_1282, %get3A_1283, %get3A_1284] {strides = array<i32>} : memref<2x64x128xf32, #tpu.memory_space<vmem>>, vector<16xf32>,
        %get3A_1286 = arith.constant 0 : i32
        %get3A_1287 = arith.index_cast %get3A_1286 : i32 to index
        %get3A_1288 = arith.index_cast %scan3A_1123 : i32 to index
        %get3A_1289 = arith.constant 64 : index
        %get3A_1290 = tpu.vector_load %arg17[%get3A_1287, %get3A_1288, %get3A_1289] {strides = array<i32>} : memref<2x64x128xf32, #tpu.memory_space<vmem>>, vector<16xf32>,
        %sub3A_1291 = arith.subf %get3A_1280, %get3A_1275 : vector<16xf32>
        %mul3A_1292 = arith.mulf %broadcast_in_dim3A_1134, %sub3A_1291 : vector<16xf32>
        %add3A_1293 = arith.addf %get3A_1275, %mul3A_1292 : vector<16xf32>
        %sub3A_1294 = arith.subf %get3A_1290, %get3A_1285 : vector<16xf32>
        %mul3A_1295 = arith.mulf %broadcast_in_dim3A_1134, %sub3A_1294 : vector<16xf32>
        %add3A_1296 = arith.addf %get3A_1285, %mul3A_1295 : vector<16xf32>
        %sub3A_1297 = arith.subf %add3A_1296, %add3A_1293 : vector<16xf32>
        %mul3A_1298 = arith.mulf %broadcast_in_dim3A, %sub3A_1297 : vector<16xf32>
        %add3A_1299 = arith.addf %add3A_1293, %mul3A_1298 : vector<16xf32>
        %swap3A_1300 = arith.constant 0 : i32
        %swap3A_1301 = arith.index_cast %swap3A_1300 : i32 to index
        %swap3A_1302 = arith.index_cast %scan3A_1123 : i32 to index
        %swap3A_1303 = arith.constant 64 : index
        %swap3A_1304 = tpu.vector_load %arg18[%swap3A_1301, %swap3A_1302, %swap3A_1303] {strides = array<i32>} : memref<2x64x96xf32, #tpu.memory_space<vmem>>, vector<16xf32>,
        tpu.vector_store %arg18[%swap3A_1301, %swap3A_1302, %swap3A_1303], %add3A_1299 {strides = array<i32>} : memref<2x64x96xf32, #tpu.memory_space<vmem>>, vector<16xf32>,
        %get3A_1305 = arith.constant 0 : i32
        %get3A_1306 = arith.index_cast %get3A_1305 : i32 to index
        %get3A_1307 = arith.index_cast %scan3A_1123 : i32 to index
        %get3A_1308 = arith.constant 80 : index
        %get3A_1309 = tpu.vector_load %arg14[%get3A_1306, %get3A_1307, %get3A_1308] {strides = array<i32>} : memref<2x64x128xf32, #tpu.memory_space<vmem>>, vector<16xf32>,
        %get3A_1310 = arith.constant 0 : i32
        %get3A_1311 = arith.index_cast %get3A_1310 : i32 to index
        %get3A_1312 = arith.index_cast %scan3A_1123 : i32 to index
        %get3A_1313 = arith.constant 80 : index
        %get3A_1314 = tpu.vector_load %arg15[%get3A_1311, %get3A_1312, %get3A_1313] {strides = array<i32>} : memref<2x64x128xf32, #tpu.memory_space<vmem>>, vector<16xf32>,
        %get3A_1315 = arith.constant 0 : i32
        %get3A_1316 = arith.index_cast %get3A_1315 : i32 to index
        %get3A_1317 = arith.index_cast %scan3A_1123 : i32 to index
        %get3A_1318 = arith.constant 80 : index
        %get3A_1319 = tpu.vector_load %arg16[%get3A_1316, %get3A_1317, %get3A_1318] {strides = array<i32>} : memref<2x64x128xf32, #tpu.memory_space<vmem>>, vector<16xf32>,
        %get3A_1320 = arith.constant 0 : i32
        %get3A_1321 = arith.index_cast %get3A_1320 : i32 to index
        %get3A_1322 = arith.index_cast %scan3A_1123 : i32 to index
        %get3A_1323 = arith.constant 80 : index
        %get3A_1324 = tpu.vector_load %arg17[%get3A_1321, %get3A_1322, %get3A_1323] {strides = array<i32>} : memref<2x64x128xf32, #tpu.memory_space<vmem>>, vector<16xf32>,
        %sub3A_1325 = arith.subf %get3A_1314, %get3A_1309 : vector<16xf32>
        %mul3A_1326 = arith.mulf %broadcast_in_dim3A_1134, %sub3A_1325 : vector<16xf32>
        %add3A_1327 = arith.addf %get3A_1309, %mul3A_1326 : vector<16xf32>
        %sub3A_1328 = arith.subf %get3A_1324, %get3A_1319 : vector<16xf32>
        %mul3A_1329 = arith.mulf %broadcast_in_dim3A_1134, %sub3A_1328 : vector<16xf32>
        %add3A_1330 = arith.addf %get3A_1319, %mul3A_1329 : vector<16xf32>
        %sub3A_1331 = arith.subf %add3A_1330, %add3A_1327 : vector<16xf32>
        %mul3A_1332 = arith.mulf %broadcast_in_dim3A, %sub3A_1331 : vector<16xf32>
        %add3A_1333 = arith.addf %add3A_1327, %mul3A_1332 : vector<16xf32>
        %swap3A_1334 = arith.constant 0 : i32
        %swap3A_1335 = arith.index_cast %swap3A_1334 : i32 to index
        %swap3A_1336 = arith.index_cast %scan3A_1123 : i32 to index
        %swap3A_1337 = arith.constant 80 : index
        %swap3A_1338 = tpu.vector_load %arg18[%swap3A_1335, %swap3A_1336, %swap3A_1337] {strides = array<i32>} : memref<2x64x96xf32, #tpu.memory_space<vmem>>, vector<16xf32>,
        tpu.vector_store %arg18[%swap3A_1335, %swap3A_1336, %swap3A_1337], %add3A_1333 {strides = array<i32>} : memref<2x64x96xf32, #tpu.memory_space<vmem>>, vector<16xf32>,
      }
      %scan3A_1026 = arith.constant 64 : i32
      %mul3A_1027 = arith.constant 64 : i32
      %mul3A_1028 = arith.muli %mul3A_526, %mul3A_1027 : i32
      %add3A_1029 = arith.addi %mul3A_2, %mul3A_1028 : i32
      %dma_start3A_1030 = arith.constant 0 : i32
      %dma_start3A_1031 = arith.constant 0 : i32
      %dma_start3A_1032 = arith.constant 0 : i32
      %dma_start3A_1033 = tpu.memref_slice %arg18[%dma_start3A_1030, %dma_start3A_1031, %dma_start3A_1032] : memref<2x64x96xf32, #tpu.memory_space<vmem>> -> memref<1x64x96xf32, #tpu.memory_space<vmem>>
      %dma_start3A_1034 = tpu.memref_squeeze %dma_start3A_1033 : memref<1x64x96xf32, #tpu.memory_space<vmem>> -> memref<64x96xf32, #tpu.memory_space<vmem>>
      %dma_start3A_1035 = arith.constant 0 : i32
      %dma_start3A_1036 = tpu.memref_slice %arg5[%add3A_1029, %dma_start3A_1035] : memref<524288x96xf32, #tpu.memory_space<hbm>> -> memref<64x96xf32, #tpu.memory_space<hbm>>
      %dma_start3A_1037 = arith.constant 0 : i32
      %dma_start3A_1038 = tpu.memref_slice %arg5[%add3A_1029, %dma_start3A_1037] : memref<524288x96xf32, #tpu.memory_space<hbm>> -> memref<64x96xf32, #tpu.memory_space<hbm>>
      %dma_start3A_1039 = arith.constant 0 : i32
      %dma_start3A_1040 = arith.constant 0 : i32
      %dma_start3A_1041 = tpu.memref_slice %arg18[%dma_start3A_1030, %dma_start3A_1039, %dma_start3A_1040] : memref<2x64x96xf32, #tpu.memory_space<vmem>> -> memref<1x64x96xf32, #tpu.memory_space<vmem>>
      %dma_start3A_1042 = tpu.memref_squeeze %dma_start3A_1041 : memref<1x64x96xf32, #tpu.memory_space<vmem>> -> memref<64x96xf32, #tpu.memory_space<vmem>>
      tpu.enqueue_dma source(%dma_start3A_1042 : memref<64x96xf32, #tpu.memory_space<vmem>>) target(%dma_start3A_1038 : memref<64x96xf32, #tpu.memory_space<hbm>>) target_semaphore(%arg23 : memref<!tpu.dma_semaphore, #tpu.memory_space<semaphore_mem>>)
      %lt3A_1043 = arith.constant 127 : i32
      %lt3A_1044 = arith.cmpi slt, %scan3A_524, %lt3A_1043 : i32
      %convert_element_type3A_1045 = arith.extui %lt3A_1044 : i1 to i32
      %cond3A_1046 = arith.constant 0 : i32
      %cond3A_1047 = arith.cmpi ne, %convert_element_type3A_1045, %cond3A_1046 : i32
      scf.if %cond3A_1047 {
        %add3A_1123 = arith.constant 2 : i32
        %add3A_1124 = arith.addi %add3A_528, %add3A_1123 : i32
        %mul3A_1125 = arith.constant 64 : i32
        %mul3A_1126 = arith.muli %add3A_1124, %mul3A_1125 : i32
        %add3A_1127 = arith.addi %mul3A_2, %mul3A_1126 : i32
        %dma_start3A_1128 = arith.constant 1 : i32
        %dma_start3A_1129 = arith.constant 0 : i32
        %dma_start3A_1130 = tpu.memref_slice %arg6[%dma_start3A_1128, %dma_start3A_1129] : memref<2x64xf32, #tpu.memory_space<vmem>> -> memref<1x64xf32, #tpu.memory_space<vmem>>
        %dma_start3A_1131 = tpu.memref_squeeze %dma_start3A_1130 : memref<1x64xf32, #tpu.memory_space<vmem>> -> memref<64xf32, #tpu.memory_space<vmem>>
        %dma_start3A_1132 = tpu.memref_slice %arg3[%add3A_1127] : memref<524288xf32, #tpu.memory_space<hbm>> -> memref<64xf32, #tpu.memory_space<hbm>>
        %dma_start3A_1133 = arith.constant 0 : i32
        %dma_start3A_1134 = tpu.memref_slice %arg6[%dma_start3A_1128, %dma_start3A_1133] : memref<2x64xf32, #tpu.memory_space<vmem>> -> memref<1x64xf32, #tpu.memory_space<vmem>>
        %dma_start3A_1135 = tpu.memref_squeeze %dma_start3A_1134 : memref<1x64xf32, #tpu.memory_space<vmem>> -> memref<64xf32, #tpu.memory_space<vmem>>
        %dma_start3A_1136 = tpu.memref_slice %arg3[%add3A_1127] : memref<524288xf32, #tpu.memory_space<hbm>> -> memref<64xf32, #tpu.memory_space<hbm>>
        tpu.enqueue_dma source(%dma_start3A_1136 : memref<64xf32, #tpu.memory_space<hbm>>) target(%dma_start3A_1135 : memref<64xf32, #tpu.memory_space<vmem>>) target_semaphore(%arg20 : memref<!tpu.dma_semaphore, #tpu.memory_space<semaphore_mem>>)
        %dma_start3A_1137 = arith.constant 1 : i32
        %dma_start3A_1138 = arith.constant 0 : i32
        %dma_start3A_1139 = tpu.memref_slice %arg7[%dma_start3A_1137, %dma_start3A_1138] : memref<2x64xf32, #tpu.memory_space<vmem>> -> memref<1x64xf32, #tpu.memory_space<vmem>>
        %dma_start3A_1140 = tpu.memref_squeeze %dma_start3A_1139 : memref<1x64xf32, #tpu.memory_space<vmem>> -> memref<64xf32, #tpu.memory_space<vmem>>
        %dma_start3A_1141 = tpu.memref_slice %arg4[%add3A_1127] : memref<524288xf32, #tpu.memory_space<hbm>> -> memref<64xf32, #tpu.memory_space<hbm>>
        %dma_start3A_1142 = arith.constant 0 : i32
        %dma_start3A_1143 = tpu.memref_slice %arg7[%dma_start3A_1137, %dma_start3A_1142] : memref<2x64xf32, #tpu.memory_space<vmem>> -> memref<1x64xf32, #tpu.memory_space<vmem>>
        %dma_start3A_1144 = tpu.memref_squeeze %dma_start3A_1143 : memref<1x64xf32, #tpu.memory_space<vmem>> -> memref<64xf32, #tpu.memory_space<vmem>>
        %dma_start3A_1145 = tpu.memref_slice %arg4[%add3A_1127] : memref<524288xf32, #tpu.memory_space<hbm>> -> memref<64xf32, #tpu.memory_space<hbm>>
        tpu.enqueue_dma source(%dma_start3A_1145 : memref<64xf32, #tpu.memory_space<hbm>>) target(%dma_start3A_1144 : memref<64xf32, #tpu.memory_space<vmem>>) target_semaphore(%arg20 : memref<!tpu.dma_semaphore, #tpu.memory_space<semaphore_mem>>)
        %dma_wait3A_1146 = arith.constant 0 : i32
        %dma_wait3A_1147 = arith.constant 0 : i32
        %dma_wait3A_1148 = tpu.memref_slice %arg6[%dma_wait3A_1146, %dma_wait3A_1147] : memref<2x64xf32, #tpu.memory_space<vmem>> -> memref<1x64xf32, #tpu.memory_space<vmem>>
        %dma_wait3A_1149 = tpu.memref_squeeze %dma_wait3A_1148 : memref<1x64xf32, #tpu.memory_space<vmem>> -> memref<64xf32, #tpu.memory_space<vmem>>
        %dma_wait3A_1150 = arith.constant 0 : i32
        %dma_wait3A_1151 = tpu.memref_slice %arg3[%dma_wait3A_1150] : memref<524288xf32, #tpu.memory_space<hbm>> -> memref<64xf32, #tpu.memory_space<hbm>>
        %dma_wait3A_1152 = arith.constant 0 : i32
        %dma_wait3A_1153 = tpu.memref_slice %arg6[%dma_wait3A_1146, %dma_wait3A_1152] : memref<2x64xf32, #tpu.memory_space<vmem>> -> memref<1x64xf32, #tpu.memory_space<vmem>>
        %dma_wait3A_1154 = tpu.memref_squeeze %dma_wait3A_1153 : memref<1x64xf32, #tpu.memory_space<vmem>> -> memref<64xf32, #tpu.memory_space<vmem>>
        %dma_wait3A_1155 = arith.constant 0 : i32
        %dma_wait3A_1156 = tpu.memref_slice %arg3[%dma_wait3A_1155] : memref<524288xf32, #tpu.memory_space<hbm>> -> memref<64xf32, #tpu.memory_space<hbm>>
        tpu.wait_dma2 semaphore(%arg19 : memref<!tpu.dma_semaphore, #tpu.memory_space<semaphore_mem>>) src(%dma_wait3A_1156 : memref<64xf32, #tpu.memory_space<hbm>>) dst(%dma_wait3A_1154 : memref<64xf32, #tpu.memory_space<vmem>>)
        %dma_wait3A_1157 = arith.constant 0 : i32
        %dma_wait3A_1158 = arith.constant 0 : i32
        %dma_wait3A_1159 = tpu.memref_slice %arg7[%dma_wait3A_1157, %dma_wait3A_1158] : memref<2x64xf32, #tpu.memory_space<vmem>> -> memref<1x64xf32, #tpu.memory_space<vmem>>
        %dma_wait3A_1160 = tpu.memref_squeeze %dma_wait3A_1159 : memref<1x64xf32, #tpu.memory_space<vmem>> -> memref<64xf32, #tpu.memory_space<vmem>>
        %dma_wait3A_1161 = arith.constant 0 : i32
        %dma_wait3A_1162 = tpu.memref_slice %arg4[%dma_wait3A_1161] : memref<524288xf32, #tpu.memory_space<hbm>> -> memref<64xf32, #tpu.memory_space<hbm>>
        %dma_wait3A_1163 = arith.constant 0 : i32
        %dma_wait3A_1164 = tpu.memref_slice %arg7[%dma_wait3A_1157, %dma_wait3A_1163] : memref<2x64xf32, #tpu.memory_space<vmem>> -> memref<1x64xf32, #tpu.memory_space<vmem>>
        %dma_wait3A_1165 = tpu.memref_squeeze %dma_wait3A_1164 : memref<1x64xf32, #tpu.memory_space<vmem>> -> memref<64xf32, #tpu.memory_space<vmem>>
        %dma_wait3A_1166 = arith.constant 0 : i32
        %dma_wait3A_1167 = tpu.memref_slice %arg4[%dma_wait3A_1166] : memref<524288xf32, #tpu.memory_space<hbm>> -> memref<64xf32, #tpu.memory_space<hbm>>
        tpu.wait_dma2 semaphore(%arg19 : memref<!tpu.dma_semaphore, #tpu.memory_space<semaphore_mem>>) src(%dma_wait3A_1167 : memref<64xf32, #tpu.memory_space<hbm>>) dst(%dma_wait3A_1165 : memref<64xf32, #tpu.memory_space<vmem>>)
        %add3A_1168 = arith.constant 2 : i32
        %add3A_1169 = arith.addi %mul3A_526, %add3A_1168 : i32
        %mul3A_1170 = arith.constant 64 : i32
        %mul3A_1171 = arith.muli %add3A_1169, %mul3A_1170 : i32
        %add3A_1172 = arith.addi %mul3A_2, %mul3A_1171 : i32
        %add3A_1173 = arith.constant 0 : i32
        %add3A_1174 = arith.addi %add3A_1172, %add3A_1173 : i32
        %add3A_1175 = vector.broadcast %add3A_1174 : i32 to vector<16xi32>
        %add3A_1176 = arith.addi %add3A_1175, %iota3A : vector<16xi32>
        %shift_right_logical3A_1177 = arith.constant 9 : i32
        %shift_right_logical3A_1178 = vector.broadcast %shift_right_logical3A_1177 : i32 to vector<16xi32>
        %shift_right_logical3A_1179 = arith.shrui %add3A_1176, %shift_right_logical3A_1178 : vector<16xi32>
        %and3A_1180 = arith.constant 511 : i32
        %and3A_1181 = vector.broadcast %and3A_1180 : i32 to vector<16xi32>
        %and3A_1182 = arith.andi %shift_right_logical3A_1179, %and3A_1181 : vector<16xi32>
        %and3A_1183 = arith.constant 511 : i32
        %and3A_1184 = vector.broadcast %and3A_1183 : i32 to vector<16xi32>
        %and3A_1185 = arith.andi %add3A_1176, %and3A_1184 : vector<16xi32>
        %convert_element_type3A_1186 = arith.sitofp %and3A_1182 : vector<16xi32> to vector<16xf32>
        %get3A_1187 = arith.constant 0 : i32
        %get3A_1188 = arith.index_cast %get3A_1187 : i32 to index
        %get3A_1189 = arith.constant 0 : index
        %get3A_1190 = tpu.vector_load %arg6[%get3A_1188, %get3A_1189] {strides = array<i32>} : memref<2x64xf32, #tpu.memory_space<vmem>>, vector<16xf32>,
        %add3A_1191 = arith.addf %convert_element_type3A_1186, %get3A_1190 : vector<16xf32>
        %convert_element_type3A_1192 = arith.sitofp %and3A_1185 : vector<16xi32> to vector<16xf32>
        %get3A_1193 = arith.constant 0 : i32
        %get3A_1194 = arith.index_cast %get3A_1193 : i32 to index
        %get3A_1195 = arith.constant 0 : index
        %get3A_1196 = tpu.vector_load %arg7[%get3A_1194, %get3A_1195] {strides = array<i32>} : memref<2x64xf32, #tpu.memory_space<vmem>>, vector<16xf32>,
        %add3A_1197 = arith.addf %convert_element_type3A_1192, %get3A_1196 : vector<16xf32>
        %jit3A_1198 = arith.constant 0.000000e+00 : f32
        %jit3A_1199 = arith.constant 5.110000e+02 : f32
        %max3A_1200 = vector.broadcast %jit3A_1198 : f32 to vector<16xf32>
        %max3A_1201 = arith.maximumf %max3A_1200, %add3A_1191 : vector<16xf32>
        %min3A_1202 = vector.broadcast %jit3A_1199 : f32 to vector<16xf32>
        %min3A_1203 = arith.minimumf %min3A_1202, %max3A_1201 : vector<16xf32>
        %jit3A_1204 = arith.constant 0.000000e+00 : f32
        %jit3A_1205 = arith.constant 5.110000e+02 : f32
        %max3A_1206 = vector.broadcast %jit3A_1204 : f32 to vector<16xf32>
        %max3A_1207 = arith.maximumf %max3A_1206, %add3A_1197 : vector<16xf32>
        %min3A_1208 = vector.broadcast %jit3A_1205 : f32 to vector<16xf32>
        %min3A_1209 = arith.minimumf %min3A_1208, %max3A_1207 : vector<16xf32>
        %convert_element_type3A_1210 = arith.fptosi %min3A_1203 : vector<16xf32> to vector<16xi32>
        %min3A_1211 = arith.constant 510 : i32
        %min3A_1212 = vector.broadcast %min3A_1211 : i32 to vector<16xi32>
        %min3A_1213 = arith.minsi %convert_element_type3A_1210, %min3A_1212 : vector<16xi32>
        %convert_element_type3A_1214 = arith.fptosi %min3A_1209 : vector<16xf32> to vector<16xi32>
        %min3A_1215 = arith.constant 510 : i32
        %min3A_1216 = vector.broadcast %min3A_1215 : i32 to vector<16xi32>
        %min3A_1217 = arith.minsi %convert_element_type3A_1214, %min3A_1216 : vector<16xi32>
        %convert_element_type3A_1218 = arith.sitofp %min3A_1213 : vector<16xi32> to vector<16xf32>
        %sub3A_1219 = arith.subf %min3A_1203, %convert_element_type3A_1218 : vector<16xf32>
        %swap3A_1220 = arith.constant 0 : i32
        %swap3A_1221 = arith.index_cast %swap3A_1220 : i32 to index
        %swap3A_1222 = arith.constant 0 : index
        %swap3A_1223 = tpu.vector_load %arg8[%swap3A_1221, %swap3A_1222] {strides = array<i32>} : memref<2x80xf32, #tpu.memory_space<vmem>>, vector<16xf32>,
        tpu.vector_store %arg8[%swap3A_1221, %swap3A_1222], %sub3A_1219 {strides = array<i32>} : memref<2x80xf32, #tpu.memory_space<vmem>>, vector<16xf32>,
        %convert_element_type3A_1224 = arith.sitofp %min3A_1217 : vector<16xi32> to vector<16xf32>
        %sub3A_1225 = arith.subf %min3A_1209, %convert_element_type3A_1224 : vector<16xf32>
        %swap3A_1226 = arith.constant 0 : i32
        %swap3A_1227 = arith.index_cast %swap3A_1226 : i32 to index
        %swap3A_1228 = arith.constant 0 : index
        %swap3A_1229 = tpu.vector_load %arg9[%swap3A_1227, %swap3A_1228] {strides = array<i32>} : memref<2x80xf32, #tpu.memory_space<vmem>>, vector<16xf32>,
        tpu.vector_store %arg9[%swap3A_1227, %swap3A_1228], %sub3A_1225 {strides = array<i32>} : memref<2x80xf32, #tpu.memory_space<vmem>>, vector<16xf32>,
        %mul3A_1230 = arith.constant 512 : i32
        %mul3A_1231 = vector.broadcast %mul3A_1230 : i32 to vector<16xi32>
        %mul3A_1232 = arith.muli %min3A_1213, %mul3A_1231 : vector<16xi32>
        %add3A_1233 = vector.broadcast %mul3A_20 : i32 to vector<16xi32>
        %add3A_1234 = arith.addi %add3A_1233, %mul3A_1232 : vector<16xi32>
        %add3A_1235 = arith.addi %add3A_1234, %min3A_1217 : vector<16xi32>
        %swap3A_1236 = arith.constant 0 : i32
        %swap3A_1237 = arith.index_cast %swap3A_1236 : i32 to index
        %swap3A_1238 = arith.constant 0 : index
        %swap3A_1239 = tpu.vector_load %arg10[%swap3A_1237, %swap3A_1238] {strides = array<i32>} : memref<2x64xi32, #tpu.memory_space<vmem>>, vector<16xi32>,
        tpu.vector_store %arg10[%swap3A_1237, %swap3A_1238], %add3A_1235 {strides = array<i32>} : memref<2x64xi32, #tpu.memory_space<vmem>>, vector<16xi32>,
        %add3A_1240 = arith.constant 1 : i32
        %add3A_1241 = vector.broadcast %add3A_1240 : i32 to vector<16xi32>
        %add3A_1242 = arith.addi %add3A_1235, %add3A_1241 : vector<16xi32>
        %swap3A_1243 = arith.constant 0 : i32
        %swap3A_1244 = arith.index_cast %swap3A_1243 : i32 to index
        %swap3A_1245 = arith.constant 0 : index
        %swap3A_1246 = tpu.vector_load %arg11[%swap3A_1244, %swap3A_1245] {strides = array<i32>} : memref<2x64xi32, #tpu.memory_space<vmem>>, vector<16xi32>,
        tpu.vector_store %arg11[%swap3A_1244, %swap3A_1245], %add3A_1242 {strides = array<i32>} : memref<2x64xi32, #tpu.memory_space<vmem>>, vector<16xi32>,
        %add3A_1247 = arith.constant 512 : i32
        %add3A_1248 = vector.broadcast %add3A_1247 : i32 to vector<16xi32>
        %add3A_1249 = arith.addi %add3A_1235, %add3A_1248 : vector<16xi32>
        %swap3A_1250 = arith.constant 0 : i32
        %swap3A_1251 = arith.index_cast %swap3A_1250 : i32 to index
        %swap3A_1252 = arith.constant 0 : index
        %swap3A_1253 = tpu.vector_load %arg12[%swap3A_1251, %swap3A_1252] {strides = array<i32>} : memref<2x64xi32, #tpu.memory_space<vmem>>, vector<16xi32>,
        tpu.vector_store %arg12[%swap3A_1251, %swap3A_1252], %add3A_1249 {strides = array<i32>} : memref<2x64xi32, #tpu.memory_space<vmem>>, vector<16xi32>,
        %add3A_1254 = arith.constant 512 : i32
        %add3A_1255 = vector.broadcast %add3A_1254 : i32 to vector<16xi32>
        %add3A_1256 = arith.addi %add3A_1235, %add3A_1255 : vector<16xi32>
        %add3A_1257 = arith.constant 1 : i32
        %add3A_1258 = vector.broadcast %add3A_1257 : i32 to vector<16xi32>
        %add3A_1259 = arith.addi %add3A_1256, %add3A_1258 : vector<16xi32>
        %swap3A_1260 = arith.constant 0 : i32
        %swap3A_1261 = arith.index_cast %swap3A_1260 : i32 to index
        %swap3A_1262 = arith.constant 0 : index
        %swap3A_1263 = tpu.vector_load %arg13[%swap3A_1261, %swap3A_1262] {strides = array<i32>} : memref<2x64xi32, #tpu.memory_space<vmem>>, vector<16xi32>,
        tpu.vector_store %arg13[%swap3A_1261, %swap3A_1262], %add3A_1259 {strides = array<i32>} : memref<2x64xi32, #tpu.memory_space<vmem>>, vector<16xi32>,
        %add3A_1264 = arith.constant 16 : i32
        %add3A_1265 = arith.addi %add3A_1172, %add3A_1264 : i32
        %add3A_1266 = vector.broadcast %add3A_1265 : i32 to vector<16xi32>
        %add3A_1267 = arith.addi %add3A_1266, %iota3A : vector<16xi32>
        %shift_right_logical3A_1268 = arith.constant 9 : i32
        %shift_right_logical3A_1269 = vector.broadcast %shift_right_logical3A_1268 : i32 to vector<16xi32>
        %shift_right_logical3A_1270 = arith.shrui %add3A_1267, %shift_right_logical3A_1269 : vector<16xi32>
        %and3A_1271 = arith.constant 511 : i32
        %and3A_1272 = vector.broadcast %and3A_1271 : i32 to vector<16xi32>
        %and3A_1273 = arith.andi %shift_right_logical3A_1270, %and3A_1272 : vector<16xi32>
        %and3A_1274 = arith.constant 511 : i32
        %and3A_1275 = vector.broadcast %and3A_1274 : i32 to vector<16xi32>
        %and3A_1276 = arith.andi %add3A_1267, %and3A_1275 : vector<16xi32>
        %convert_element_type3A_1277 = arith.sitofp %and3A_1273 : vector<16xi32> to vector<16xf32>
        %get3A_1278 = arith.constant 0 : i32
        %get3A_1279 = arith.index_cast %get3A_1278 : i32 to index
        %get3A_1280 = arith.constant 16 : index
        %get3A_1281 = tpu.vector_load %arg6[%get3A_1279, %get3A_1280] {strides = array<i32>} : memref<2x64xf32, #tpu.memory_space<vmem>>, vector<16xf32>,
        %add3A_1282 = arith.addf %convert_element_type3A_1277, %get3A_1281 : vector<16xf32>
        %convert_element_type3A_1283 = arith.sitofp %and3A_1276 : vector<16xi32> to vector<16xf32>
        %get3A_1284 = arith.constant 0 : i32
        %get3A_1285 = arith.index_cast %get3A_1284 : i32 to index
        %get3A_1286 = arith.constant 16 : index
        %get3A_1287 = tpu.vector_load %arg7[%get3A_1285, %get3A_1286] {strides = array<i32>} : memref<2x64xf32, #tpu.memory_space<vmem>>, vector<16xf32>,
        %add3A_1288 = arith.addf %convert_element_type3A_1283, %get3A_1287 : vector<16xf32>
        %jit3A_1289 = arith.constant 0.000000e+00 : f32
        %jit3A_1290 = arith.constant 5.110000e+02 : f32
        %max3A_1291 = vector.broadcast %jit3A_1289 : f32 to vector<16xf32>
        %max3A_1292 = arith.maximumf %max3A_1291, %add3A_1282 : vector<16xf32>
        %min3A_1293 = vector.broadcast %jit3A_1290 : f32 to vector<16xf32>
        %min3A_1294 = arith.minimumf %min3A_1293, %max3A_1292 : vector<16xf32>
        %jit3A_1295 = arith.constant 0.000000e+00 : f32
        %jit3A_1296 = arith.constant 5.110000e+02 : f32
        %max3A_1297 = vector.broadcast %jit3A_1295 : f32 to vector<16xf32>
        %max3A_1298 = arith.maximumf %max3A_1297, %add3A_1288 : vector<16xf32>
        %min3A_1299 = vector.broadcast %jit3A_1296 : f32 to vector<16xf32>
        %min3A_1300 = arith.minimumf %min3A_1299, %max3A_1298 : vector<16xf32>
        %convert_element_type3A_1301 = arith.fptosi %min3A_1294 : vector<16xf32> to vector<16xi32>
        %min3A_1302 = arith.constant 510 : i32
        %min3A_1303 = vector.broadcast %min3A_1302 : i32 to vector<16xi32>
        %min3A_1304 = arith.minsi %convert_element_type3A_1301, %min3A_1303 : vector<16xi32>
        %convert_element_type3A_1305 = arith.fptosi %min3A_1300 : vector<16xf32> to vector<16xi32>
        %min3A_1306 = arith.constant 510 : i32
        %min3A_1307 = vector.broadcast %min3A_1306 : i32 to vector<16xi32>
        %min3A_1308 = arith.minsi %convert_element_type3A_1305, %min3A_1307 : vector<16xi32>
        %convert_element_type3A_1309 = arith.sitofp %min3A_1304 : vector<16xi32> to vector<16xf32>
        %sub3A_1310 = arith.subf %min3A_1294, %convert_element_type3A_1309 : vector<16xf32>
        %swap3A_1311 = arith.constant 0 : i32
        %swap3A_1312 = arith.index_cast %swap3A_1311 : i32 to index
        %swap3A_1313 = arith.constant 16 : index
        %swap3A_1314 = tpu.vector_load %arg8[%swap3A_1312, %swap3A_1313] {strides = array<i32>} : memref<2x80xf32, #tpu.memory_space<vmem>>, vector<16xf32>,
        tpu.vector_store %arg8[%swap3A_1312, %swap3A_1313], %sub3A_1310 {strides = array<i32>} : memref<2x80xf32, #tpu.memory_space<vmem>>, vector<16xf32>,
        %convert_element_type3A_1315 = arith.sitofp %min3A_1308 : vector<16xi32> to vector<16xf32>
        %sub3A_1316 = arith.subf %min3A_1300, %convert_element_type3A_1315 : vector<16xf32>
        %swap3A_1317 = arith.constant 0 : i32
        %swap3A_1318 = arith.index_cast %swap3A_1317 : i32 to index
        %swap3A_1319 = arith.constant 16 : index
        %swap3A_1320 = tpu.vector_load %arg9[%swap3A_1318, %swap3A_1319] {strides = array<i32>} : memref<2x80xf32, #tpu.memory_space<vmem>>, vector<16xf32>,
        tpu.vector_store %arg9[%swap3A_1318, %swap3A_1319], %sub3A_1316 {strides = array<i32>} : memref<2x80xf32, #tpu.memory_space<vmem>>, vector<16xf32>,
        %mul3A_1321 = arith.constant 512 : i32
        %mul3A_1322 = vector.broadcast %mul3A_1321 : i32 to vector<16xi32>
        %mul3A_1323 = arith.muli %min3A_1304, %mul3A_1322 : vector<16xi32>
        %add3A_1324 = vector.broadcast %mul3A_20 : i32 to vector<16xi32>
        %add3A_1325 = arith.addi %add3A_1324, %mul3A_1323 : vector<16xi32>
        %add3A_1326 = arith.addi %add3A_1325, %min3A_1308 : vector<16xi32>
        %swap3A_1327 = arith.constant 0 : i32
        %swap3A_1328 = arith.index_cast %swap3A_1327 : i32 to index
        %swap3A_1329 = arith.constant 16 : index
        %swap3A_1330 = tpu.vector_load %arg10[%swap3A_1328, %swap3A_1329] {strides = array<i32>} : memref<2x64xi32, #tpu.memory_space<vmem>>, vector<16xi32>,
        tpu.vector_store %arg10[%swap3A_1328, %swap3A_1329], %add3A_1326 {strides = array<i32>} : memref<2x64xi32, #tpu.memory_space<vmem>>, vector<16xi32>,
        %add3A_1331 = arith.constant 1 : i32
        %add3A_1332 = vector.broadcast %add3A_1331 : i32 to vector<16xi32>
        %add3A_1333 = arith.addi %add3A_1326, %add3A_1332 : vector<16xi32>
        %swap3A_1334 = arith.constant 0 : i32
        %swap3A_1335 = arith.index_cast %swap3A_1334 : i32 to index
        %swap3A_1336 = arith.constant 16 : index
        %swap3A_1337 = tpu.vector_load %arg11[%swap3A_1335, %swap3A_1336] {strides = array<i32>} : memref<2x64xi32, #tpu.memory_space<vmem>>, vector<16xi32>,
        tpu.vector_store %arg11[%swap3A_1335, %swap3A_1336], %add3A_1333 {strides = array<i32>} : memref<2x64xi32, #tpu.memory_space<vmem>>, vector<16xi32>,
        %add3A_1338 = arith.constant 512 : i32
        %add3A_1339 = vector.broadcast %add3A_1338 : i32 to vector<16xi32>
        %add3A_1340 = arith.addi %add3A_1326, %add3A_1339 : vector<16xi32>
        %swap3A_1341 = arith.constant 0 : i32
        %swap3A_1342 = arith.index_cast %swap3A_1341 : i32 to index
        %swap3A_1343 = arith.constant 16 : index
        %swap3A_1344 = tpu.vector_load %arg12[%swap3A_1342, %swap3A_1343] {strides = array<i32>} : memref<2x64xi32, #tpu.memory_space<vmem>>, vector<16xi32>,
        tpu.vector_store %arg12[%swap3A_1342, %swap3A_1343], %add3A_1340 {strides = array<i32>} : memref<2x64xi32, #tpu.memory_space<vmem>>, vector<16xi32>,
        %add3A_1345 = arith.constant 512 : i32
        %add3A_1346 = vector.broadcast %add3A_1345 : i32 to vector<16xi32>
        %add3A_1347 = arith.addi %add3A_1326, %add3A_1346 : vector<16xi32>
        %add3A_1348 = arith.constant 1 : i32
        %add3A_1349 = vector.broadcast %add3A_1348 : i32 to vector<16xi32>
        %add3A_1350 = arith.addi %add3A_1347, %add3A_1349 : vector<16xi32>
        %swap3A_1351 = arith.constant 0 : i32
        %swap3A_1352 = arith.index_cast %swap3A_1351 : i32 to index
        %swap3A_1353 = arith.constant 16 : index
        %swap3A_1354 = tpu.vector_load %arg13[%swap3A_1352, %swap3A_1353] {strides = array<i32>} : memref<2x64xi32, #tpu.memory_space<vmem>>, vector<16xi32>,
        tpu.vector_store %arg13[%swap3A_1352, %swap3A_1353], %add3A_1350 {strides = array<i32>} : memref<2x64xi32, #tpu.memory_space<vmem>>, vector<16xi32>,
        %add3A_1355 = arith.constant 32 : i32
        %add3A_1356 = arith.addi %add3A_1172, %add3A_1355 : i32
        %add3A_1357 = vector.broadcast %add3A_1356 : i32 to vector<16xi32>
        %add3A_1358 = arith.addi %add3A_1357, %iota3A : vector<16xi32>
        %shift_right_logical3A_1359 = arith.constant 9 : i32
        %shift_right_logical3A_1360 = vector.broadcast %shift_right_logical3A_1359 : i32 to vector<16xi32>
        %shift_right_logical3A_1361 = arith.shrui %add3A_1358, %shift_right_logical3A_1360 : vector<16xi32>
        %and3A_1362 = arith.constant 511 : i32
        %and3A_1363 = vector.broadcast %and3A_1362 : i32 to vector<16xi32>
        %and3A_1364 = arith.andi %shift_right_logical3A_1361, %and3A_1363 : vector<16xi32>
        %and3A_1365 = arith.constant 511 : i32
        %and3A_1366 = vector.broadcast %and3A_1365 : i32 to vector<16xi32>
        %and3A_1367 = arith.andi %add3A_1358, %and3A_1366 : vector<16xi32>
        %convert_element_type3A_1368 = arith.sitofp %and3A_1364 : vector<16xi32> to vector<16xf32>
        %get3A_1369 = arith.constant 0 : i32
        %get3A_1370 = arith.index_cast %get3A_1369 : i32 to index
        %get3A_1371 = arith.constant 32 : index
        %get3A_1372 = tpu.vector_load %arg6[%get3A_1370, %get3A_1371] {strides = array<i32>} : memref<2x64xf32, #tpu.memory_space<vmem>>, vector<16xf32>,
        %add3A_1373 = arith.addf %convert_element_type3A_1368, %get3A_1372 : vector<16xf32>
        %convert_element_type3A_1374 = arith.sitofp %and3A_1367 : vector<16xi32> to vector<16xf32>
        %get3A_1375 = arith.constant 0 : i32
        %get3A_1376 = arith.index_cast %get3A_1375 : i32 to index
        %get3A_1377 = arith.constant 32 : index
        %get3A_1378 = tpu.vector_load %arg7[%get3A_1376, %get3A_1377] {strides = array<i32>} : memref<2x64xf32, #tpu.memory_space<vmem>>, vector<16xf32>,
        %add3A_1379 = arith.addf %convert_element_type3A_1374, %get3A_1378 : vector<16xf32>
        %jit3A_1380 = arith.constant 0.000000e+00 : f32
        %jit3A_1381 = arith.constant 5.110000e+02 : f32
        %max3A_1382 = vector.broadcast %jit3A_1380 : f32 to vector<16xf32>
        %max3A_1383 = arith.maximumf %max3A_1382, %add3A_1373 : vector<16xf32>
        %min3A_1384 = vector.broadcast %jit3A_1381 : f32 to vector<16xf32>
        %min3A_1385 = arith.minimumf %min3A_1384, %max3A_1383 : vector<16xf32>
        %jit3A_1386 = arith.constant 0.000000e+00 : f32
        %jit3A_1387 = arith.constant 5.110000e+02 : f32
        %max3A_1388 = vector.broadcast %jit3A_1386 : f32 to vector<16xf32>
        %max3A_1389 = arith.maximumf %max3A_1388, %add3A_1379 : vector<16xf32>
        %min3A_1390 = vector.broadcast %jit3A_1387 : f32 to vector<16xf32>
        %min3A_1391 = arith.minimumf %min3A_1390, %max3A_1389 : vector<16xf32>
        %convert_element_type3A_1392 = arith.fptosi %min3A_1385 : vector<16xf32> to vector<16xi32>
        %min3A_1393 = arith.constant 510 : i32
        %min3A_1394 = vector.broadcast %min3A_1393 : i32 to vector<16xi32>
        %min3A_1395 = arith.minsi %convert_element_type3A_1392, %min3A_1394 : vector<16xi32>
        %convert_element_type3A_1396 = arith.fptosi %min3A_1391 : vector<16xf32> to vector<16xi32>
        %min3A_1397 = arith.constant 510 : i32
        %min3A_1398 = vector.broadcast %min3A_1397 : i32 to vector<16xi32>
        %min3A_1399 = arith.minsi %convert_element_type3A_1396, %min3A_1398 : vector<16xi32>
        %convert_element_type3A_1400 = arith.sitofp %min3A_1395 : vector<16xi32> to vector<16xf32>
        %sub3A_1401 = arith.subf %min3A_1385, %convert_element_type3A_1400 : vector<16xf32>
        %swap3A_1402 = arith.constant 0 : i32
        %swap3A_1403 = arith.index_cast %swap3A_1402 : i32 to index
        %swap3A_1404 = arith.constant 32 : index
        %swap3A_1405 = tpu.vector_load %arg8[%swap3A_1403, %swap3A_1404] {strides = array<i32>} : memref<2x80xf32, #tpu.memory_space<vmem>>, vector<16xf32>,
        tpu.vector_store %arg8[%swap3A_1403, %swap3A_1404], %sub3A_1401 {strides = array<i32>} : memref<2x80xf32, #tpu.memory_space<vmem>>, vector<16xf32>,
        %convert_element_type3A_1406 = arith.sitofp %min3A_1399 : vector<16xi32> to vector<16xf32>
        %sub3A_1407 = arith.subf %min3A_1391, %convert_element_type3A_1406 : vector<16xf32>
        %swap3A_1408 = arith.constant 0 : i32
        %swap3A_1409 = arith.index_cast %swap3A_1408 : i32 to index
        %swap3A_1410 = arith.constant 32 : index
        %swap3A_1411 = tpu.vector_load %arg9[%swap3A_1409, %swap3A_1410] {strides = array<i32>} : memref<2x80xf32, #tpu.memory_space<vmem>>, vector<16xf32>,
        tpu.vector_store %arg9[%swap3A_1409, %swap3A_1410], %sub3A_1407 {strides = array<i32>} : memref<2x80xf32, #tpu.memory_space<vmem>>, vector<16xf32>,
        %mul3A_1412 = arith.constant 512 : i32
        %mul3A_1413 = vector.broadcast %mul3A_1412 : i32 to vector<16xi32>
        %mul3A_1414 = arith.muli %min3A_1395, %mul3A_1413 : vector<16xi32>
        %add3A_1415 = vector.broadcast %mul3A_20 : i32 to vector<16xi32>
        %add3A_1416 = arith.addi %add3A_1415, %mul3A_1414 : vector<16xi32>
        %add3A_1417 = arith.addi %add3A_1416, %min3A_1399 : vector<16xi32>
        %swap3A_1418 = arith.constant 0 : i32
        %swap3A_1419 = arith.index_cast %swap3A_1418 : i32 to index
        %swap3A_1420 = arith.constant 32 : index
        %swap3A_1421 = tpu.vector_load %arg10[%swap3A_1419, %swap3A_1420] {strides = array<i32>} : memref<2x64xi32, #tpu.memory_space<vmem>>, vector<16xi32>,
        tpu.vector_store %arg10[%swap3A_1419, %swap3A_1420], %add3A_1417 {strides = array<i32>} : memref<2x64xi32, #tpu.memory_space<vmem>>, vector<16xi32>,
        %add3A_1422 = arith.constant 1 : i32
        %add3A_1423 = vector.broadcast %add3A_1422 : i32 to vector<16xi32>
        %add3A_1424 = arith.addi %add3A_1417, %add3A_1423 : vector<16xi32>
        %swap3A_1425 = arith.constant 0 : i32
        %swap3A_1426 = arith.index_cast %swap3A_1425 : i32 to index
        %swap3A_1427 = arith.constant 32 : index
        %swap3A_1428 = tpu.vector_load %arg11[%swap3A_1426, %swap3A_1427] {strides = array<i32>} : memref<2x64xi32, #tpu.memory_space<vmem>>, vector<16xi32>,
        tpu.vector_store %arg11[%swap3A_1426, %swap3A_1427], %add3A_1424 {strides = array<i32>} : memref<2x64xi32, #tpu.memory_space<vmem>>, vector<16xi32>,
        %add3A_1429 = arith.constant 512 : i32
        %add3A_1430 = vector.broadcast %add3A_1429 : i32 to vector<16xi32>
        %add3A_1431 = arith.addi %add3A_1417, %add3A_1430 : vector<16xi32>
        %swap3A_1432 = arith.constant 0 : i32
        %swap3A_1433 = arith.index_cast %swap3A_1432 : i32 to index
        %swap3A_1434 = arith.constant 32 : index
        %swap3A_1435 = tpu.vector_load %arg12[%swap3A_1433, %swap3A_1434] {strides = array<i32>} : memref<2x64xi32, #tpu.memory_space<vmem>>, vector<16xi32>,
        tpu.vector_store %arg12[%swap3A_1433, %swap3A_1434], %add3A_1431 {strides = array<i32>} : memref<2x64xi32, #tpu.memory_space<vmem>>, vector<16xi32>,
        %add3A_1436 = arith.constant 512 : i32
        %add3A_1437 = vector.broadcast %add3A_1436 : i32 to vector<16xi32>
        %add3A_1438 = arith.addi %add3A_1417, %add3A_1437 : vector<16xi32>
        %add3A_1439 = arith.constant 1 : i32
        %add3A_1440 = vector.broadcast %add3A_1439 : i32 to vector<16xi32>
        %add3A_1441 = arith.addi %add3A_1438, %add3A_1440 : vector<16xi32>
        %swap3A_1442 = arith.constant 0 : i32
        %swap3A_1443 = arith.index_cast %swap3A_1442 : i32 to index
        %swap3A_1444 = arith.constant 32 : index
        %swap3A_1445 = tpu.vector_load %arg13[%swap3A_1443, %swap3A_1444] {strides = array<i32>} : memref<2x64xi32, #tpu.memory_space<vmem>>, vector<16xi32>,
        tpu.vector_store %arg13[%swap3A_1443, %swap3A_1444], %add3A_1441 {strides = array<i32>} : memref<2x64xi32, #tpu.memory_space<vmem>>, vector<16xi32>,
        %add3A_1446 = arith.constant 48 : i32
        %add3A_1447 = arith.addi %add3A_1172, %add3A_1446 : i32
        %add3A_1448 = vector.broadcast %add3A_1447 : i32 to vector<16xi32>
        %add3A_1449 = arith.addi %add3A_1448, %iota3A : vector<16xi32>
        %shift_right_logical3A_1450 = arith.constant 9 : i32
        %shift_right_logical3A_1451 = vector.broadcast %shift_right_logical3A_1450 : i32 to vector<16xi32>
        %shift_right_logical3A_1452 = arith.shrui %add3A_1449, %shift_right_logical3A_1451 : vector<16xi32>
        %and3A_1453 = arith.constant 511 : i32
        %and3A_1454 = vector.broadcast %and3A_1453 : i32 to vector<16xi32>
        %and3A_1455 = arith.andi %shift_right_logical3A_1452, %and3A_1454 : vector<16xi32>
        %and3A_1456 = arith.constant 511 : i32
        %and3A_1457 = vector.broadcast %and3A_1456 : i32 to vector<16xi32>
        %and3A_1458 = arith.andi %add3A_1449, %and3A_1457 : vector<16xi32>
        %convert_element_type3A_1459 = arith.sitofp %and3A_1455 : vector<16xi32> to vector<16xf32>
        %get3A_1460 = arith.constant 0 : i32
        %get3A_1461 = arith.index_cast %get3A_1460 : i32 to index
        %get3A_1462 = arith.constant 48 : index
        %get3A_1463 = tpu.vector_load %arg6[%get3A_1461, %get3A_1462] {strides = array<i32>} : memref<2x64xf32, #tpu.memory_space<vmem>>, vector<16xf32>,
        %add3A_1464 = arith.addf %convert_element_type3A_1459, %get3A_1463 : vector<16xf32>
        %convert_element_type3A_1465 = arith.sitofp %and3A_1458 : vector<16xi32> to vector<16xf32>
        %get3A_1466 = arith.constant 0 : i32
        %get3A_1467 = arith.index_cast %get3A_1466 : i32 to index
        %get3A_1468 = arith.constant 48 : index
        %get3A_1469 = tpu.vector_load %arg7[%get3A_1467, %get3A_1468] {strides = array<i32>} : memref<2x64xf32, #tpu.memory_space<vmem>>, vector<16xf32>,
        %add3A_1470 = arith.addf %convert_element_type3A_1465, %get3A_1469 : vector<16xf32>
        %jit3A_1471 = arith.constant 0.000000e+00 : f32
        %jit3A_1472 = arith.constant 5.110000e+02 : f32
        %max3A_1473 = vector.broadcast %jit3A_1471 : f32 to vector<16xf32>
        %max3A_1474 = arith.maximumf %max3A_1473, %add3A_1464 : vector<16xf32>
        %min3A_1475 = vector.broadcast %jit3A_1472 : f32 to vector<16xf32>
        %min3A_1476 = arith.minimumf %min3A_1475, %max3A_1474 : vector<16xf32>
        %jit3A_1477 = arith.constant 0.000000e+00 : f32
        %jit3A_1478 = arith.constant 5.110000e+02 : f32
        %max3A_1479 = vector.broadcast %jit3A_1477 : f32 to vector<16xf32>
        %max3A_1480 = arith.maximumf %max3A_1479, %add3A_1470 : vector<16xf32>
        %min3A_1481 = vector.broadcast %jit3A_1478 : f32 to vector<16xf32>
        %min3A_1482 = arith.minimumf %min3A_1481, %max3A_1480 : vector<16xf32>
        %convert_element_type3A_1483 = arith.fptosi %min3A_1476 : vector<16xf32> to vector<16xi32>
        %min3A_1484 = arith.constant 510 : i32
        %min3A_1485 = vector.broadcast %min3A_1484 : i32 to vector<16xi32>
        %min3A_1486 = arith.minsi %convert_element_type3A_1483, %min3A_1485 : vector<16xi32>
        %convert_element_type3A_1487 = arith.fptosi %min3A_1482 : vector<16xf32> to vector<16xi32>
        %min3A_1488 = arith.constant 510 : i32
        %min3A_1489 = vector.broadcast %min3A_1488 : i32 to vector<16xi32>
        %min3A_1490 = arith.minsi %convert_element_type3A_1487, %min3A_1489 : vector<16xi32>
        %convert_element_type3A_1491 = arith.sitofp %min3A_1486 : vector<16xi32> to vector<16xf32>
        %sub3A_1492 = arith.subf %min3A_1476, %convert_element_type3A_1491 : vector<16xf32>
        %swap3A_1493 = arith.constant 0 : i32
        %swap3A_1494 = arith.index_cast %swap3A_1493 : i32 to index
        %swap3A_1495 = arith.constant 48 : index
        %swap3A_1496 = tpu.vector_load %arg8[%swap3A_1494, %swap3A_1495] {strides = array<i32>} : memref<2x80xf32, #tpu.memory_space<vmem>>, vector<16xf32>,
        tpu.vector_store %arg8[%swap3A_1494, %swap3A_1495], %sub3A_1492 {strides = array<i32>} : memref<2x80xf32, #tpu.memory_space<vmem>>, vector<16xf32>,
        %convert_element_type3A_1497 = arith.sitofp %min3A_1490 : vector<16xi32> to vector<16xf32>
        %sub3A_1498 = arith.subf %min3A_1482, %convert_element_type3A_1497 : vector<16xf32>
        %swap3A_1499 = arith.constant 0 : i32
        %swap3A_1500 = arith.index_cast %swap3A_1499 : i32 to index
        %swap3A_1501 = arith.constant 48 : index
        %swap3A_1502 = tpu.vector_load %arg9[%swap3A_1500, %swap3A_1501] {strides = array<i32>} : memref<2x80xf32, #tpu.memory_space<vmem>>, vector<16xf32>,
        tpu.vector_store %arg9[%swap3A_1500, %swap3A_1501], %sub3A_1498 {strides = array<i32>} : memref<2x80xf32, #tpu.memory_space<vmem>>, vector<16xf32>,
        %mul3A_1503 = arith.constant 512 : i32
        %mul3A_1504 = vector.broadcast %mul3A_1503 : i32 to vector<16xi32>
        %mul3A_1505 = arith.muli %min3A_1486, %mul3A_1504 : vector<16xi32>
        %add3A_1506 = vector.broadcast %mul3A_20 : i32 to vector<16xi32>
        %add3A_1507 = arith.addi %add3A_1506, %mul3A_1505 : vector<16xi32>
        %add3A_1508 = arith.addi %add3A_1507, %min3A_1490 : vector<16xi32>
        %swap3A_1509 = arith.constant 0 : i32
        %swap3A_1510 = arith.index_cast %swap3A_1509 : i32 to index
        %swap3A_1511 = arith.constant 48 : index
        %swap3A_1512 = tpu.vector_load %arg10[%swap3A_1510, %swap3A_1511] {strides = array<i32>} : memref<2x64xi32, #tpu.memory_space<vmem>>, vector<16xi32>,
        tpu.vector_store %arg10[%swap3A_1510, %swap3A_1511], %add3A_1508 {strides = array<i32>} : memref<2x64xi32, #tpu.memory_space<vmem>>, vector<16xi32>,
        %add3A_1513 = arith.constant 1 : i32
        %add3A_1514 = vector.broadcast %add3A_1513 : i32 to vector<16xi32>
        %add3A_1515 = arith.addi %add3A_1508, %add3A_1514 : vector<16xi32>
        %swap3A_1516 = arith.constant 0 : i32
        %swap3A_1517 = arith.index_cast %swap3A_1516 : i32 to index
        %swap3A_1518 = arith.constant 48 : index
        %swap3A_1519 = tpu.vector_load %arg11[%swap3A_1517, %swap3A_1518] {strides = array<i32>} : memref<2x64xi32, #tpu.memory_space<vmem>>, vector<16xi32>,
        tpu.vector_store %arg11[%swap3A_1517, %swap3A_1518], %add3A_1515 {strides = array<i32>} : memref<2x64xi32, #tpu.memory_space<vmem>>, vector<16xi32>,
        %add3A_1520 = arith.constant 512 : i32
        %add3A_1521 = vector.broadcast %add3A_1520 : i32 to vector<16xi32>
        %add3A_1522 = arith.addi %add3A_1508, %add3A_1521 : vector<16xi32>
        %swap3A_1523 = arith.constant 0 : i32
        %swap3A_1524 = arith.index_cast %swap3A_1523 : i32 to index
        %swap3A_1525 = arith.constant 48 : index
        %swap3A_1526 = tpu.vector_load %arg12[%swap3A_1524, %swap3A_1525] {strides = array<i32>} : memref<2x64xi32, #tpu.memory_space<vmem>>, vector<16xi32>,
        tpu.vector_store %arg12[%swap3A_1524, %swap3A_1525], %add3A_1522 {strides = array<i32>} : memref<2x64xi32, #tpu.memory_space<vmem>>, vector<16xi32>,
        %add3A_1527 = arith.constant 512 : i32
        %add3A_1528 = vector.broadcast %add3A_1527 : i32 to vector<16xi32>
        %add3A_1529 = arith.addi %add3A_1508, %add3A_1528 : vector<16xi32>
        %add3A_1530 = arith.constant 1 : i32
        %add3A_1531 = vector.broadcast %add3A_1530 : i32 to vector<16xi32>
        %add3A_1532 = arith.addi %add3A_1529, %add3A_1531 : vector<16xi32>
        %swap3A_1533 = arith.constant 0 : i32
        %swap3A_1534 = arith.index_cast %swap3A_1533 : i32 to index
        %swap3A_1535 = arith.constant 48 : index
        %swap3A_1536 = tpu.vector_load %arg13[%swap3A_1534, %swap3A_1535] {strides = array<i32>} : memref<2x64xi32, #tpu.memory_space<vmem>>, vector<16xi32>,
        tpu.vector_store %arg13[%swap3A_1534, %swap3A_1535], %add3A_1532 {strides = array<i32>} : memref<2x64xi32, #tpu.memory_space<vmem>>, vector<16xi32>,
        %dma_start3A_1537 = arith.constant 0 : i32
        %dma_start3A_1538 = arith.constant 0 : i32
        %dma_start3A_1539 = arith.constant 0 : i32
        %dma_start3A_1540 = arith.constant 0 : i32
        %dma_start3A_1541 = tpu.memref_slice %arg14[%dma_start3A_1538, %dma_start3A_1539, %dma_start3A_1540] : memref<2x64x128xf32, #tpu.memory_space<vmem>> -> memref<1x64x128xf32, #tpu.memory_space<vmem>>
        %dma_start3A_1542 = tpu.memref_squeeze %dma_start3A_1541 : memref<1x64x128xf32, #tpu.memory_space<vmem>> -> memref<64x128xf32, #tpu.memory_space<vmem>>
        %dma_start3A_1543 = arith.constant 0 : i32
        %dma_start3A_1544 = tpu.memref_slice %arg10[%dma_start3A_1537, %dma_start3A_1543] : memref<2x64xi32, #tpu.memory_space<vmem>> -> memref<1x64xi32, #tpu.memory_space<vmem>>
        %dma_start3A_1545 = tpu.memref_squeeze %dma_start3A_1544 : memref<1x64xi32, #tpu.memory_space<vmem>> -> memref<64xi32, #tpu.memory_space<vmem>>
        %dma_start3A_1546 = arith.constant 0 : i32
        %dma_start3A_1547 = arith.constant 0 : i32
        %dma_start3A_1548 = tpu.memref_slice %arg2[%dma_start3A_1546, %dma_start3A_1547] : memref<524288x128xf32, #tpu.memory_space<hbm>> -> memref<524288x128xf32, #tpu.memory_space<hbm>>
        tpu.enqueue_indirect_dma source(%dma_start3A_1548 : memref<524288x128xf32, #tpu.memory_space<hbm>>) target(%dma_start3A_1542 : memref<64x128xf32, #tpu.memory_space<vmem>>) offsets(%dma_start3A_1545 : memref<64xi32, #tpu.memory_space<vmem>>) semaphore(%arg21 : memref<!tpu.dma_semaphore, #tpu.memory_space<semaphore_mem>>)
        %dma_start3A_1549 = arith.constant 0 : i32
        %dma_start3A_1550 = arith.constant 0 : i32
        %dma_start3A_1551 = arith.constant 0 : i32
        %dma_start3A_1552 = arith.constant 0 : i32
        %dma_start3A_1553 = tpu.memref_slice %arg15[%dma_start3A_1550, %dma_start3A_1551, %dma_start3A_1552] : memref<2x64x128xf32, #tpu.memory_space<vmem>> -> memref<1x64x128xf32, #tpu.memory_space<vmem>>
        %dma_start3A_1554 = tpu.memref_squeeze %dma_start3A_1553 : memref<1x64x128xf32, #tpu.memory_space<vmem>> -> memref<64x128xf32, #tpu.memory_space<vmem>>
        %dma_start3A_1555 = arith.constant 0 : i32
        %dma_start3A_1556 = tpu.memref_slice %arg11[%dma_start3A_1549, %dma_start3A_1555] : memref<2x64xi32, #tpu.memory_space<vmem>> -> memref<1x64xi32, #tpu.memory_space<vmem>>
        %dma_start3A_1557 = tpu.memref_squeeze %dma_start3A_1556 : memref<1x64xi32, #tpu.memory_space<vmem>> -> memref<64xi32, #tpu.memory_space<vmem>>
        %dma_start3A_1558 = arith.constant 0 : i32
        %dma_start3A_1559 = arith.constant 0 : i32
        %dma_start3A_1560 = tpu.memref_slice %arg2[%dma_start3A_1558, %dma_start3A_1559] : memref<524288x128xf32, #tpu.memory_space<hbm>> -> memref<524288x128xf32, #tpu.memory_space<hbm>>
        tpu.enqueue_indirect_dma source(%dma_start3A_1560 : memref<524288x128xf32, #tpu.memory_space<hbm>>) target(%dma_start3A_1554 : memref<64x128xf32, #tpu.memory_space<vmem>>) offsets(%dma_start3A_1557 : memref<64xi32, #tpu.memory_space<vmem>>) semaphore(%arg21 : memref<!tpu.dma_semaphore, #tpu.memory_space<semaphore_mem>>)
        %dma_start3A_1561 = arith.constant 0 : i32
        %dma_start3A_1562 = arith.constant 0 : i32
        %dma_start3A_1563 = arith.constant 0 : i32
        %dma_start3A_1564 = arith.constant 0 : i32
        %dma_start3A_1565 = tpu.memref_slice %arg16[%dma_start3A_1562, %dma_start3A_1563, %dma_start3A_1564] : memref<2x64x128xf32, #tpu.memory_space<vmem>> -> memref<1x64x128xf32, #tpu.memory_space<vmem>>
        %dma_start3A_1566 = tpu.memref_squeeze %dma_start3A_1565 : memref<1x64x128xf32, #tpu.memory_space<vmem>> -> memref<64x128xf32, #tpu.memory_space<vmem>>
        %dma_start3A_1567 = arith.constant 0 : i32
        %dma_start3A_1568 = tpu.memref_slice %arg12[%dma_start3A_1561, %dma_start3A_1567] : memref<2x64xi32, #tpu.memory_space<vmem>> -> memref<1x64xi32, #tpu.memory_space<vmem>>
        %dma_start3A_1569 = tpu.memref_squeeze %dma_start3A_1568 : memref<1x64xi32, #tpu.memory_space<vmem>> -> memref<64xi32, #tpu.memory_space<vmem>>
        %dma_start3A_1570 = arith.constant 0 : i32
        %dma_start3A_1571 = arith.constant 0 : i32
        %dma_start3A_1572 = tpu.memref_slice %arg2[%dma_start3A_1570, %dma_start3A_1571] : memref<524288x128xf32, #tpu.memory_space<hbm>> -> memref<524288x128xf32, #tpu.memory_space<hbm>>
        tpu.enqueue_indirect_dma source(%dma_start3A_1572 : memref<524288x128xf32, #tpu.memory_space<hbm>>) target(%dma_start3A_1566 : memref<64x128xf32, #tpu.memory_space<vmem>>) offsets(%dma_start3A_1569 : memref<64xi32, #tpu.memory_space<vmem>>) semaphore(%arg21 : memref<!tpu.dma_semaphore, #tpu.memory_space<semaphore_mem>>)
        %dma_start3A_1573 = arith.constant 0 : i32
        %dma_start3A_1574 = arith.constant 0 : i32
        %dma_start3A_1575 = arith.constant 0 : i32
        %dma_start3A_1576 = arith.constant 0 : i32
        %dma_start3A_1577 = tpu.memref_slice %arg17[%dma_start3A_1574, %dma_start3A_1575, %dma_start3A_1576] : memref<2x64x128xf32, #tpu.memory_space<vmem>> -> memref<1x64x128xf32, #tpu.memory_space<vmem>>
        %dma_start3A_1578 = tpu.memref_squeeze %dma_start3A_1577 : memref<1x64x128xf32, #tpu.memory_space<vmem>> -> memref<64x128xf32, #tpu.memory_space<vmem>>
        %dma_start3A_1579 = arith.constant 0 : i32
        %dma_start3A_1580 = tpu.memref_slice %arg13[%dma_start3A_1573, %dma_start3A_1579] : memref<2x64xi32, #tpu.memory_space<vmem>> -> memref<1x64xi32, #tpu.memory_space<vmem>>
        %dma_start3A_1581 = tpu.memref_squeeze %dma_start3A_1580 : memref<1x64xi32, #tpu.memory_space<vmem>> -> memref<64xi32, #tpu.memory_space<vmem>>
        %dma_start3A_1582 = arith.constant 0 : i32
        %dma_start3A_1583 = arith.constant 0 : i32
        %dma_start3A_1584 = tpu.memref_slice %arg2[%dma_start3A_1582, %dma_start3A_1583] : memref<524288x128xf32, #tpu.memory_space<hbm>> -> memref<524288x128xf32, #tpu.memory_space<hbm>>
        tpu.enqueue_indirect_dma source(%dma_start3A_1584 : memref<524288x128xf32, #tpu.memory_space<hbm>>) target(%dma_start3A_1578 : memref<64x128xf32, #tpu.memory_space<vmem>>) offsets(%dma_start3A_1581 : memref<64xi32, #tpu.memory_space<vmem>>) semaphore(%arg21 : memref<!tpu.dma_semaphore, #tpu.memory_space<semaphore_mem>>)
      } else {
      }
      %dma_wait3A_1048 = arith.constant 1 : i32
      %dma_wait3A_1049 = arith.constant 1 : i32
      %dma_wait3A_1050 = arith.constant 0 : i32
      %dma_wait3A_1051 = arith.constant 0 : i32
      %dma_wait3A_1052 = tpu.memref_slice %arg14[%dma_wait3A_1049, %dma_wait3A_1050, %dma_wait3A_1051] : memref<2x64x128xf32, #tpu.memory_space<vmem>> -> memref<1x64x128xf32, #tpu.memory_space<vmem>>
      %dma_wait3A_1053 = tpu.memref_squeeze %dma_wait3A_1052 : memref<1x64x128xf32, #tpu.memory_space<vmem>> -> memref<64x128xf32, #tpu.memory_space<vmem>>
      %dma_wait3A_1054 = arith.constant 0 : i32
      %dma_wait3A_1055 = tpu.memref_slice %arg10[%dma_wait3A_1048, %dma_wait3A_1054] : memref<2x64xi32, #tpu.memory_space<vmem>> -> memref<1x64xi32, #tpu.memory_space<vmem>>
      %dma_wait3A_1056 = tpu.memref_squeeze %dma_wait3A_1055 : memref<1x64xi32, #tpu.memory_space<vmem>> -> memref<64xi32, #tpu.memory_space<vmem>>
      %dma_wait3A_1057 = arith.constant 0 : i32
      %dma_wait3A_1058 = arith.constant 0 : i32
      %dma_wait3A_1059 = tpu.memref_slice %arg2[%dma_wait3A_1057, %dma_wait3A_1058] : memref<524288x128xf32, #tpu.memory_space<hbm>> -> memref<524288x128xf32, #tpu.memory_space<hbm>>
      tpu.wait_indirect_dma semaphore(%arg22 : memref<!tpu.dma_semaphore, #tpu.memory_space<semaphore_mem>>) src(%dma_wait3A_1059 : memref<524288x128xf32, #tpu.memory_space<hbm>>) dst(%dma_wait3A_1053 : memref<64x128xf32, #tpu.memory_space<vmem>>)
      %dma_wait3A_1060 = arith.constant 1 : i32
      %dma_wait3A_1061 = arith.constant 1 : i32
      %dma_wait3A_1062 = arith.constant 0 : i32
      %dma_wait3A_1063 = arith.constant 0 : i32
      %dma_wait3A_1064 = tpu.memref_slice %arg15[%dma_wait3A_1061, %dma_wait3A_1062, %dma_wait3A_1063] : memref<2x64x128xf32, #tpu.memory_space<vmem>> -> memref<1x64x128xf32, #tpu.memory_space<vmem>>
      %dma_wait3A_1065 = tpu.memref_squeeze %dma_wait3A_1064 : memref<1x64x128xf32, #tpu.memory_space<vmem>> -> memref<64x128xf32, #tpu.memory_space<vmem>>
      %dma_wait3A_1066 = arith.constant 0 : i32
      %dma_wait3A_1067 = tpu.memref_slice %arg11[%dma_wait3A_1060, %dma_wait3A_1066] : memref<2x64xi32, #tpu.memory_space<vmem>> -> memref<1x64xi32, #tpu.memory_space<vmem>>
      %dma_wait3A_1068 = tpu.memref_squeeze %dma_wait3A_1067 : memref<1x64xi32, #tpu.memory_space<vmem>> -> memref<64xi32, #tpu.memory_space<vmem>>
      %dma_wait3A_1069 = arith.constant 0 : i32
      %dma_wait3A_1070 = arith.constant 0 : i32
      %dma_wait3A_1071 = tpu.memref_slice %arg2[%dma_wait3A_1069, %dma_wait3A_1070] : memref<524288x128xf32, #tpu.memory_space<hbm>> -> memref<524288x128xf32, #tpu.memory_space<hbm>>
      tpu.wait_indirect_dma semaphore(%arg22 : memref<!tpu.dma_semaphore, #tpu.memory_space<semaphore_mem>>) src(%dma_wait3A_1071 : memref<524288x128xf32, #tpu.memory_space<hbm>>) dst(%dma_wait3A_1065 : memref<64x128xf32, #tpu.memory_space<vmem>>)
      %dma_wait3A_1072 = arith.constant 1 : i32
      %dma_wait3A_1073 = arith.constant 1 : i32
      %dma_wait3A_1074 = arith.constant 0 : i32
      %dma_wait3A_1075 = arith.constant 0 : i32
      %dma_wait3A_1076 = tpu.memref_slice %arg16[%dma_wait3A_1073, %dma_wait3A_1074, %dma_wait3A_1075] : memref<2x64x128xf32, #tpu.memory_space<vmem>> -> memref<1x64x128xf32, #tpu.memory_space<vmem>>
      %dma_wait3A_1077 = tpu.memref_squeeze %dma_wait3A_1076 : memref<1x64x128xf32, #tpu.memory_space<vmem>> -> memref<64x128xf32, #tpu.memory_space<vmem>>
      %dma_wait3A_1078 = arith.constant 0 : i32
      %dma_wait3A_1079 = tpu.memref_slice %arg12[%dma_wait3A_1072, %dma_wait3A_1078] : memref<2x64xi32, #tpu.memory_space<vmem>> -> memref<1x64xi32, #tpu.memory_space<vmem>>
      %dma_wait3A_1080 = tpu.memref_squeeze %dma_wait3A_1079 : memref<1x64xi32, #tpu.memory_space<vmem>> -> memref<64xi32, #tpu.memory_space<vmem>>
      %dma_wait3A_1081 = arith.constant 0 : i32
      %dma_wait3A_1082 = arith.constant 0 : i32
      %dma_wait3A_1083 = tpu.memref_slice %arg2[%dma_wait3A_1081, %dma_wait3A_1082] : memref<524288x128xf32, #tpu.memory_space<hbm>> -> memref<524288x128xf32, #tpu.memory_space<hbm>>
      tpu.wait_indirect_dma semaphore(%arg22 : memref<!tpu.dma_semaphore, #tpu.memory_space<semaphore_mem>>) src(%dma_wait3A_1083 : memref<524288x128xf32, #tpu.memory_space<hbm>>) dst(%dma_wait3A_1077 : memref<64x128xf32, #tpu.memory_space<vmem>>)
      %dma_wait3A_1084 = arith.constant 1 : i32
      %dma_wait3A_1085 = arith.constant 1 : i32
      %dma_wait3A_1086 = arith.constant 0 : i32
      %dma_wait3A_1087 = arith.constant 0 : i32
      %dma_wait3A_1088 = tpu.memref_slice %arg17[%dma_wait3A_1085, %dma_wait3A_1086, %dma_wait3A_1087] : memref<2x64x128xf32, #tpu.memory_space<vmem>> -> memref<1x64x128xf32, #tpu.memory_space<vmem>>
      %dma_wait3A_1089 = tpu.memref_squeeze %dma_wait3A_1088 : memref<1x64x128xf32, #tpu.memory_space<vmem>> -> memref<64x128xf32, #tpu.memory_space<vmem>>
      %dma_wait3A_1090 = arith.constant 0 : i32
      %dma_wait3A_1091 = tpu.memref_slice %arg13[%dma_wait3A_1084, %dma_wait3A_1090] : memref<2x64xi32, #tpu.memory_space<vmem>> -> memref<1x64xi32, #tpu.memory_space<vmem>>
      %dma_wait3A_1092 = tpu.memref_squeeze %dma_wait3A_1091 : memref<1x64xi32, #tpu.memory_space<vmem>> -> memref<64xi32, #tpu.memory_space<vmem>>
      %dma_wait3A_1093 = arith.constant 0 : i32
      %dma_wait3A_1094 = arith.constant 0 : i32
      %dma_wait3A_1095 = tpu.memref_slice %arg2[%dma_wait3A_1093, %dma_wait3A_1094] : memref<524288x128xf32, #tpu.memory_space<hbm>> -> memref<524288x128xf32, #tpu.memory_space<hbm>>
      tpu.wait_indirect_dma semaphore(%arg22 : memref<!tpu.dma_semaphore, #tpu.memory_space<semaphore_mem>>) src(%dma_wait3A_1095 : memref<524288x128xf32, #tpu.memory_space<hbm>>) dst(%dma_wait3A_1089 : memref<64x128xf32, #tpu.memory_space<vmem>>)
      %gt3A_1096 = arith.constant 0 : i32
      %gt3A_1097 = arith.cmpi sgt, %scan3A_524, %gt3A_1096 : i32
      %convert_element_type3A_1098 = arith.extui %gt3A_1097 : i1 to i32
      %cond3A_1099 = arith.constant 0 : i32
      %cond3A_1100 = arith.cmpi ne, %convert_element_type3A_1098, %cond3A_1099 : i32
      scf.if %cond3A_1100 {
        %dma_wait3A_1123 = arith.constant 1 : i32
        %dma_wait3A_1124 = arith.constant 0 : i32
        %dma_wait3A_1125 = arith.constant 0 : i32
        %dma_wait3A_1126 = tpu.memref_slice %arg18[%dma_wait3A_1123, %dma_wait3A_1124, %dma_wait3A_1125] : memref<2x64x96xf32, #tpu.memory_space<vmem>> -> memref<1x64x96xf32, #tpu.memory_space<vmem>>
        %dma_wait3A_1127 = tpu.memref_squeeze %dma_wait3A_1126 : memref<1x64x96xf32, #tpu.memory_space<vmem>> -> memref<64x96xf32, #tpu.memory_space<vmem>>
        %dma_wait3A_1128 = arith.constant 0 : i32
        %dma_wait3A_1129 = arith.constant 0 : i32
        %dma_wait3A_1130 = tpu.memref_slice %arg5[%dma_wait3A_1128, %dma_wait3A_1129] : memref<524288x96xf32, #tpu.memory_space<hbm>> -> memref<64x96xf32, #tpu.memory_space<hbm>>
        %dma_wait3A_1131 = arith.constant 0 : i32
        %dma_wait3A_1132 = arith.constant 0 : i32
        %dma_wait3A_1133 = tpu.memref_slice %arg5[%dma_wait3A_1131, %dma_wait3A_1132] : memref<524288x96xf32, #tpu.memory_space<hbm>> -> memref<64x96xf32, #tpu.memory_space<hbm>>
        %dma_wait3A_1134 = arith.constant 0 : i32
        %dma_wait3A_1135 = arith.constant 0 : i32
        %dma_wait3A_1136 = tpu.memref_slice %arg18[%dma_wait3A_1123, %dma_wait3A_1134, %dma_wait3A_1135] : memref<2x64x96xf32, #tpu.memory_space<vmem>> -> memref<1x64x96xf32, #tpu.memory_space<vmem>>
        %dma_wait3A_1137 = tpu.memref_squeeze %dma_wait3A_1136 : memref<1x64x96xf32, #tpu.memory_space<vmem>> -> memref<64x96xf32, #tpu.memory_space<vmem>>
        tpu.wait_dma2 semaphore(%arg24 : memref<!tpu.dma_semaphore, #tpu.memory_space<semaphore_mem>>) src(%dma_wait3A_1137 : memref<64x96xf32, #tpu.memory_space<vmem>>) dst(%dma_wait3A_1133 : memref<64x96xf32, #tpu.memory_space<hbm>>)
      } else {
      }
      %scan3A_1101 = arith.constant 0 : i32
      %scan3A_1102 = arith.constant 0 : i32
      %scan3A_1103 = arith.constant 64 : i32
      %scan3A_1104 = arith.addi %scan3A_1102, %scan3A_1103 : i32
      %scan3A_1105 = arith.constant 1 : i32
      scf.for %scan3A_1123 = %scan3A_1102 to %scan3A_1104 step %scan3A_1105  : i32 {
        %get3A_1124 = arith.constant 1 : i32
        %get3A_1125 = arith.index_cast %get3A_1124 : i32 to index
        %get3A_1126 = arith.index_cast %scan3A_1123 : i32 to index
        %get3A_1127 = tpu.vector_load %arg8[%get3A_1125, %get3A_1126] {strides = array<i32>} : memref<2x80xf32, #tpu.memory_space<vmem>>, vector<16xf32>,
        %slice3A = vector.extract_strided_slice %get3A_1127 {offsets = [0], sizes = [1], strides = [1]} : vector<16xf32> to vector<1xf32>
        %squeeze3A = vector.extract %slice3A[0] : f32 from vector<1xf32>
        %broadcast_in_dim3A = vector.broadcast %squeeze3A : f32 to vector<16xf32>
        %get3A_1128 = arith.constant 1 : i32
        %get3A_1129 = arith.index_cast %get3A_1128 : i32 to index
        %get3A_1130 = arith.index_cast %scan3A_1123 : i32 to index
        %get3A_1131 = tpu.vector_load %arg9[%get3A_1129, %get3A_1130] {strides = array<i32>} : memref<2x80xf32, #tpu.memory_space<vmem>>, vector<16xf32>,
        %slice3A_1132 = vector.extract_strided_slice %get3A_1131 {offsets = [0], sizes = [1], strides = [1]} : vector<16xf32> to vector<1xf32>
        %squeeze3A_1133 = vector.extract %slice3A_1132[0] : f32 from vector<1xf32>
        %broadcast_in_dim3A_1134 = vector.broadcast %squeeze3A_1133 : f32 to vector<16xf32>
        %get3A_1135 = arith.constant 1 : i32
        %get3A_1136 = arith.index_cast %get3A_1135 : i32 to index
        %get3A_1137 = arith.index_cast %scan3A_1123 : i32 to index
        %get3A_1138 = arith.constant 0 : index
        %get3A_1139 = tpu.vector_load %arg14[%get3A_1136, %get3A_1137, %get3A_1138] {strides = array<i32>} : memref<2x64x128xf32, #tpu.memory_space<vmem>>, vector<16xf32>,
        %get3A_1140 = arith.constant 1 : i32
        %get3A_1141 = arith.index_cast %get3A_1140 : i32 to index
        %get3A_1142 = arith.index_cast %scan3A_1123 : i32 to index
        %get3A_1143 = arith.constant 0 : index
        %get3A_1144 = tpu.vector_load %arg15[%get3A_1141, %get3A_1142, %get3A_1143] {strides = array<i32>} : memref<2x64x128xf32, #tpu.memory_space<vmem>>, vector<16xf32>,
        %get3A_1145 = arith.constant 1 : i32
        %get3A_1146 = arith.index_cast %get3A_1145 : i32 to index
        %get3A_1147 = arith.index_cast %scan3A_1123 : i32 to index
        %get3A_1148 = arith.constant 0 : index
        %get3A_1149 = tpu.vector_load %arg16[%get3A_1146, %get3A_1147, %get3A_1148] {strides = array<i32>} : memref<2x64x128xf32, #tpu.memory_space<vmem>>, vector<16xf32>,
        %get3A_1150 = arith.constant 1 : i32
        %get3A_1151 = arith.index_cast %get3A_1150 : i32 to index
        %get3A_1152 = arith.index_cast %scan3A_1123 : i32 to index
        %get3A_1153 = arith.constant 0 : index
        %get3A_1154 = tpu.vector_load %arg17[%get3A_1151, %get3A_1152, %get3A_1153] {strides = array<i32>} : memref<2x64x128xf32, #tpu.memory_space<vmem>>, vector<16xf32>,
        %sub3A_1155 = arith.subf %get3A_1144, %get3A_1139 : vector<16xf32>
        %mul3A_1156 = arith.mulf %broadcast_in_dim3A_1134, %sub3A_1155 : vector<16xf32>
        %add3A_1157 = arith.addf %get3A_1139, %mul3A_1156 : vector<16xf32>
        %sub3A_1158 = arith.subf %get3A_1154, %get3A_1149 : vector<16xf32>
        %mul3A_1159 = arith.mulf %broadcast_in_dim3A_1134, %sub3A_1158 : vector<16xf32>
        %add3A_1160 = arith.addf %get3A_1149, %mul3A_1159 : vector<16xf32>
        %sub3A_1161 = arith.subf %add3A_1160, %add3A_1157 : vector<16xf32>
        %mul3A_1162 = arith.mulf %broadcast_in_dim3A, %sub3A_1161 : vector<16xf32>
        %add3A_1163 = arith.addf %add3A_1157, %mul3A_1162 : vector<16xf32>
        %swap3A_1164 = arith.constant 1 : i32
        %swap3A_1165 = arith.index_cast %swap3A_1164 : i32 to index
        %swap3A_1166 = arith.index_cast %scan3A_1123 : i32 to index
        %swap3A_1167 = arith.constant 0 : index
        %swap3A_1168 = tpu.vector_load %arg18[%swap3A_1165, %swap3A_1166, %swap3A_1167] {strides = array<i32>} : memref<2x64x96xf32, #tpu.memory_space<vmem>>, vector<16xf32>,
        tpu.vector_store %arg18[%swap3A_1165, %swap3A_1166, %swap3A_1167], %add3A_1163 {strides = array<i32>} : memref<2x64x96xf32, #tpu.memory_space<vmem>>, vector<16xf32>,
        %get3A_1169 = arith.constant 1 : i32
        %get3A_1170 = arith.index_cast %get3A_1169 : i32 to index
        %get3A_1171 = arith.index_cast %scan3A_1123 : i32 to index
        %get3A_1172 = arith.constant 16 : index
        %get3A_1173 = tpu.vector_load %arg14[%get3A_1170, %get3A_1171, %get3A_1172] {strides = array<i32>} : memref<2x64x128xf32, #tpu.memory_space<vmem>>, vector<16xf32>,
        %get3A_1174 = arith.constant 1 : i32
        %get3A_1175 = arith.index_cast %get3A_1174 : i32 to index
        %get3A_1176 = arith.index_cast %scan3A_1123 : i32 to index
        %get3A_1177 = arith.constant 16 : index
        %get3A_1178 = tpu.vector_load %arg15[%get3A_1175, %get3A_1176, %get3A_1177] {strides = array<i32>} : memref<2x64x128xf32, #tpu.memory_space<vmem>>, vector<16xf32>,
        %get3A_1179 = arith.constant 1 : i32
        %get3A_1180 = arith.index_cast %get3A_1179 : i32 to index
        %get3A_1181 = arith.index_cast %scan3A_1123 : i32 to index
        %get3A_1182 = arith.constant 16 : index
        %get3A_1183 = tpu.vector_load %arg16[%get3A_1180, %get3A_1181, %get3A_1182] {strides = array<i32>} : memref<2x64x128xf32, #tpu.memory_space<vmem>>, vector<16xf32>,
        %get3A_1184 = arith.constant 1 : i32
        %get3A_1185 = arith.index_cast %get3A_1184 : i32 to index
        %get3A_1186 = arith.index_cast %scan3A_1123 : i32 to index
        %get3A_1187 = arith.constant 16 : index
        %get3A_1188 = tpu.vector_load %arg17[%get3A_1185, %get3A_1186, %get3A_1187] {strides = array<i32>} : memref<2x64x128xf32, #tpu.memory_space<vmem>>, vector<16xf32>,
        %sub3A_1189 = arith.subf %get3A_1178, %get3A_1173 : vector<16xf32>
        %mul3A_1190 = arith.mulf %broadcast_in_dim3A_1134, %sub3A_1189 : vector<16xf32>
        %add3A_1191 = arith.addf %get3A_1173, %mul3A_1190 : vector<16xf32>
        %sub3A_1192 = arith.subf %get3A_1188, %get3A_1183 : vector<16xf32>
        %mul3A_1193 = arith.mulf %broadcast_in_dim3A_1134, %sub3A_1192 : vector<16xf32>
        %add3A_1194 = arith.addf %get3A_1183, %mul3A_1193 : vector<16xf32>
        %sub3A_1195 = arith.subf %add3A_1194, %add3A_1191 : vector<16xf32>
        %mul3A_1196 = arith.mulf %broadcast_in_dim3A, %sub3A_1195 : vector<16xf32>
        %add3A_1197 = arith.addf %add3A_1191, %mul3A_1196 : vector<16xf32>
        %swap3A_1198 = arith.constant 1 : i32
        %swap3A_1199 = arith.index_cast %swap3A_1198 : i32 to index
        %swap3A_1200 = arith.index_cast %scan3A_1123 : i32 to index
        %swap3A_1201 = arith.constant 16 : index
        %swap3A_1202 = tpu.vector_load %arg18[%swap3A_1199, %swap3A_1200, %swap3A_1201] {strides = array<i32>} : memref<2x64x96xf32, #tpu.memory_space<vmem>>, vector<16xf32>,
        tpu.vector_store %arg18[%swap3A_1199, %swap3A_1200, %swap3A_1201], %add3A_1197 {strides = array<i32>} : memref<2x64x96xf32, #tpu.memory_space<vmem>>, vector<16xf32>,
        %get3A_1203 = arith.constant 1 : i32
        %get3A_1204 = arith.index_cast %get3A_1203 : i32 to index
        %get3A_1205 = arith.index_cast %scan3A_1123 : i32 to index
        %get3A_1206 = arith.constant 32 : index
        %get3A_1207 = tpu.vector_load %arg14[%get3A_1204, %get3A_1205, %get3A_1206] {strides = array<i32>} : memref<2x64x128xf32, #tpu.memory_space<vmem>>, vector<16xf32>,
        %get3A_1208 = arith.constant 1 : i32
        %get3A_1209 = arith.index_cast %get3A_1208 : i32 to index
        %get3A_1210 = arith.index_cast %scan3A_1123 : i32 to index
        %get3A_1211 = arith.constant 32 : index
        %get3A_1212 = tpu.vector_load %arg15[%get3A_1209, %get3A_1210, %get3A_1211] {strides = array<i32>} : memref<2x64x128xf32, #tpu.memory_space<vmem>>, vector<16xf32>,
        %get3A_1213 = arith.constant 1 : i32
        %get3A_1214 = arith.index_cast %get3A_1213 : i32 to index
        %get3A_1215 = arith.index_cast %scan3A_1123 : i32 to index
        %get3A_1216 = arith.constant 32 : index
        %get3A_1217 = tpu.vector_load %arg16[%get3A_1214, %get3A_1215, %get3A_1216] {strides = array<i32>} : memref<2x64x128xf32, #tpu.memory_space<vmem>>, vector<16xf32>,
        %get3A_1218 = arith.constant 1 : i32
        %get3A_1219 = arith.index_cast %get3A_1218 : i32 to index
        %get3A_1220 = arith.index_cast %scan3A_1123 : i32 to index
        %get3A_1221 = arith.constant 32 : index
        %get3A_1222 = tpu.vector_load %arg17[%get3A_1219, %get3A_1220, %get3A_1221] {strides = array<i32>} : memref<2x64x128xf32, #tpu.memory_space<vmem>>, vector<16xf32>,
        %sub3A_1223 = arith.subf %get3A_1212, %get3A_1207 : vector<16xf32>
        %mul3A_1224 = arith.mulf %broadcast_in_dim3A_1134, %sub3A_1223 : vector<16xf32>
        %add3A_1225 = arith.addf %get3A_1207, %mul3A_1224 : vector<16xf32>
        %sub3A_1226 = arith.subf %get3A_1222, %get3A_1217 : vector<16xf32>
        %mul3A_1227 = arith.mulf %broadcast_in_dim3A_1134, %sub3A_1226 : vector<16xf32>
        %add3A_1228 = arith.addf %get3A_1217, %mul3A_1227 : vector<16xf32>
        %sub3A_1229 = arith.subf %add3A_1228, %add3A_1225 : vector<16xf32>
        %mul3A_1230 = arith.mulf %broadcast_in_dim3A, %sub3A_1229 : vector<16xf32>
        %add3A_1231 = arith.addf %add3A_1225, %mul3A_1230 : vector<16xf32>
        %swap3A_1232 = arith.constant 1 : i32
        %swap3A_1233 = arith.index_cast %swap3A_1232 : i32 to index
        %swap3A_1234 = arith.index_cast %scan3A_1123 : i32 to index
        %swap3A_1235 = arith.constant 32 : index
        %swap3A_1236 = tpu.vector_load %arg18[%swap3A_1233, %swap3A_1234, %swap3A_1235] {strides = array<i32>} : memref<2x64x96xf32, #tpu.memory_space<vmem>>, vector<16xf32>,
        tpu.vector_store %arg18[%swap3A_1233, %swap3A_1234, %swap3A_1235], %add3A_1231 {strides = array<i32>} : memref<2x64x96xf32, #tpu.memory_space<vmem>>, vector<16xf32>,
        %get3A_1237 = arith.constant 1 : i32
        %get3A_1238 = arith.index_cast %get3A_1237 : i32 to index
        %get3A_1239 = arith.index_cast %scan3A_1123 : i32 to index
        %get3A_1240 = arith.constant 48 : index
        %get3A_1241 = tpu.vector_load %arg14[%get3A_1238, %get3A_1239, %get3A_1240] {strides = array<i32>} : memref<2x64x128xf32, #tpu.memory_space<vmem>>, vector<16xf32>,
        %get3A_1242 = arith.constant 1 : i32
        %get3A_1243 = arith.index_cast %get3A_1242 : i32 to index
        %get3A_1244 = arith.index_cast %scan3A_1123 : i32 to index
        %get3A_1245 = arith.constant 48 : index
        %get3A_1246 = tpu.vector_load %arg15[%get3A_1243, %get3A_1244, %get3A_1245] {strides = array<i32>} : memref<2x64x128xf32, #tpu.memory_space<vmem>>, vector<16xf32>,
        %get3A_1247 = arith.constant 1 : i32
        %get3A_1248 = arith.index_cast %get3A_1247 : i32 to index
        %get3A_1249 = arith.index_cast %scan3A_1123 : i32 to index
        %get3A_1250 = arith.constant 48 : index
        %get3A_1251 = tpu.vector_load %arg16[%get3A_1248, %get3A_1249, %get3A_1250] {strides = array<i32>} : memref<2x64x128xf32, #tpu.memory_space<vmem>>, vector<16xf32>,
        %get3A_1252 = arith.constant 1 : i32
        %get3A_1253 = arith.index_cast %get3A_1252 : i32 to index
        %get3A_1254 = arith.index_cast %scan3A_1123 : i32 to index
        %get3A_1255 = arith.constant 48 : index
        %get3A_1256 = tpu.vector_load %arg17[%get3A_1253, %get3A_1254, %get3A_1255] {strides = array<i32>} : memref<2x64x128xf32, #tpu.memory_space<vmem>>, vector<16xf32>,
        %sub3A_1257 = arith.subf %get3A_1246, %get3A_1241 : vector<16xf32>
        %mul3A_1258 = arith.mulf %broadcast_in_dim3A_1134, %sub3A_1257 : vector<16xf32>
        %add3A_1259 = arith.addf %get3A_1241, %mul3A_1258 : vector<16xf32>
        %sub3A_1260 = arith.subf %get3A_1256, %get3A_1251 : vector<16xf32>
        %mul3A_1261 = arith.mulf %broadcast_in_dim3A_1134, %sub3A_1260 : vector<16xf32>
        %add3A_1262 = arith.addf %get3A_1251, %mul3A_1261 : vector<16xf32>
        %sub3A_1263 = arith.subf %add3A_1262, %add3A_1259 : vector<16xf32>
        %mul3A_1264 = arith.mulf %broadcast_in_dim3A, %sub3A_1263 : vector<16xf32>
        %add3A_1265 = arith.addf %add3A_1259, %mul3A_1264 : vector<16xf32>
        %swap3A_1266 = arith.constant 1 : i32
        %swap3A_1267 = arith.index_cast %swap3A_1266 : i32 to index
        %swap3A_1268 = arith.index_cast %scan3A_1123 : i32 to index
        %swap3A_1269 = arith.constant 48 : index
        %swap3A_1270 = tpu.vector_load %arg18[%swap3A_1267, %swap3A_1268, %swap3A_1269] {strides = array<i32>} : memref<2x64x96xf32, #tpu.memory_space<vmem>>, vector<16xf32>,
        tpu.vector_store %arg18[%swap3A_1267, %swap3A_1268, %swap3A_1269], %add3A_1265 {strides = array<i32>} : memref<2x64x96xf32, #tpu.memory_space<vmem>>, vector<16xf32>,
        %get3A_1271 = arith.constant 1 : i32
        %get3A_1272 = arith.index_cast %get3A_1271 : i32 to index
        %get3A_1273 = arith.index_cast %scan3A_1123 : i32 to index
        %get3A_1274 = arith.constant 64 : index
        %get3A_1275 = tpu.vector_load %arg14[%get3A_1272, %get3A_1273, %get3A_1274] {strides = array<i32>} : memref<2x64x128xf32, #tpu.memory_space<vmem>>, vector<16xf32>,
        %get3A_1276 = arith.constant 1 : i32
        %get3A_1277 = arith.index_cast %get3A_1276 : i32 to index
        %get3A_1278 = arith.index_cast %scan3A_1123 : i32 to index
        %get3A_1279 = arith.constant 64 : index
        %get3A_1280 = tpu.vector_load %arg15[%get3A_1277, %get3A_1278, %get3A_1279] {strides = array<i32>} : memref<2x64x128xf32, #tpu.memory_space<vmem>>, vector<16xf32>,
        %get3A_1281 = arith.constant 1 : i32
        %get3A_1282 = arith.index_cast %get3A_1281 : i32 to index
        %get3A_1283 = arith.index_cast %scan3A_1123 : i32 to index
        %get3A_1284 = arith.constant 64 : index
        %get3A_1285 = tpu.vector_load %arg16[%get3A_1282, %get3A_1283, %get3A_1284] {strides = array<i32>} : memref<2x64x128xf32, #tpu.memory_space<vmem>>, vector<16xf32>,
        %get3A_1286 = arith.constant 1 : i32
        %get3A_1287 = arith.index_cast %get3A_1286 : i32 to index
        %get3A_1288 = arith.index_cast %scan3A_1123 : i32 to index
        %get3A_1289 = arith.constant 64 : index
        %get3A_1290 = tpu.vector_load %arg17[%get3A_1287, %get3A_1288, %get3A_1289] {strides = array<i32>} : memref<2x64x128xf32, #tpu.memory_space<vmem>>, vector<16xf32>,
        %sub3A_1291 = arith.subf %get3A_1280, %get3A_1275 : vector<16xf32>
        %mul3A_1292 = arith.mulf %broadcast_in_dim3A_1134, %sub3A_1291 : vector<16xf32>
        %add3A_1293 = arith.addf %get3A_1275, %mul3A_1292 : vector<16xf32>
        %sub3A_1294 = arith.subf %get3A_1290, %get3A_1285 : vector<16xf32>
        %mul3A_1295 = arith.mulf %broadcast_in_dim3A_1134, %sub3A_1294 : vector<16xf32>
        %add3A_1296 = arith.addf %get3A_1285, %mul3A_1295 : vector<16xf32>
        %sub3A_1297 = arith.subf %add3A_1296, %add3A_1293 : vector<16xf32>
        %mul3A_1298 = arith.mulf %broadcast_in_dim3A, %sub3A_1297 : vector<16xf32>
        %add3A_1299 = arith.addf %add3A_1293, %mul3A_1298 : vector<16xf32>
        %swap3A_1300 = arith.constant 1 : i32
        %swap3A_1301 = arith.index_cast %swap3A_1300 : i32 to index
        %swap3A_1302 = arith.index_cast %scan3A_1123 : i32 to index
        %swap3A_1303 = arith.constant 64 : index
        %swap3A_1304 = tpu.vector_load %arg18[%swap3A_1301, %swap3A_1302, %swap3A_1303] {strides = array<i32>} : memref<2x64x96xf32, #tpu.memory_space<vmem>>, vector<16xf32>,
        tpu.vector_store %arg18[%swap3A_1301, %swap3A_1302, %swap3A_1303], %add3A_1299 {strides = array<i32>} : memref<2x64x96xf32, #tpu.memory_space<vmem>>, vector<16xf32>,
        %get3A_1305 = arith.constant 1 : i32
        %get3A_1306 = arith.index_cast %get3A_1305 : i32 to index
        %get3A_1307 = arith.index_cast %scan3A_1123 : i32 to index
        %get3A_1308 = arith.constant 80 : index
        %get3A_1309 = tpu.vector_load %arg14[%get3A_1306, %get3A_1307, %get3A_1308] {strides = array<i32>} : memref<2x64x128xf32, #tpu.memory_space<vmem>>, vector<16xf32>,
        %get3A_1310 = arith.constant 1 : i32
        %get3A_1311 = arith.index_cast %get3A_1310 : i32 to index
        %get3A_1312 = arith.index_cast %scan3A_1123 : i32 to index
        %get3A_1313 = arith.constant 80 : index
        %get3A_1314 = tpu.vector_load %arg15[%get3A_1311, %get3A_1312, %get3A_1313] {strides = array<i32>} : memref<2x64x128xf32, #tpu.memory_space<vmem>>, vector<16xf32>,
        %get3A_1315 = arith.constant 1 : i32
        %get3A_1316 = arith.index_cast %get3A_1315 : i32 to index
        %get3A_1317 = arith.index_cast %scan3A_1123 : i32 to index
        %get3A_1318 = arith.constant 80 : index
        %get3A_1319 = tpu.vector_load %arg16[%get3A_1316, %get3A_1317, %get3A_1318] {strides = array<i32>} : memref<2x64x128xf32, #tpu.memory_space<vmem>>, vector<16xf32>,
        %get3A_1320 = arith.constant 1 : i32
        %get3A_1321 = arith.index_cast %get3A_1320 : i32 to index
        %get3A_1322 = arith.index_cast %scan3A_1123 : i32 to index
        %get3A_1323 = arith.constant 80 : index
        %get3A_1324 = tpu.vector_load %arg17[%get3A_1321, %get3A_1322, %get3A_1323] {strides = array<i32>} : memref<2x64x128xf32, #tpu.memory_space<vmem>>, vector<16xf32>,
        %sub3A_1325 = arith.subf %get3A_1314, %get3A_1309 : vector<16xf32>
        %mul3A_1326 = arith.mulf %broadcast_in_dim3A_1134, %sub3A_1325 : vector<16xf32>
        %add3A_1327 = arith.addf %get3A_1309, %mul3A_1326 : vector<16xf32>
        %sub3A_1328 = arith.subf %get3A_1324, %get3A_1319 : vector<16xf32>
        %mul3A_1329 = arith.mulf %broadcast_in_dim3A_1134, %sub3A_1328 : vector<16xf32>
        %add3A_1330 = arith.addf %get3A_1319, %mul3A_1329 : vector<16xf32>
        %sub3A_1331 = arith.subf %add3A_1330, %add3A_1327 : vector<16xf32>
        %mul3A_1332 = arith.mulf %broadcast_in_dim3A, %sub3A_1331 : vector<16xf32>
        %add3A_1333 = arith.addf %add3A_1327, %mul3A_1332 : vector<16xf32>
        %swap3A_1334 = arith.constant 1 : i32
        %swap3A_1335 = arith.index_cast %swap3A_1334 : i32 to index
        %swap3A_1336 = arith.index_cast %scan3A_1123 : i32 to index
        %swap3A_1337 = arith.constant 80 : index
        %swap3A_1338 = tpu.vector_load %arg18[%swap3A_1335, %swap3A_1336, %swap3A_1337] {strides = array<i32>} : memref<2x64x96xf32, #tpu.memory_space<vmem>>, vector<16xf32>,
        tpu.vector_store %arg18[%swap3A_1335, %swap3A_1336, %swap3A_1337], %add3A_1333 {strides = array<i32>} : memref<2x64x96xf32, #tpu.memory_space<vmem>>, vector<16xf32>,
      }
      %scan3A_1106 = arith.constant 64 : i32
      %mul3A_1107 = arith.constant 64 : i32
      %mul3A_1108 = arith.muli %add3A_528, %mul3A_1107 : i32
      %add3A_1109 = arith.addi %mul3A_2, %mul3A_1108 : i32
      %dma_start3A_1110 = arith.constant 1 : i32
      %dma_start3A_1111 = arith.constant 0 : i32
      %dma_start3A_1112 = arith.constant 0 : i32
      %dma_start3A_1113 = tpu.memref_slice %arg18[%dma_start3A_1110, %dma_start3A_1111, %dma_start3A_1112] : memref<2x64x96xf32, #tpu.memory_space<vmem>> -> memref<1x64x96xf32, #tpu.memory_space<vmem>>
      %dma_start3A_1114 = tpu.memref_squeeze %dma_start3A_1113 : memref<1x64x96xf32, #tpu.memory_space<vmem>> -> memref<64x96xf32, #tpu.memory_space<vmem>>
      %dma_start3A_1115 = arith.constant 0 : i32
      %dma_start3A_1116 = tpu.memref_slice %arg5[%add3A_1109, %dma_start3A_1115] : memref<524288x96xf32, #tpu.memory_space<hbm>> -> memref<64x96xf32, #tpu.memory_space<hbm>>
      %dma_start3A_1117 = arith.constant 0 : i32
      %dma_start3A_1118 = tpu.memref_slice %arg5[%add3A_1109, %dma_start3A_1117] : memref<524288x96xf32, #tpu.memory_space<hbm>> -> memref<64x96xf32, #tpu.memory_space<hbm>>
      %dma_start3A_1119 = arith.constant 0 : i32
      %dma_start3A_1120 = arith.constant 0 : i32
      %dma_start3A_1121 = tpu.memref_slice %arg18[%dma_start3A_1110, %dma_start3A_1119, %dma_start3A_1120] : memref<2x64x96xf32, #tpu.memory_space<vmem>> -> memref<1x64x96xf32, #tpu.memory_space<vmem>>
      %dma_start3A_1122 = tpu.memref_squeeze %dma_start3A_1121 : memref<1x64x96xf32, #tpu.memory_space<vmem>> -> memref<64x96xf32, #tpu.memory_space<vmem>>
      tpu.enqueue_dma source(%dma_start3A_1122 : memref<64x96xf32, #tpu.memory_space<vmem>>) target(%dma_start3A_1118 : memref<64x96xf32, #tpu.memory_space<hbm>>) target_semaphore(%arg24 : memref<!tpu.dma_semaphore, #tpu.memory_space<semaphore_mem>>)
    }
    %scan3A_493 = arith.constant 128 : i32
    %dma_wait3A_494 = arith.constant 0 : i32
    %dma_wait3A_495 = arith.constant 0 : i32
    %dma_wait3A_496 = arith.constant 0 : i32
    %dma_wait3A_497 = tpu.memref_slice %arg18[%dma_wait3A_494, %dma_wait3A_495, %dma_wait3A_496] : memref<2x64x96xf32, #tpu.memory_space<vmem>> -> memref<1x64x96xf32, #tpu.memory_space<vmem>>
    %dma_wait3A_498 = tpu.memref_squeeze %dma_wait3A_497 : memref<1x64x96xf32, #tpu.memory_space<vmem>> -> memref<64x96xf32, #tpu.memory_space<vmem>>
    %dma_wait3A_499 = arith.constant 0 : i32
    %dma_wait3A_500 = arith.constant 0 : i32
    %dma_wait3A_501 = tpu.memref_slice %arg5[%dma_wait3A_499, %dma_wait3A_500] : memref<524288x96xf32, #tpu.memory_space<hbm>> -> memref<64x96xf32, #tpu.memory_space<hbm>>
    %dma_wait3A_502 = arith.constant 0 : i32
    %dma_wait3A_503 = arith.constant 0 : i32
    %dma_wait3A_504 = tpu.memref_slice %arg5[%dma_wait3A_502, %dma_wait3A_503] : memref<524288x96xf32, #tpu.memory_space<hbm>> -> memref<64x96xf32, #tpu.memory_space<hbm>>
    %dma_wait3A_505 = arith.constant 0 : i32
    %dma_wait3A_506 = arith.constant 0 : i32
    %dma_wait3A_507 = tpu.memref_slice %arg18[%dma_wait3A_494, %dma_wait3A_505, %dma_wait3A_506] : memref<2x64x96xf32, #tpu.memory_space<vmem>> -> memref<1x64x96xf32, #tpu.memory_space<vmem>>
    %dma_wait3A_508 = tpu.memref_squeeze %dma_wait3A_507 : memref<1x64x96xf32, #tpu.memory_space<vmem>> -> memref<64x96xf32, #tpu.memory_space<vmem>>
    tpu.wait_dma2 semaphore(%arg23 : memref<!tpu.dma_semaphore, #tpu.memory_space<semaphore_mem>>) src(%dma_wait3A_508 : memref<64x96xf32, #tpu.memory_space<vmem>>) dst(%dma_wait3A_504 : memref<64x96xf32, #tpu.memory_space<hbm>>)
    %dma_wait3A_509 = arith.constant 1 : i32
    %dma_wait3A_510 = arith.constant 0 : i32
    %dma_wait3A_511 = arith.constant 0 : i32
    %dma_wait3A_512 = tpu.memref_slice %arg18[%dma_wait3A_509, %dma_wait3A_510, %dma_wait3A_511] : memref<2x64x96xf32, #tpu.memory_space<vmem>> -> memref<1x64x96xf32, #tpu.memory_space<vmem>>
    %dma_wait3A_513 = tpu.memref_squeeze %dma_wait3A_512 : memref<1x64x96xf32, #tpu.memory_space<vmem>> -> memref<64x96xf32, #tpu.memory_space<vmem>>
    %dma_wait3A_514 = arith.constant 0 : i32
    %dma_wait3A_515 = arith.constant 0 : i32
    %dma_wait3A_516 = tpu.memref_slice %arg5[%dma_wait3A_514, %dma_wait3A_515] : memref<524288x96xf32, #tpu.memory_space<hbm>> -> memref<64x96xf32, #tpu.memory_space<hbm>>
    %dma_wait3A_517 = arith.constant 0 : i32
    %dma_wait3A_518 = arith.constant 0 : i32
    %dma_wait3A_519 = tpu.memref_slice %arg5[%dma_wait3A_517, %dma_wait3A_518] : memref<524288x96xf32, #tpu.memory_space<hbm>> -> memref<64x96xf32, #tpu.memory_space<hbm>>
    %dma_wait3A_520 = arith.constant 0 : i32
    %dma_wait3A_521 = arith.constant 0 : i32
    %dma_wait3A_522 = tpu.memref_slice %arg18[%dma_wait3A_509, %dma_wait3A_520, %dma_wait3A_521] : memref<2x64x96xf32, #tpu.memory_space<vmem>> -> memref<1x64x96xf32, #tpu.memory_space<vmem>>
    %dma_wait3A_523 = tpu.memref_squeeze %dma_wait3A_522 : memref<1x64x96xf32, #tpu.memory_space<vmem>> -> memref<64x96xf32, #tpu.memory_space<vmem>>
    tpu.wait_dma2 semaphore(%arg24 : memref<!tpu.dma_semaphore, #tpu.memory_space<semaphore_mem>>) src(%dma_wait3A_523 : memref<64x96xf32, #tpu.memory_space<vmem>>) dst(%dma_wait3A_519 : memref<64x96xf32, #tpu.memory_space<hbm>>)
    return
  }
}

</mosaic_0001>

<sc_bundles>
// kernel: kernel.3.cloned.1.call-start
scs
__scs_entry_jumppad:
0x0: {  	(pc) =	sbr.rel $0x88, $3  }
0x1: {  	(tag) =	ssettag $0x0;
	lr =	simm.s32 $0x1  }
0x2: {  	[smem:$0x3F9F] =	sst lr;
	_ =	strace $0xD0000000  }
0x3: {  	_ = 	snop  }
0x4: {  	_ = 	snop  }
0x5: {  	_ = 	snop  }
0x6: {  	_ = 	snop  }
0x7: {  	_ = 	snop  }
__scs_overlays_trampoline_lowered:
0x8: {  	[smem:$0x3FAE] =	sst s0  }
0x9: {  	[smem:$0x3FAF] =	sst s1  }
0xa: {  	[smem:$0x3FB0] =	sst s2  }
0xb: {  	[smem:$0x3FB1] =	sst s3  }
0xc: {  	[smem:$0x3FB2] =	sst s4  }
0xd: {  	[smem:$0x3FB3] =	sst s5  }
0xe: {  	[smem:$0x3FB4] =	sst s6  }
0xf: {  	[smem:$0x3FB5] =	sst s7  }
0x10: {  	[smem:$0x3FB6] =	sst s8  }
0x11: {  	[smem:$0x3FB7] =	sst s9;
	s0 =	simm.s32 @!p0 $0x0  }
0x12: {  	s1 =	sld [smem:$0x3F9D];
	s0 =	simm.s32 @p0 $0x1  }
0x13: {  	[smem:$0x3FB8] =	sst s0;
	s0 =	simm.s32 @!p1 $0x0  }
0x14: {  	s2 =	sld [smem:$0x3F9C];
	s0 =	simm.s32 @p1 $0x1  }
0x15: {  	[smem:$0x3FB9] =	sst s0;
	s0 =	simm.s32 @!p2 $0x0  }
0x16: {  	s3 =	sld [smem:$0x3FDB];
	s0 =	simm.s32 @p2 $0x1  }
0x17: {  	s4 =	simm.s32 $0x1BF5;
	[smem:$0x3FBB] =	sst s0  }
0x18: {  	s0 =	sld [smem:$0x3F9E];
	_ =	swait.ge [sflag:s4], $0x0  }
0x19: {  	s7 =	sld [smem:$0x3F9F]  }
0x1a: {  	s8 =	sadd.s32 $0xFFFFE003, lr  }
0x1b: {  	s9 =	sadd.s32 $0xFFFFFEF7, lr;
	s5 =	simm.s32 $0xFFFFFFFF;
	p2 =	slt.u32 s8, $0xFFFFF086  }
0x1c: {  	p1 =	slt.u32 s9, $0xF7A;
	s5 =	simm.s32 @!p2 $0x0  }
0x1d: {  	s5 =	simm.s32 @p1 $0x1;
	p0 =	seq.s32 s7, s2  }
0x1e: {  	s7 =	smul.u32 @!p0 $0xF7A, s2;
	p2 =	seq.s32 @!p0 s5, $0x0  }
0x1f: {  	s9 =	smul.u32 $0xF7A, s1;
	s8 =	simm.s32 @!p0 $0x1BF5;
	p2 =	por !p2, p0  }
0x20: {  	[sflag:s8] =	ssyncset.s32 @!p0 $0xFFFFF086;
	s6 =	sadd.s32 @!p0 s3, s7;
	s7 =	simm.s32 @!p0 $0x108  }
0x21: {  	s3 =	sadd.s32 s3, s9;
	s6 =	sadd.s32 @!p0 $0x88, s6;
	s7 =	simm.s32 @p2 $0x1082  }
0x22: {  	[simem:s7], [sflag:s8] =	dma.local @!p0 [hbm:s6], $0xF7A  }
0x23: {  	s9 =	sor.u32 $0xD0000000, s2;
	s6 =	simm.s32 $0x108;
	_ =	swait.ge @!p0 [sflag:s8], $0x0  }
0x24: {  	s3 =	sadd.s32 $0x88, s3;
	s6 =	simm.s32 @!p1 $0x1082;
	[sflag:s4] =	ssyncset.s32 $0xFFFFF086  }
0x25: {  	[simem:s6], [sflag:s4] =	dma.local [hbm:s3], $0xF7A  }
0x26: {  	[smem:$0x3F9F] =	sst s1;
	(tag) =	ssettag s2;
	_ =	strace s9  }
0x27: {  	s1 =	sld [smem:$0x3FAF]  }
0x28: {  	s2 =	sld [smem:$0x3FB0]  }
0x29: {  	s4 =	sld [smem:$0x3FB2]  }
0x2a: {  	p0 =	seq.s32 s5, $0x0;
	s5 =	sld [smem:$0x3FB3]  }
0x2b: {  	s6 =	sld [smem:$0x3FB4]  }
0x2c: {  	s7 =	sld [smem:$0x3FB5]  }
0x2d: {  	s3 =	simm.s32 $0x108;
	s8 =	sld [smem:$0x3FB6]  }
0x2e: {  	s3 =	simm.s32 @!p0 $0x1082;
	s9 =	sld [smem:$0x3FB7]  }
0x2f: {  	lr =	sadd.s32 s0, s3;
	s0 =	sld [smem:$0x3FAE]  }
0x30: {  	s3 =	sld [smem:$0x3FB1]  }
0x31: {  	[smem:$0x3FBA] =	sst s10  }
0x32: {  	s10 =	sld [smem:$0x3FB8];
	_ =	sdelay $0x3  }
0x33: {  	p0 =	seq.s32 s10, $0x1;
	s10 =	sld [smem:$0x3FBA];
	_ =	sdelay $0x3  }
0x34: {  	[smem:$0x3FBA] =	sst s10  }
0x35: {  	s10 =	sld [smem:$0x3FB9];
	_ =	sdelay $0x3  }
0x36: {  	p1 =	seq.s32 s10, $0x1;
	s10 =	sld [smem:$0x3FBA];
	_ =	sdelay $0x3  }
0x37: {  	[smem:$0x3FBA] =	sst s10  }
0x38: {  	s10 =	sld [smem:$0x3FBB]  }
0x39: {  	_ = 	snop;
	(pc) =	sbr.ind lr, $3  }
0x3a: {  	_ = 	snop  }
0x3b: {  	_ = 	snop  }
0x3c: {  	p2 =	seq.s32 s10, $0x1;
	s10 =	sld [smem:$0x3FBA]  }
0x3d: {  	_ =	shalt  }
0x3e: {  	_ =	shalt  }
0x3f: {  	_ =	shalt  }
0x40: {  	_ =	shalt  }
0x41: {  	_ =	shalt  }
0x42: {  	_ =	shalt  }
0x43: {  	_ =	shalt  }
0x44: {  	_ =	shalt  }
0x45: {  	_ =	shalt  }
0x46: {  	_ =	shalt  }
0x47: {  	_ =	shalt  }
0x48: {  	_ =	shalt  }
0x49: {  	_ =	shalt  }
0x4a: {  	_ =	shalt  }
0x4b: {  	_ =	shalt  }
0x4c: {  	_ =	shalt  }
0x4d: {  	_ =	shalt  }
0x4e: {  	_ =	shalt  }
0x4f: {  	_ =	shalt  }
0x50: {  	_ =	shalt  }
0x51: {  	_ =	shalt  }
0x52: {  	_ =	shalt  }
0x53: {  	_ =	shalt  }
0x54: {  	_ =	shalt  }
0x55: {  	_ =	shalt  }
0x56: {  	_ =	shalt  }
0x57: {  	_ =	shalt  }
0x58: {  	_ =	shalt  }
0x59: {  	_ =	shalt  }
0x5a: {  	_ =	shalt  }
0x5b: {  	_ =	shalt  }
0x5c: {  	_ =	shalt  }
0x5d: {  	_ =	shalt  }
0x5e: {  	_ =	shalt  }
0x5f: {  	_ =	shalt  }
0x60: {  	_ =	shalt  }
0x61: {  	_ =	shalt  }
0x62: {  	_ =	shalt  }
0x63: {  	_ =	shalt  }
0x64: {  	_ =	shalt  }
0x65: {  	_ =	shalt  }
0x66: {  	_ =	shalt  }
0x67: {  	_ =	shalt  }
0x68: {  	_ =	shalt  }
0x69: {  	_ =	shalt  }
0x6a: {  	_ =	shalt  }
0x6b: {  	_ =	shalt  }
0x6c: {  	_ =	shalt  }
0x6d: {  	_ =	shalt  }
0x6e: {  	_ =	shalt  }
0x6f: {  	_ =	shalt  }
0x70: {  	_ =	shalt  }
0x71: {  	_ =	shalt  }
0x72: {  	_ =	shalt  }
0x73: {  	_ =	shalt  }
0x74: {  	_ =	shalt  }
0x75: {  	_ =	shalt  }
0x76: {  	_ =	shalt  }
0x77: {  	_ =	shalt  }
0x78: {  	_ =	shalt  }
0x79: {  	_ =	shalt  }
0x7a: {  	_ =	shalt  }
0x7b: {  	_ =	shalt  }
0x7c: {  	_ =	shalt  }
0x7d: {  	_ =	shalt  }
0x7e: {  	_ =	shalt  }
0x7f: {  	_ =	shalt  }
0x80: {  	_ =	shalt  }
0x81: {  	_ =	shalt  }
0x82: {  	_ =	shalt  }
0x83: {  	_ =	shalt  }
0x84: {  	_ =	shalt  }
0x85: {  	_ =	shalt  }
0x86: {  	_ =	shalt  }
0x87: {  	_ =	shalt  }
.Lfunc_end0:
.L_simem_size_0:
called_computation.2_lowered:
.L_overlay_start_0:
0x88: {  	s2 =	sld [smem:$0x3FD9]  }
0x89: {  	s3 =	sld [smem:$0x3FFE];
	_ =	sdelay $0x1  }
0x8a: {  	s1 =	srdreg.scid  }
0x8b: {  	s0 =	sand.u32 $0x1, s1  }
0x8c: {  	s17 =	sshll.u32 s0, $0xA;
	s2 =	sadd.s32 s3, s2  }
0x8d: {  	s2 =	sadd.s32 s2, s17  }
0x8e: {  	[smem:$0x3FC6] =	sst s2  }
0x8f: {  	_ = 	snop  }
0x90: {  	s2 =	sld [smem:$0x3FD0];
	(tm) =	ssettm $0x1  }
0x91: {  	s18 =	sld [smem:$0x3FFB];
	_ =	sdelay $0x3  }
0x92: {  	_ =	strace s18  }
0x93: {  	s3 =	sld [smem:$0x3FFC];
	_ =	sdelay $0x3  }
0x94: {  	_ =	strace s3  }
0x95: {  	s3 =	sld [smem:$0x3FFD];
	_ =	sdelay $0x3  }
0x96: {  	_ =	strace s3  }
0x97: {  	_ =	strace $0x8FFFFFFF  }
0x98: {  	s19 =	sld [smem:$0x3FDB];
	_ =	sdelay $0x1  }
0x99: {  	s4 =	simm.s32 $_scs_section_size  }
0x9a: {  	s5 =	simm.s32 $_size__tile_overlayer_lowered;
	s6 =	simm.s32 $_tile_overlayer_lowered  }
0x9b: {  	s22 =	simm.s32 $0x1BFF;
	s21 =	sshll.u32 s6, $0x1;
	s3 =	sadd.s32 s4, s19  }
0x9c: {  	s7 =	simm.s32 $0x0;
	s20 =	sshll.u32 s5, $0x1;
	s5 =	sadd.s32 s21, s3  }
0x9d: {  	[timem:s7], [sflag:s22] =	dma.local [hbm:s5], s20  }
0x9e: {  	_ =	swait.ge [sflag:s22], s20  }
0x9f: {  	s4 =	ssub.s32 $0x0, s20;
	[sflag:s22] =	ssyncset.done $0x0  }
0xa0: {  	[sflag:s22] =	ssyncadd.s32 s4;
	_ =	sdelay $0x1  }
0xa1: {  	s23 =	simm.s32 $0x1B8B  }
0xa2: {  	_ =	swait.ge [sflag:s23], $0x1  }
0xa3: {  	[sflag:s23] =	ssyncset.done $0x0  }
0xa4: {  	s25 =	simm.s32 $0x1B8E;
	s24 =	sld [smem:$0x3FFE];
	[sflag:s23] =	ssyncadd.s32 $0xFFFFFFFF  }
0xa5: {  	s26 =	simm.s32 $execute0_lowered;
	[smem:$0x3FD2] =	sst s25  }
0xa6: {  	s5 =	sshll.u32 s26, $0x1;
	_ =	strace $0x80000049;
	[dreg:$0x1] =	wrdreg $0xFFFFFFFF  }
0xa7: {  	s28 =	simm.s32 $_size_execute0_lowered;
	s3 =	sadd.s32 s3, s5;
	[dreg:$0x0] =	wrdreg $0x0  }
0xa8: {  	s5 =	sshll.u32 s28, $0x1;
	[dreg:$0x2] =	wrdreg s3  }
0xa9: {  	[dreg:$0x3] =	wrdreg s5  }
0xaa: {  	[dreg:$0x4] =	wrdreg $0xC0  }
0xab: {  	_ =	task [dreg:s7], $0x5FFFF  }
0xac: {  	[dreg:$0x1] =	wrdreg $0xFFFFFFFF  }
0xad: {  	[dreg:$0x0] =	wrdreg $0x60  }
0xae: {  	[dreg:$0x2] =	wrdreg s24  }
0xaf: {  	[dreg:$0x3] =	wrdreg s2  }
0xb0: {  	[dreg:$0x4] =	wrdreg $0x9  }
0xb1: {  	_ =	task.clear_ibuf [dreg:s7], $0x5FFFF;
	_ =	strace $0x90000049  }
0xb2: {  	s29 =	simm.s32 $0x9;
	_ =	strace $0x8000004B  }
0xb3: {  	_ =	swait.ge [sflag:s29], $0x1  }
0xb4: {  	[sflag:s29] =	ssyncadd.s32 $0xFFFFFFFF  }
0xb5: {  	_ =	strace $0x9000004B  }
0xb6: {  	_ =	sfence  }
0xb7: {  	s30 =	sld [smem:$0x0];
	_ =	sdelay $0x2  }
0xb8: {  	s31 =	sshll.u32 s1, $0xD;
	s1 =	sshrl.u32 s1, $0x2  }
0xb9: {  	s3 =	sand.u32 $0x4000, s31;
	s1 =	sadd.s32 s1, s30  }
0xba: {  	s0 =	sor.u32 s3, s0;
	s1 =	sshll.u32 s1, $0x11  }
0xbb: {  	s0 =	sor.u32 s1, s0  }
0xbc: {  	s0 =	sadd.s32 $0x8F2B, s0  }
0xbd: {  	[sflag:s0] =	ssyncadd.remote.s32 $0x1  }
0xbe: {  	_ =	sfence.sel $0xFFFF  }
0xbf: {  	[dreg:$0x0] =	wrdreg $0xFFFFFFFF;
	(pc) =	sbr.abs _section_cstart, $3  }
0xc0: {  	[dreg:$0x1] =	wrdreg $0xFFFFFFFF  }
0xc1: {  	_ =	task.clear_ibuf [dreg:s7], $0x2FFFF;
	_ =	strace $0x9FFFFFFF  }
0xc2: {  	(tm) =	ssettm $0x7FFFFFFF  }
0xc3: {  	_ =	shalt  }
tec
execute0_lowered:
.L_overlay_start_1:
0x0: {  	(tag) =	ssettag $0x1  }
0x1: {  	v0 =	vimm.f32 $1.500000000e+01;
	vm14 =	vcmask $0x300  }
0x2: {  	vm13 =	vcmask $0x704;
	vm12 =	vcmask $0xB08;
	vm11 =	vcmask $0xF0C  }
0x3: {  	vm10 =	vcmask $0x1310;
	vm9 =	vcmask $0x1714;
	vm7 =	vcmask $0x1B18  }
0x4: {  	vm8 =	vcmask $0x1F1C;
	vm6 =	vcmask $0x2320;
	vm5 =	vcmask $0x2724  }
0x5: {  	vm4 =	vcmask $0x2B28;
	vm3 =	vcmask $0x2F2C;
	vm2 =	vcmask $0x3330  }
0x6: {  	vm0 =	vcmask $0x3734;
	vm1 =	vcmask $0x3B38;
	v3 =	vimm.f32 $3.100000000e+01  }
0x7: {  	v4 =	vimm.f32 $4.700000000e+01;
	v5 =	vimm.f32 $6.300000000e+01;
	v6 =	vlaneseq.u32  }
0x8: {  	s0 =	srdreg.scid;
	v0 =	vsel vm14, $0x0, v0;
	v3 =	vsel vm14, $0x41800000, v3;
	v4 =	vsel vm14, $0x42000000, v4  }
0x9: {  	s1 =	stileid.u32;
	s0 =	sand.u32 $0x1, s0;
	v5 =	vsel vm14, $0x42400000, v5;
	v0 =	vsel vm13, $0x3F800000, v0;
	v3 =	vsel vm13, $0x41880000, v3  }
0xa: {  	s2 =	sshll.u32 s1, $0xF;
	s23 =	sshll.u32 s0, $0xE;
	v4 =	vsel vm13, $0x42040000, v4;
	v5 =	vsel vm13, $0x42440000, v5;
	v0 =	vsel vm12, $0x40000000, v0  }
0xb: {  	s1 =	sor.u32 s23, s2;
	v3 =	vsel vm12, $0x41900000, v3;
	v4 =	vsel vm12, $0x42080000, v4;
	v5 =	vsel vm12, $0x42480000, v5  }
0xc: {  	v0 =	vsel vm11, $0x40400000, v0;
	v1 =	vmov s1;
	v3 =	vsel vm11, $0x41980000, v3  }
0xd: {  	v4 =	vsel vm11, $0x420C0000, v4;
	v5 =	vsel vm11, $0x424C0000, v5;
	v0 =	vsel vm10, $0x40800000, v0  }
0xe: {  	s7 =	rddreg [dreg:$0x0];
	v1 =	vshrl.u32 v1, $0x9;
	v3 =	vsel vm10, $0x41A00000, v3;
	v4 =	vsel vm10, $0x42100000, v4  }
0xf: {  	s3 =	rddreg [dreg:$0x1];
	v5 =	vsel vm10, $0x42500000, v5;
	v0 =	vsel vm9, $0x40A00000, v0;
	v1 =	vand.u32 $0x1E0, v1  }
0x10: {  	s4 =	simm.s32 $0x0;
	s19 =	simm.s32 $0x1;
	s20 =	simm.s32 $0x40;
	v3 =	vsel vm9, $0x41A80000, v3;
	v4 =	vsel vm9, $0x42140000, v4;
	v5 =	vsel vm9, $0x42540000, v5  }
0x11: {  	s30 =	simm.s32 $0x2;
	s16 =	simm.s32 $0x6800;
	s9 =	simm.s32 $0xA800;
	v0 =	vsel vm7, $0x40C00000, v0;
	v1 =	vcvt.s32.f32 v1;
	v3 =	vsel vm7, $0x41B00000, v3  }
0x12: {  	s10 =	simm.s32 $0x780;
	s11 =	simm.s32 $0xE800;
	s15 =	simm.s32 $0x3;
	v4 =	vsel vm7, $0x42180000, v4;
	v5 =	vsel vm7, $0x42580000, v5;
	v0 =	vsel vm8, $0x40E00000, v0  }
0x13: {  	s17 =	simm.s32 $0x10800;
	s18 =	simm.s32 $0x4;
	s21 =	simm.s32 $0x12800;
	v3 =	vsel vm8, $0x41B80000, v3;
	v4 =	vsel vm8, $0x421C0000, v4;
	v5 =	vsel vm8, $0x425C0000, v5  }
0x14: {  	[smem:$0x7FF] =	sst s4;
	s5 =	sadd.s32 $0x811000, s7;
	s6 =	sadd.s32 $0x801000, s7;
	v0 =	vsel vm6, $0x41000000, v0;
	v3 =	vsel vm6, $0x41C00000, v3;
	v4 =	vsel vm6, $0x42200000, v4  }
0x15: {  	s7 =	sadd.s32 $0x1000, s7;
	_ =	strace $0x8000004A;
	s0 =	ssub.s32 $0x2, s0;
	v5 =	vsel vm6, $0x42600000, v5;
	v0 =	vsel vm5, $0x41100000, v0;
	v3 =	vsel vm5, $0x41C80000, v3  }
0x16: {  	s2 =	sand.u32 $0x40000, s2;
	s24 =	sshrl.u32 s0, $0x1;
	s23 =	simm.s32 $0x0;
	v4 =	vsel vm5, $0x42240000, v4;
	v5 =	vsel vm5, $0x42640000, v5;
	v0 =	vsel vm4, $0x41200000, v0  }
0x17: {  	s0 =	ssub.s32 s0, s24;
	s25 =	sshrl.u32 s1, $0x3;
	s31 =	sor.u32 $0xC0, s1;
	v3 =	vsel vm4, $0x41D00000, v3;
	v4 =	vsel vm4, $0x42280000, v4;
	v5 =	vsel vm4, $0x42680000, v5  }
0x18: {  	s29 =	sshll.u32 s1, $0x4;
	s8 =	sadd.s32 s3, s25;
	[dreg:$0x7] =	wrdreg s31;
	v0 =	vsel vm3, $0x41300000, v0;
	v3 =	vsel vm3, $0x41D80000, v3;
	v4 =	vsel vm3, $0x422C0000, v4  }
0x19: {  	s12 =	sor.u32 $0x80, s1;
	s26 =	sadd.s32 s6, s25;
	[dreg:$0x3] =	wrdreg s8;
	v5 =	vsel vm3, $0x426C0000, v5;
	v2 =	vsel vm2, $0x41400000, v0;
	v0 =	vbroadcast v1, $0x0  }
0x1a: {  	s0 =	smax.u32 s0, $0x1;
	[dreg:$0x4] =	wrdreg s26;
	v1 =	vmov s2;
	s2 =	sor.u32 $0x8, s25;
	v3 =	vsel vm2, $0x41E00000, v3;
	v4 =	vsel vm2, $0x42300000, v4  }
0x1b: {  	s13 =	sadd.s32 s7, s29;
	[dreg:$0x8] =	wrdreg s0;
	v5 =	vsel vm2, $0x42700000, v5;
	v2 =	vsel vm0, $0x41500000, v2;
	s28 =	sadd.s32 s3, s2;
	v3 =	vsel vm0, $0x41E80000, v3  }
0x1c: {  	s0 =	simm.s32 $0x580;
	s2 =	sadd.s32 s6, s2;
	v4 =	vsel vm0, $0x42340000, v4;
	v5 =	vsel vm0, $0x42740000, v5;
	v2 =	vsel vm1, $0x41600000, v2;
	[dreg:$0x5] =	wrdreg s28  }
0x1d: {  	s8 =	simm.s32 $0x680;
	[dreg:$0x6] =	wrdreg s2;
	s2 =	simm.s32 $0x2800;
	v3 =	vsel vm1, $0x41F00000, v3;
	v4 =	vsel vm1, $0x42380000, v4;
	v5 =	vsel vm1, $0x42780000, v5  }
.LBB2_1:
0x1e: {  	[dreg:$0x9] =	wrdreg s23  }
0x1f: {  	s14 =	rddreg [dreg:$0x3]  }
0x20: {  	[tilespmem:s4], [sflag:$0x1] =	stream.linear.gather [hbm4b:s14+s4], $0x40, $0x38;
	[tilespmem:$0x14800] =	vst v63  }
0x21: {  	s25 =	rddreg [dreg:$0x4];
	s22 =	simm.s32 $0x100  }
0x22: {  	[tilespmem:s22], [sflag:$0x1] =	stream.linear.gather [hbm4b:s25+s4], $0x40, $0x38;
	[tilespmem:$0x14800] =	vst v63  }
0x23: {  	s26 =	rddreg [dreg:$0x5];
	s28 =	simm.s32 $0x80  }
0x24: {  	[tilespmem:s28], [sflag:$0x2] =	stream.linear.gather [hbm4b:s26+s4], $0x40, $0x38;
	[tilespmem:$0x14800] =	vst v63  }
0x25: {  	s29 =	rddreg [dreg:$0x6];
	s31 =	simm.s32 $0x180  }
0x26: {  	[tilespmem:s31], [sflag:$0x2] =	stream.linear.gather [hbm4b:s29+s4], $0x40, $0x38;
	[tilespmem:$0x14800] =	vst v63  }
0x27: {  	_ =	swait.ge [sflag:s19], $0x40  }
0x28: {  	[sflag:s19] =	ssyncset.done $0x0  }
0x29: {  	[sflag:s19] =	ssyncadd.s32 $0xFFFFFFC0  }
0x2a: {  	_ =	swait.ge [sflag:s19], $0x40  }
0x2b: {  	[sflag:s19] =	ssyncset.done $0x0  }
0x2c: {  	[sflag:s19] =	ssyncadd.s32 $0xFFFFFFC0  }
0x2d: {  	v7 =	vld [tilespmem:$0x0]  }
0x2e: {  	v8 =	vld [tilespmem:$0x100]  }
0x2f: {  	v9 =	vld [tilespmem:$0x10]  }
0x30: {  	v10 =	vld [tilespmem:$0x110];
	_ =	sdelay $0x3  }
0x31: {  	v7 =	vadd.f32 v7, v0;
	v8 =	vadd.f32 v2, v8  }
0x32: {  	v9 =	vadd.f32 v9, v0;
	v10 =	vadd.f32 v3, v10  }
0x33: {  	v7 =	vmax.f32 v7, $0.0e+00  }
0x34: {  	v16 =	vld [tilespmem:$0x20];
	v8 =	vmax.f32 v8, $0.0e+00;
	v9 =	vmax.f32 v9, $0.0e+00;
	v10 =	vmax.f32 v10, $0.0e+00  }
0x35: {  	v32 =	vld [tilespmem:$0x120];
	v7 =	vmin.f32 v7, $5.110000000e+02;
	v8 =	vmin.f32 v8, $5.110000000e+02;
	v9 =	vmin.f32 v9, $5.110000000e+02  }
0x36: {  	v10 =	vmin.f32 v10, $5.110000000e+02;
	v11 =	vtrunc.f32 v7;
	v12 =	vtrunc.f32 v8  }
0x37: {  	v43 =	vld [tilespmem:$0x130];
	v15 =	vtrunc.f32 v9;
	v17 =	vtrunc.f32 v10  }
0x38: {  	v11 =	vcvt.f32.s32 v11;
	v12 =	vcvt.f32.s32 v12  }
0x39: {  	v15 =	vcvt.f32.s32 v15;
	v31 =	vcvt.f32.s32 v17  }
0x3a: {  	v35 =	vadd.f32 v16, v0;
	v17 =	vadd.f32 v4, v32;
	vm0 =	vlt.s32 v11, $0x1FE  }
0x3b: {  	vm1 =	vlt.s32 v12, $0x1FE;
	vm10 =	vlt.s32 v15, $0x1FE;
	vm11 =	vlt.s32 v31, $0x1FE  }
0x3c: {  	v41 =	vmax.f32 v17, $0.0e+00;
	v17 =	vadd.f32 v5, v43;
	v11 =	vnsel vm0, $0x1FE, v11  }
0x3d: {  	v12 =	vnsel vm1, $0x1FE, v12;
	v33 =	vnsel vm10, $0x1FE, v15;
	v34 =	vnsel vm11, $0x1FE, v31  }
0x3e: {  	v13 =	vcvt.s32.f32 v11;
	v14 =	vcvt.s32.f32 v12;
	v11 =	vshll.u32 v11, $0x9  }
0x3f: {  	v40 =	vld [tilespmem:$0x30];
	v37 =	vcvt.s32.f32 v33;
	v18 =	vcvt.s32.f32 v34;
	v11 =	vadd.s32 v1, v11  }
0x40: {  	v50 =	vmax.f32 v17, $0.0e+00;
	v7 =	vsub.f32 v7, v13;
	v11 =	vadd.s32 v12, v11  }
0x41: {  	v8 =	vsub.f32 v8, v14;
	v13 =	vmax.f32 v35, $0.0e+00;
	v38 =	vsub.f32 v10, v18;
	[tilespmem:$0x400] =	vst v11  }
0x42: {  	v14 =	vmin.f32 v41, $5.110000000e+02;
	v36 =	vadd.s32 $0x1, v11;
	v19 =	vadd.s32 $0x200, v11;
	[tilespmem:$0x200] =	vst v7  }
0x43: {  	v39 =	vmin.f32 v13, $5.110000000e+02;
	v11 =	vadd.s32 $0x201, v11;
	v45 =	vtrunc.f32 v14;
	[tilespmem:$0x300] =	vst v8  }
0x44: {  	v13 =	vadd.f32 v40, v0;
	v8 =	vshll.u32 v33, $0x9;
	v42 =	vtrunc.f32 v39;
	[tilespmem:$0x500] =	vst v36  }
0x45: {  	[tilespmem:$0x600] =	vst v19;
	v12 =	vcvt.f32.s32 v45;
	v8 =	vadd.s32 v1, v8;
	v44 =	vcvt.f32.s32 v42  }
0x46: {  	v7 =	vsub.f32 v9, v37;
	[tilespmem:$0x700] =	vst v11;
	v13 =	vmax.f32 v13, $0.0e+00;
	v8 =	vadd.s32 v34, v8  }
0x47: {  	[tilespmem:$0x310] =	vst v38;
	vm13 =	vlt.s32 v12, $0x1FE;
	v46 =	vadd.s32 $0x1, v8;
	vm12 =	vlt.s32 v44, $0x1FE  }
0x48: {  	[tilespmem:$0x210] =	vst v7;
	v47 =	vadd.s32 $0x200, v8;
	v48 =	vnsel vm13, $0x1FE, v12;
	v49 =	vadd.s32 $0x201, v8  }
0x49: {  	[tilespmem:$0x410] =	vst v8;
	v8 =	vmin.f32 v13, $5.110000000e+02;
	v15 =	vnsel vm12, $0x1FE, v44;
	v51 =	vcvt.s32.f32 v48  }
0x4a: {  	v10 =	vmin.f32 v50, $5.110000000e+02;
	[tilespmem:$0x510] =	vst v46;
	v52 =	vtrunc.f32 v8;
	v7 =	vcvt.s32.f32 v15  }
0x4b: {  	v55 =	vtrunc.f32 v10;
	[tilespmem:$0x610] =	vst v47;
	v54 =	vcvt.f32.s32 v52;
	v56 =	vsub.f32 v14, v51  }
0x4c: {  	v57 =	vcvt.f32.s32 v55;
	[tilespmem:$0x710] =	vst v49;
	v53 =	vshll.u32 v15, $0x9;
	v7 =	vsub.f32 v39, v7  }
0x4d: {  	v11 =	vadd.s32 v1, v53;
	vm14 =	vlt.s32 v54, $0x1FE;
	[tilespmem:$0x320] =	vst v56  }
0x4e: {  	vm15 =	vlt.s32 v57, $0x1FE;
	v58 =	vnsel vm14, $0x1FE, v54;
	[tilespmem:$0x220] =	vst v7;
	v7 =	vadd.s32 v48, v11  }
0x4f: {  	v60 =	vnsel vm15, $0x1FE, v57;
	v61 =	vcvt.s32.f32 v58;
	v9 =	vadd.s32 $0x1, v7;
	[tilespmem:$0x420] =	vst v7  }
0x50: {  	v62 =	vcvt.s32.f32 v60;
	v59 =	vadd.s32 $0x200, v7;
	[tilespmem:$0x520] =	vst v9  }
0x51: {  	v7 =	vadd.s32 $0x201, v7;
	[tilespmem:$0x620] =	vst v59;
	v8 =	vsub.f32 v8, v61  }
0x52: {  	v63 =	vshll.u32 v58, $0x9;
	[tilespmem:$0x720] =	vst v7;
	v7 =	vsub.f32 v10, v62  }
0x53: {  	[tilespmem:$0x230] =	vst v8;
	v8 =	vadd.s32 v1, v63  }
0x54: {  	[tilespmem:$0x330] =	vst v7;
	v7 =	vadd.s32 v60, v8  }
0x55: {  	[tilespmem:$0x430] =	vst v7;
	v8 =	vadd.s32 $0x1, v7  }
0x56: {  	[tilespmem:$0x530] =	vst v8;
	v8 =	vadd.s32 $0x200, v7  }
0x57: {  	v7 =	vadd.s32 $0x201, v7;
	[tilespmem:$0x630] =	vst v8  }
0x58: {  	s23 =	simm.s32 $0x800;
	s22 =	simm.s32 $0x400;
	[tilespmem:$0x730] =	vst v7  }
0x59: {  	[tilespmem:s23], [sflag:$0x3] =	stream.indirect.gather [hbm4b:s5+s20], $0x80, s22, s20, $0xb8;
	[tilespmem:$0x14800] =	vst v63  }
0x5a: {  	s24 =	simm.s32 $0x500;
	s25 =	simm.s32 $0x4800  }
0x5b: {  	[tilespmem:s25], [sflag:$0x3] =	stream.indirect.gather [hbm4b:s5+s20], $0x80, s24, s20, $0xb8;
	[tilespmem:$0x14800] =	vst v63  }
0x5c: {  	s26 =	simm.s32 $0x600;
	s28 =	simm.s32 $0x8800  }
0x5d: {  	[tilespmem:s28], [sflag:$0x3] =	stream.indirect.gather [hbm4b:s5+s20], $0x80, s26, s20, $0xb8;
	[tilespmem:$0x14800] =	vst v63  }
0x5e: {  	s29 =	simm.s32 $0x700;
	s31 =	simm.s32 $0xC800;
	s22 =	simm.s32 $0x0  }
0x5f: {  	[tilespmem:s31], [sflag:$0x3] =	stream.indirect.gather [hbm4b:s5+s20], $0x80, s29, s20, $0xb8;
	[tilespmem:$0x14800] =	vst v63  }
.LBB2_2:
0x60: {  	s24 =	sshll.u32 s22, $0x7;
	p1 =	seq.s32 s22, $0x7F  }
0x61: {  	s14 =	sadd.s32 @!p1 s24, s12  }
0x62: {  	s14 =	sshrl.u32 @!p1 s14, $0x3  }
0x63: {  	s25 =	simm.s32 @!p1 $0x0;
	s23 =	sadd.s32 @!p1 s3, s14  }
0x64: {  	[tilespmem:s25], [sflag:$0x1] =	stream.linear.gather @!p1 [hbm4b:s23+s25], $0x40, $0x38;
	[tilespmem:$0x14800] =	vst v63  }
0x65: {  	s14 =	sadd.s32 @!p1 s6, s14;
	s23 =	simm.s32 @!p1 $0x100  }
0x66: {  	[tilespmem:s23], [sflag:$0x1] =	stream.linear.gather @!p1 [hbm4b:s14+s25], $0x40, $0x38;
	[tilespmem:$0x14800] =	vst v63  }
0x67: {  	_ =	swait.ge [sflag:s30], $0x40  }
0x68: {  	[sflag:s30] =	ssyncset.done $0x0  }
0x69: {  	[sflag:s30] =	ssyncadd.s32 $0xFFFFFFC0  }
0x6a: {  	_ =	swait.ge [sflag:s30], $0x40  }
0x6b: {  	s14 =	sor.u32 s24, s1;
	[sflag:s30] =	ssyncset.done $0x0  }
0x6c: {  	s23 =	sor.u32 $0x40, s14;
	[sflag:s30] =	ssyncadd.s32 $0xFFFFFFC0  }
0x6d: {  	v7 =	vmov s23;
	v8 =	vld [tilespmem:$0x80]  }
0x6e: {  	s26 =	sor.u32 $0x50, s14;
	s29 =	sor.u32 $0x60, s14;
	v10 =	vor.u32 s23, v6;
	v7 =	vshrl.u32 v7, $0x9  }
0x6f: {  	v14 =	vor.u32 s26, v6;
	v17 =	vmov s29;
	v7 =	vand.u32 $0x1FF, v7;
	v9 =	vld [tilespmem:$0x180]  }
0x70: {  	v20 =	vor.u32 s29, v6;
	v17 =	vshrl.u32 v17, $0x9;
	v7 =	vcvt.s32.f32 v7  }
0x71: {  	v10 =	vand.u32 $0x1CF, v10;
	v14 =	vand.u32 $0x1FF, v14;
	v17 =	vand.u32 $0x1FF, v17;
	v18 =	vld [tilespmem:$0xA0]  }
0x72: {  	v11 =	vld [tilespmem:$0x90];
	v7 =	vadd.f32 v7, v8;
	v8 =	vcvt.s32.f32 v10;
	v10 =	vmov s26  }
0x73: {  	v20 =	vand.u32 $0x1FF, v20;
	v17 =	vcvt.s32.f32 v17;
	v19 =	vld [tilespmem:$0x1A0];
	v10 =	vshrl.u32 v10, $0x9  }
0x74: {  	v8 =	vadd.f32 v8, v9;
	v7 =	vmax.f32 v7, $0.0e+00;
	v10 =	vand.u32 $0x1FF, v10  }
0x75: {  	v20 =	vcvt.s32.f32 v20;
	v13 =	vld [tilespmem:$0x190];
	v7 =	vmin.f32 v7, $5.110000000e+02;
	v10 =	vcvt.s32.f32 v10  }
0x76: {  	v17 =	vadd.f32 v17, v18;
	v8 =	vmax.f32 v8, $0.0e+00;
	v9 =	vtrunc.f32 v7  }
0x77: {  	v8 =	vmin.f32 v8, $5.110000000e+02;
	v9 =	vcvt.f32.s32 v9;
	v10 =	vadd.f32 v10, v11  }
0x78: {  	v18 =	vadd.f32 v20, v19;
	v11 =	vcvt.s32.f32 v14;
	v12 =	vtrunc.f32 v8  }
0x79: {  	vm0 =	vlt.s32 v9, $0x1FE;
	v12 =	vcvt.f32.s32 v12;
	v10 =	vmax.f32 v10, $0.0e+00  }
0x7a: {  	v11 =	vadd.f32 v11, v13;
	v9 =	vnsel vm0, $0x1FE, v9;
	v10 =	vmin.f32 v10, $5.110000000e+02  }
0x7b: {  	vm9 =	vlt.s32 v12, $0x1FE;
	v15 =	vcvt.s32.f32 v9;
	v9 =	vshll.u32 v9, $0x9  }
0x7c: {  	v11 =	vmax.f32 v11, $0.0e+00;
	v13 =	vtrunc.f32 v10;
	v12 =	vnsel vm9, $0x1FE, v12  }
0x7d: {  	v9 =	vadd.s32 v1, v9;
	v11 =	vmin.f32 v11, $5.110000000e+02;
	v13 =	vcvt.f32.s32 v13  }
0x7e: {  	v7 =	vsub.f32 v7, v15;
	v14 =	vcvt.s32.f32 v12;
	v16 =	vtrunc.f32 v11  }
0x7f: {  	v9 =	vadd.s32 v12, v9;
	vm10 =	vlt.s32 v13, $0x1FE;
	v16 =	vcvt.f32.s32 v16  }
0x80: {  	v12 =	vadd.s32 $0x1, v9;
	v15 =	vadd.s32 $0x201, v9;
	v13 =	vnsel vm10, $0x1FE, v13  }
0x81: {  	v8 =	vsub.f32 v8, v14;
	vm11 =	vlt.s32 v16, $0x1FE;
	v21 =	vcvt.s32.f32 v13  }
0x82: {  	v14 =	vadd.s32 $0x200, v9;
	v13 =	vshll.u32 v13, $0x9;
	v16 =	vnsel vm11, $0x1FE, v16  }
0x83: {  	s14 =	sor.u32 $0x70, s14;
	v13 =	vadd.s32 v1, v13;
	v22 =	vcvt.s32.f32 v16;
	v10 =	vsub.f32 v10, v21  }
0x84: {  	[tilespmem:$0x480] =	vst v9;
	v13 =	vadd.s32 v16, v13;
	v16 =	vmax.f32 v17, $0.0e+00;
	v17 =	vmov s14  }
0x85: {  	[tilespmem:$0x280] =	vst v7;
	v7 =	vmin.f32 v16, $5.110000000e+02;
	v16 =	vmax.f32 v18, $0.0e+00;
	v18 =	vld [tilespmem:$0xB0];
	v17 =	vshrl.u32 v17, $0x9  }
0x86: {  	v19 =	vld [tilespmem:$0x1B0];
	[tilespmem:$0x380] =	vst v8;
	v11 =	vsub.f32 v11, v22;
	v8 =	vmin.f32 v16, $5.110000000e+02;
	v16 =	vtrunc.f32 v7  }
0x87: {  	[tilespmem:$0x580] =	vst v12;
	v17 =	vand.u32 $0x1FF, v17;
	v9 =	vcvt.f32.s32 v16;
	v16 =	vor.u32 s14, v6  }
0x88: {  	[tilespmem:$0x780] =	vst v15;
	v12 =	vtrunc.f32 v8;
	v17 =	vcvt.s32.f32 v17;
	v16 =	vand.u32 $0x1FF, v16  }
0x89: {  	[tilespmem:$0x680] =	vst v14;
	v14 =	vadd.s32 $0x1, v13;
	v12 =	vcvt.f32.s32 v12;
	v16 =	vcvt.s32.f32 v16  }
0x8a: {  	v15 =	vadd.s32 $0x200, v13;
	[tilespmem:$0x390] =	vst v11;
	v11 =	vadd.s32 $0x201, v13;
	v17 =	vadd.f32 v17, v18  }
0x8b: {  	[tilespmem:$0x290] =	vst v10;
	vm12 =	vlt.s32 v9, $0x1FE;
	vm13 =	vlt.s32 v12, $0x1FE;
	v10 =	vadd.f32 v16, v19  }
0x8c: {  	v9 =	vnsel vm12, $0x1FE, v9;
	v12 =	vnsel vm13, $0x1FE, v12;
	v16 =	vmax.f32 v17, $0.0e+00  }
0x8d: {  	[tilespmem:$0x490] =	vst v13;
	v13 =	vcvt.s32.f32 v9;
	v16 =	vmin.f32 v16, $5.110000000e+02;
	v10 =	vmax.f32 v10, $0.0e+00  }
0x8e: {  	[tilespmem:$0x590] =	vst v14;
	v14 =	vcvt.s32.f32 v12;
	v10 =	vmin.f32 v10, $5.110000000e+02;
	v17 =	vtrunc.f32 v16  }
0x8f: {  	[tilespmem:$0x690] =	vst v15;
	v7 =	vsub.f32 v7, v13;
	v13 =	vcvt.f32.s32 v17;
	v15 =	vtrunc.f32 v10  }
0x90: {  	[tilespmem:$0x790] =	vst v11;
	v9 =	vshll.u32 v9, $0x9;
	v8 =	vsub.f32 v8, v14;
	v11 =	vcvt.f32.s32 v15  }
0x91: {  	[tilespmem:$0x2A0] =	vst v7;
	v7 =	vadd.s32 v1, v9;
	vm14 =	vlt.s32 v13, $0x1FE  }
0x92: {  	[tilespmem:$0x3A0] =	vst v8;
	v7 =	vadd.s32 v12, v7;
	v8 =	vnsel vm14, $0x1FE, v13;
	vm15 =	vlt.s32 v11, $0x1FE  }
0x93: {  	[tilespmem:$0x4A0] =	vst v7;
	v9 =	vadd.s32 $0x1, v7;
	v11 =	vnsel vm15, $0x1FE, v11;
	v12 =	vcvt.s32.f32 v8  }
0x94: {  	[tilespmem:$0x5A0] =	vst v9;
	v9 =	vadd.s32 $0x200, v7;
	v13 =	vcvt.s32.f32 v11  }
0x95: {  	v7 =	vadd.s32 $0x201, v7;
	[tilespmem:$0x6A0] =	vst v9;
	v9 =	vsub.f32 v16, v12  }
0x96: {  	[tilespmem:$0x7A0] =	vst v7;
	v8 =	vshll.u32 v8, $0x9;
	v7 =	vsub.f32 v10, v13  }
0x97: {  	v8 =	vadd.s32 v1, v8;
	[tilespmem:$0x2B0] =	vst v9  }
0x98: {  	[tilespmem:$0x3B0] =	vst v7;
	v7 =	vadd.s32 v11, v8  }
0x99: {  	[tilespmem:$0x4B0] =	vst v7;
	v8 =	vadd.s32 $0x1, v7  }
0x9a: {  	[tilespmem:$0x5B0] =	vst v8;
	v8 =	vadd.s32 $0x200, v7  }
0x9b: {  	v7 =	vadd.s32 $0x201, v7;
	[tilespmem:$0x6B0] =	vst v8  }
0x9c: {  	s26 =	simm.s32 $0x480;
	[tilespmem:$0x7B0] =	vst v7  }
0x9d: {  	[tilespmem:s2], [sflag:$0x4] =	stream.indirect.gather [hbm4b:s5+s20], $0x80, s26, s20, $0xb8;
	[tilespmem:$0x14800] =	vst v63  }
0x9e: {  	_ = 	snop  }
0x9f: {  	[tilespmem:s16], [sflag:$0x4] =	stream.indirect.gather [hbm4b:s5+s20], $0x80, s0, s20, $0xb8;
	[tilespmem:$0x14800] =	vst v63  }
0xa0: {  	_ = 	snop  }
0xa1: {  	[tilespmem:s9], [sflag:$0x4] =	stream.indirect.gather [hbm4b:s5+s20], $0x80, s8, s20, $0xb8;
	[tilespmem:$0x14800] =	vst v63  }
0xa2: {  	_ = 	snop  }
0xa3: {  	[tilespmem:s11], [sflag:$0x4] =	stream.indirect.gather [hbm4b:s5+s20], $0x80, s10, s20, $0xb8;
	[tilespmem:$0x14800] =	vst v63  }
0xa4: {  	_ =	swait.ge [sflag:s15], $0x2000  }
0xa5: {  	[sflag:s15] =	ssyncset.done $0x0  }
0xa6: {  	[sflag:s15] =	ssyncadd.s32 $0xFFFFE000  }
0xa7: {  	_ =	swait.ge [sflag:s15], $0x2000  }
0xa8: {  	[sflag:s15] =	ssyncset.done $0x0  }
0xa9: {  	[sflag:s15] =	ssyncadd.s32 $0xFFFFE000  }
0xaa: {  	_ =	swait.ge [sflag:s15], $0x2000  }
0xab: {  	[sflag:s15] =	ssyncset.done $0x0  }
0xac: {  	[sflag:s15] =	ssyncadd.s32 $0xFFFFE000  }
0xad: {  	_ =	swait.ge [sflag:s15], $0x2000  }
0xae: {  	p0 =	seq.s32 s22, $0x0;
	[sflag:s15] =	ssyncset.done $0x0  }
0xaf: {  	s14 =	simm.s32 @!p0 $0x5;
	[sflag:s15] =	ssyncadd.s32 $0xFFFFE000  }
0xb0: {  	_ =	swait.ge @!p0 [sflag:s14], $0x2000  }
0xb1: {  	[sflag:s14] =	ssyncset.done @!p0 $0x0  }
0xb2: {  	s25 =	simm.s32 $0x0;
	[sflag:s14] =	ssyncadd.s32 @!p0 $0xFFFFE000  }
0xb3: {  	v7 =	vld [tilespmem:s25+$0x8850]  }
0xb4: {  	v10 =	vld [tilespmem:s25+$0x4830]  }
0xb5: {  	v19 =	vld [tilespmem:s25+$0x4840]  }
0xb6: {  	v8 =	vld [tilespmem:s25+$0x840]  }
0xb7: {  	v9 =	vld [tilespmem:s25+$0x820]  }
0xb8: {  	v22 =	vld [tilespmem:s25+$0x4850]  }
0xb9: {  	v24 =	vld [tilespmem:s25+$0xC820]  }
0xba: {  	v18 =	vld [tilespmem:s25+$0xC830]  }
0xbb: {  	v21 =	vld [tilespmem:s25+$0xC840]  }
0xbc: {  	v25 =	vld [tilespmem:s25+$0x4810]  }
0xbd: {  	v12 =	vld [tilespmem:s25+$0x8830]  }
0xbe: {  	v13 =	vld [tilespmem:s25+$0x8840]  }
0xbf: {  	v26 =	vld [tilespmem:s25+$0x4820]  }
0xc0: {  	v16 =	vld [tilespmem:s25+$0x810]  }
0xc1: {  	v28 =	vld [tilespmem:s25+$0xC800]  }
0xc2: {  	v17 =	vld [tilespmem:s25+$0x8800]  }
0xc3: {  	v11 =	vld [tilespmem:s25+$0x800]  }
0xc4: {  	v30 =	vld [tilespmem:s25+$0x4800]  }
0xc5: {  	v15 =	vld [tilespmem:s25+$0x8820]  }
0xc6: {  	v14 =	vld [tilespmem:s25+$0x850]  }
0xc7: {  	v23 =	vld [tilespmem:s25+$0x830];
	v20 =	vsub.f32 v18, v12  }
0xc8: {  	s29 =	simm.s32 $0x300;
	v31 =	vld [tilespmem:s25+$0xC850];
	v27 =	vsub.f32 v26, v9;
	v21 =	vsub.f32 v21, v13  }
0xc9: {  	v18 =	vld.msk [tilespmem:s29+$0x0 ss:$0x0], $0xffff;
	v26 =	vsub.f32 v25, v16;
	v29 =	vsub.f32 v28, v17  }
0xca: {  	v28 =	vsub.f32 v19, v8;
	v19 =	vsub.f32 v30, v11;
	v30 =	vld [tilespmem:s25+$0xC810]  }
0xcb: {  	s31 =	simm.s32 $0x200;
	s28 =	simm.s32 $0x301;
	s26 =	simm.s32 $0x200;
	v25 =	vsub.f32 v24, v15;
	v24 =	vld [tilespmem:s25+$0x8810];
	v22 =	vsub.f32 v22, v14  }
.LBB2_3:
0xcc: {  	s29 =	smov.u32 s31  }
0xcd: {  	s14 =	sshra.s32 s31, $0x2;
	v32 =	vld.msk [tilespmem:s26+$0x0 ss:$0x0], $0xffff;
	s26 =	sadd.s32 $0x1, s26;
	s29 =	sadd.s32 $0x200, s31  }
0xce: {  	p2 =	sne.s32 s31, $0x7E00;
	v34 =	vsub.f32 v10, v23;
	v33 =	vld [tilespmem:s14+$0x8850]  }
0xcf: {  	v29 =	vmul.f32 v29, v18;
	v27 =	vmul.f32 v27, v18;
	v31 =	vsub.f32 v31, v7;
	v10 =	vld [tilespmem:s14+$0x4830]  }
0xd0: {  	v26 =	vmul.f32 v26, v18;
	v34 =	vmul.f32 v34, v18;
	v35 =	vld [tilespmem:s14+$0x4840]  }
0xd1: {  	v20 =	vmul.f32 v20, v18;
	v28 =	vmul.f32 v28, v18;
	v30 =	vsub.f32 v30, v24;
	v36 =	vld [tilespmem:s14+$0x840]  }
0xd2: {  	v21 =	vmul.f32 v21, v18;
	v17 =	vadd.f32 v29, v17;
	v23 =	vadd.f32 v34, v23;
	v37 =	vld [tilespmem:s14+$0x820]  }
0xd3: {  	v26 =	vadd.f32 v26, v16;
	v29 =	vmul.f32 v31, v18;
	v16 =	vmul.f32 v30, v18;
	v34 =	vld [tilespmem:s14+$0x4850]  }
0xd4: {  	v25 =	vmul.f32 v25, v18;
	v12 =	vadd.f32 v20, v12;
	v13 =	vadd.f32 v21, v13;
	v38 =	vld [tilespmem:s14+$0xC820]  }
0xd5: {  	v22 =	vmul.f32 v22, v18;
	v21 =	vadd.f32 v27, v9;
	v16 =	vadd.f32 v16, v24;
	v20 =	vld [tilespmem:s14+$0xC830]  }
0xd6: {  	v18 =	vmul.f32 v19, v18;
	v19 =	vadd.f32 v28, v8;
	v27 =	vadd.f32 v29, v7;
	v7 =	vmovc v33;
	v24 =	vld [tilespmem:s14+$0xC840]  }
0xd7: {  	v15 =	vadd.f32 v25, v15;
	v25 =	vsub.f32 v12, v23;
	v8 =	vmovc v36;
	v28 =	vld [tilespmem:s14+$0x4810];
	v9 =	vmov v37  }
0xd8: {  	v14 =	vadd.f32 v22, v14;
	v29 =	vsub.f32 v13, v19;
	v12 =	vld [tilespmem:s14+$0x8830]  }
0xd9: {  	v15 =	vsub.f32 v15, v21;
	v25 =	vmul.f32 v25, v32;
	v22 =	vsub.f32 v16, v26;
	v13 =	vld [tilespmem:s14+$0x8840]  }
0xda: {  	v18 =	vadd.f32 v18, v11;
	v27 =	vsub.f32 v27, v14;
	v11 =	vmul.f32 v29, v32;
	v30 =	vld [tilespmem:s14+$0x4820]  }
0xdb: {  	v15 =	vmul.f32 v15, v32;
	v23 =	vadd.f32 v25, v23;
	v22 =	vmul.f32 v22, v32;
	v16 =	vld [tilespmem:s14+$0x810]  }
0xdc: {  	v29 =	vsub.f32 v17, v18;
	v27 =	vmul.f32 v27, v32;
	v19 =	vadd.f32 v11, v19;
	v25 =	vld [tilespmem:s14+$0xC800]  }
0xdd: {  	v22 =	vadd.f32 v22, v26;
	v17 =	vld [tilespmem:s14+$0x8800];
	v20 =	vsub.f32 v20, v12;
	[tilespmem:s25+$0x10830] =	vst v23  }
0xde: {  	v23 =	vmul.f32 v29, v32;
	v29 =	vadd.f32 v15, v21;
	v11 =	vld [tilespmem:s14+$0x800];
	[tilespmem:s25+$0x10840] =	vst v19;
	v19 =	vadd.f32 v27, v14  }
0xdf: {  	v21 =	vsub.f32 v24, v13;
	v31 =	vld [tilespmem:s14+$0x4800];
	v27 =	vsub.f32 v30, v9;
	[tilespmem:s25+$0x10810] =	vst v22  }
0xe0: {  	v18 =	vadd.f32 v23, v18;
	v26 =	vsub.f32 v28, v16;
	v15 =	vld [tilespmem:s14+$0x8820];
	[tilespmem:s25+$0x10820] =	vst v29  }
0xe1: {  	v14 =	vld [tilespmem:s14+$0x850];
	[tilespmem:s25+$0x10850] =	vst v19  }
.Ltmp0:
0xe2: {  	v29 =	vsub.f32 v25, v17;
	v23 =	vld [tilespmem:s14+$0x830];
	[tilespmem:s25+$0x10800] =	vst v18;
	s25 =	smov.u32 s14;
	(pc) =	sbr.rel @p2 .LBB2_3-.Ltmp0, $4  }
0xe3: {  	v28 =	vsub.f32 v35, v8;
	v18 =	vld.msk [tilespmem:s28+$0x0 ss:$0x0], $0xffff  }
0xe4: {  	v19 =	vsub.f32 v31, v11;
	v31 =	vld [tilespmem:s25+$0xC850]  }
0xe5: {  	v30 =	vld [tilespmem:s25+$0xC810];
	v25 =	vsub.f32 v38, v15  }
0xe6: {  	s31 =	smov.u32 s29;
	s28 =	sadd.s32 $0x1, s28;
	v24 =	vld [tilespmem:s25+$0x8810];
	v22 =	vsub.f32 v34, v14  }
0xe7: {  	_ = 	snop  }
0xe8: {  	v29 =	vmul.f32 v29, v18  }
0xe9: {  	v27 =	vmul.f32 v27, v18;
	v26 =	vmul.f32 v26, v18  }
0xea: {  	v10 =	vsub.f32 v10, v23;
	v20 =	vmul.f32 v20, v18;
	v21 =	vmul.f32 v21, v18  }
0xeb: {  	v28 =	vmul.f32 v28, v18;
	v31 =	vsub.f32 v31, v7;
	v17 =	vadd.f32 v29, v17  }
0xec: {  	v56 =	vmul.f32 v25, v18;
	v16 =	vadd.f32 v26, v16;
	v12 =	vadd.f32 v20, v12  }
0xed: {  	v53 =	vld.msk [tilespmem:s26+$0x0 ss:$0x0], $0xffff;
	v22 =	vmul.f32 v22, v18;
	v13 =	vadd.f32 v21, v13;
	v9 =	vadd.f32 v27, v9  }
0xee: {  	v10 =	vmul.f32 v10, v18;
	v8 =	vadd.f32 v28, v8;
	v15 =	vadd.f32 v56, v15  }
0xef: {  	v57 =	vmul.f32 v19, v18;
	v14 =	vadd.f32 v22, v14;
	v30 =	vsub.f32 v30, v24  }
0xf0: {  	v10 =	vadd.f32 v10, v23;
	v54 =	vmul.f32 v31, v18;
	v13 =	vsub.f32 v13, v8  }
0xf1: {  	v11 =	vadd.f32 v57, v11;
	v15 =	vsub.f32 v15, v9;
	v52 =	vmul.f32 v30, v18  }
0xf2: {  	v7 =	vadd.f32 v54, v7;
	v12 =	vsub.f32 v12, v10;
	v13 =	vmul.f32 v13, v53  }
0xf3: {  	v61 =	vsub.f32 v17, v11;
	v60 =	vmul.f32 v15, v53;
	v55 =	vadd.f32 v52, v24  }
0xf4: {  	v12 =	vmul.f32 v12, v53;
	v7 =	vsub.f32 v7, v14;
	v8 =	vadd.f32 v13, v8  }
0xf5: {  	v63 =	vmul.f32 v61, v53;
	v9 =	vadd.f32 v60, v9;
	v58 =	vsub.f32 v55, v16  }
0xf6: {  	v10 =	vadd.f32 v12, v10;
	v7 =	vmul.f32 v7, v53;
	[tilespmem:s25+$0x10840] =	vst v8  }
0xf7: {  	v8 =	vadd.f32 v63, v11;
	[tilespmem:s25+$0x10820] =	vst v9;
	v59 =	vmul.f32 v58, v53  }
.Ltmp1:
0xf8: {  	[tilespmem:s25+$0x10830] =	vst v10;
	v7 =	vadd.f32 v7, v14;
	(pc) =	sbr.rel @p1 .LBB2_6-.Ltmp1, $4  }
0xf9: {  	[tilespmem:s25+$0x10800] =	vst v8;
	v62 =	vadd.f32 v59, v16  }
0xfa: {  	s14 =	sshll.u32 s22, $0xB;
	[tilespmem:s25+$0x10850] =	vst v7  }
0xfb: {  	s14 =	sadd.s32 s14, s13;
	[tilespmem:s25+$0x10810] =	vst v62  }
0xfc: {  	[hbm4b:s14+s4] =	stream.linear.scatter [tilespmem:s17], [sflag:$0x5], $0x2000, $0x38;
	[tilespmem:$0x14800] =	vst v63  }
0xfd: {  	s14 =	rddreg [dreg:$0x7]  }
0xfe: {  	s14 =	sadd.s32 s24, s14  }
0xff: {  	s14 =	sshrl.u32 s14, $0x3  }
0x100: {  	s26 =	simm.s32 $0x80;
	s25 =	sadd.s32 s3, s14  }
0x101: {  	[tilespmem:s26], [sflag:$0x2] =	stream.linear.gather [hbm4b:s25+s4], $0x40, $0x38;
	[tilespmem:$0x14800] =	vst v63  }
0x102: {  	s31 =	simm.s32 $0x180;
	s14 =	sadd.s32 s6, s14  }
0x103: {  	[tilespmem:s31], [sflag:$0x2] =	stream.linear.gather [hbm4b:s14+s4], $0x40, $0x38;
	[tilespmem:$0x14800] =	vst v63  }
0x104: {  	_ =	swait.ge [sflag:s19], $0x40  }
0x105: {  	[sflag:s19] =	ssyncset.done $0x0  }
0x106: {  	[sflag:s19] =	ssyncadd.s32 $0xFFFFFFC0  }
0x107: {  	_ =	swait.ge [sflag:s19], $0x40  }
0x108: {  	[sflag:s19] =	ssyncset.done $0x0  }
0x109: {  	s26 =	sadd.s32 s24, s12;
	[sflag:s19] =	ssyncadd.s32 $0xFFFFFFC0  }
0x10a: {  	v8 =	vmov s26;
	v10 =	vor.u32 s26, v6;
	v7 =	vld [tilespmem:$0x0]  }
0x10b: {  	s24 =	sor.u32 $0x10, s26;
	s28 =	sor.u32 $0x20, s26;
	v8 =	vshrl.u32 v8, $0x9;
	v10 =	vand.u32 $0x18F, v10;
	v9 =	vld [tilespmem:$0x100]  }
0x10c: {  	v29 =	vmov s24;
	v13 =	vor.u32 s24, v6;
	v15 =	vmov s28;
	v11 =	vld [tilespmem:$0x110]  }
0x10d: {  	v36 =	vor.u32 s28, v6;
	s14 =	sor.u32 $0x30, s26;
	v8 =	vand.u32 $0x1FF, v8;
	v10 =	vcvt.s32.f32 v10;
	v16 =	vld [tilespmem:$0x20]  }
0x10e: {  	v13 =	vand.u32 $0x1FF, v13;
	v15 =	vshrl.u32 v15, $0x9;
	v44 =	vmov s14  }
0x10f: {  	v48 =	vor.u32 s14, v6;
	v8 =	vcvt.s32.f32 v8;
	v15 =	vand.u32 $0x1FF, v15  }
0x110: {  	v13 =	vcvt.s32.f32 v13;
	v46 =	vshrl.u32 v44, $0x9;
	v15 =	vcvt.s32.f32 v15  }
0x111: {  	v7 =	vadd.f32 v8, v7;
	v8 =	vadd.f32 v10, v9;
	v9 =	vshrl.u32 v29, $0x9  }
0x112: {  	v35 =	vld [tilespmem:$0x120];
	v11 =	vadd.f32 v13, v11;
	v15 =	vadd.f32 v15, v16;
	v16 =	vand.u32 $0x1FF, v36  }
0x113: {  	v30 =	vld [tilespmem:$0x10];
	v9 =	vand.u32 $0x1FF, v9;
	v16 =	vcvt.s32.f32 v16;
	v7 =	vmax.f32 v7, $0.0e+00  }
0x114: {  	v8 =	vmax.f32 v8, $0.0e+00;
	v9 =	vcvt.s32.f32 v9;
	v11 =	vmax.f32 v11, $0.0e+00  }
0x115: {  	v15 =	vmax.f32 v15, $0.0e+00;
	v7 =	vmin.f32 v7, $5.110000000e+02;
	v8 =	vmin.f32 v8, $5.110000000e+02  }
0x116: {  	v11 =	vmin.f32 v11, $5.110000000e+02;
	v39 =	vmin.f32 v15, $5.110000000e+02;
	v12 =	vtrunc.f32 v7  }
0x117: {  	v40 =	vadd.f32 v16, v35;
	v14 =	vtrunc.f32 v8;
	v41 =	vtrunc.f32 v39  }
0x118: {  	v9 =	vadd.f32 v9, v30;
	v12 =	vcvt.f32.s32 v12;
	v14 =	vcvt.f32.s32 v14  }
0x119: {  	v34 =	vtrunc.f32 v11;
	v16 =	vcvt.f32.s32 v41;
	v43 =	vmax.f32 v40, $0.0e+00  }
0x11a: {  	v9 =	vmax.f32 v9, $0.0e+00;
	vm0 =	vlt.s32 v12, $0x1FE;
	vm9 =	vlt.s32 v14, $0x1FE  }
0x11b: {  	v9 =	vmin.f32 v9, $5.110000000e+02;
	vm12 =	vlt.s32 v16, $0x1FE;
	v31 =	vnsel vm0, $0x1FE, v12  }
0x11c: {  	v32 =	vnsel vm9, $0x1FE, v14;
	v33 =	vtrunc.f32 v9;
	v12 =	vcvt.s32.f32 v31  }
0x11d: {  	v14 =	vcvt.f32.s32 v34;
	v16 =	vnsel vm12, $0x1FE, v16;
	v17 =	vcvt.s32.f32 v32  }
0x11e: {  	v10 =	vshll.u32 v31, $0x9;
	v7 =	vsub.f32 v7, v12;
	v12 =	vcvt.f32.s32 v33  }
0x11f: {  	vm11 =	vlt.s32 v14, $0x1FE;
	v10 =	vadd.s32 v1, v10;
	v8 =	vsub.f32 v8, v17  }
0x120: {  	v14 =	vnsel vm11, $0x1FE, v14;
	v10 =	vadd.s32 v32, v10;
	vm10 =	vlt.s32 v12, $0x1FE  }
0x121: {  	v37 =	vcvt.s32.f32 v14;
	v38 =	vadd.s32 $0x1, v10;
	v12 =	vnsel vm10, $0x1FE, v12  }
0x122: {  	v45 =	vld [tilespmem:$0x30];
	v42 =	vadd.s32 $0x200, v10;
	[tilespmem:$0x400] =	vst v10;
	v18 =	vcvt.s32.f32 v12;
	v12 =	vshll.u32 v12, $0x9  }
0x123: {  	v47 =	vld [tilespmem:$0x130];
	v10 =	vadd.s32 $0x201, v10;
	[tilespmem:$0x300] =	vst v8;
	v8 =	vmin.f32 v43, $5.110000000e+02;
	v12 =	vadd.s32 v1, v12  }
0x124: {  	[tilespmem:$0x200] =	vst v7;
	v49 =	vtrunc.f32 v8;
	v7 =	vadd.s32 v14, v12;
	v12 =	vand.u32 $0x1FF, v46  }
0x125: {  	[tilespmem:$0x500] =	vst v38;
	v9 =	vsub.f32 v9, v18;
	v18 =	vand.u32 $0x1FF, v48;
	v12 =	vcvt.s32.f32 v12  }
0x126: {  	[tilespmem:$0x600] =	vst v42;
	v11 =	vsub.f32 v11, v37;
	v17 =	vcvt.f32.s32 v49;
	v18 =	vcvt.s32.f32 v18  }
0x127: {  	v53 =	vcvt.s32.f32 v16;
	v58 =	vshll.u32 v16, $0x9;
	[tilespmem:$0x700] =	vst v10;
	v12 =	vadd.f32 v12, v45  }
0x128: {  	[tilespmem:$0x310] =	vst v11;
	vm13 =	vlt.s32 v17, $0x1FE;
	v50 =	vadd.s32 $0x1, v7;
	v52 =	vadd.f32 v18, v47  }
0x129: {  	v51 =	vadd.s32 $0x200, v7;
	v54 =	vnsel vm13, $0x1FE, v17;
	[tilespmem:$0x410] =	vst v7;
	v12 =	vmax.f32 v12, $0.0e+00  }
0x12a: {  	v55 =	vadd.s32 $0x201, v7;
	[tilespmem:$0x210] =	vst v9;
	v9 =	vmax.f32 v52, $0.0e+00;
	v12 =	vmin.f32 v12, $5.110000000e+02  }
0x12b: {  	[tilespmem:$0x510] =	vst v50;
	v56 =	vcvt.s32.f32 v54;
	v9 =	vmin.f32 v9, $5.110000000e+02;
	v57 =	vtrunc.f32 v12  }
0x12c: {  	v7 =	vsub.f32 v39, v53;
	[tilespmem:$0x610] =	vst v51;
	v59 =	vtrunc.f32 v9;
	v13 =	vcvt.f32.s32 v57  }
0x12d: {  	v60 =	vadd.s32 v1, v58;
	[tilespmem:$0x710] =	vst v55;
	v8 =	vsub.f32 v8, v56;
	v61 =	vcvt.f32.s32 v59  }
0x12e: {  	[tilespmem:$0x220] =	vst v7;
	v7 =	vadd.s32 v54, v60;
	vm14 =	vlt.s32 v13, $0x1FE  }
0x12f: {  	[tilespmem:$0x320] =	vst v8;
	v8 =	vadd.s32 $0x1, v7;
	vm15 =	vlt.s32 v61, $0x1FE;
	v62 =	vnsel vm14, $0x1FE, v13  }
0x130: {  	[tilespmem:$0x520] =	vst v8;
	v8 =	vadd.s32 $0x200, v7;
	v63 =	vnsel vm15, $0x1FE, v61;
	v13 =	vcvt.s32.f32 v62  }
0x131: {  	[tilespmem:$0x620] =	vst v8;
	v8 =	vcvt.s32.f32 v63  }
0x132: {  	[tilespmem:$0x420] =	vst v7;
	v7 =	vadd.s32 $0x201, v7;
	v12 =	vsub.f32 v12, v13  }
0x133: {  	[tilespmem:$0x720] =	vst v7;
	v7 =	vsub.f32 v9, v8;
	v8 =	vshll.u32 v62, $0x9  }
0x134: {  	v8 =	vadd.s32 v1, v8;
	[tilespmem:$0x230] =	vst v12  }
0x135: {  	[tilespmem:$0x330] =	vst v7;
	v7 =	vadd.s32 v63, v8  }
0x136: {  	[tilespmem:$0x430] =	vst v7;
	v8 =	vadd.s32 $0x1, v7  }
0x137: {  	[tilespmem:$0x530] =	vst v8;
	v8 =	vadd.s32 $0x200, v7  }
0x138: {  	v7 =	vadd.s32 $0x201, v7;
	[tilespmem:$0x630] =	vst v8  }
0x139: {  	s29 =	simm.s32 $0x400;
	s31 =	simm.s32 $0x800;
	[tilespmem:$0x730] =	vst v7  }
0x13a: {  	[tilespmem:s31], [sflag:$0x3] =	stream.indirect.gather [hbm4b:s5+s20], $0x80, s29, s20, $0xb8;
	[tilespmem:$0x14800] =	vst v63  }
0x13b: {  	s25 =	simm.s32 $0x4800;
	s24 =	simm.s32 $0x500  }
0x13c: {  	[tilespmem:s25], [sflag:$0x3] =	stream.indirect.gather [hbm4b:s5+s20], $0x80, s24, s20, $0xb8;
	[tilespmem:$0x14800] =	vst v63  }
0x13d: {  	s26 =	simm.s32 $0x600;
	s28 =	simm.s32 $0x8800  }
0x13e: {  	[tilespmem:s28], [sflag:$0x3] =	stream.indirect.gather [hbm4b:s5+s20], $0x80, s26, s20, $0xb8;
	[tilespmem:$0x14800] =	vst v63  }
0x13f: {  	s29 =	simm.s32 $0x700;
	s31 =	simm.s32 $0xC800  }
0x140: {  	[tilespmem:s31], [sflag:$0x3] =	stream.indirect.gather [hbm4b:s5+s20], $0x80, s29, s20, $0xb8;
	[tilespmem:$0x14800] =	vst v63  }
.LBB2_6:
0x141: {  	_ =	swait.ge [sflag:s18], $0x2000  }
0x142: {  	[sflag:s18] =	ssyncset.done $0x0  }
0x143: {  	[sflag:s18] =	ssyncadd.s32 $0xFFFFE000  }
0x144: {  	_ =	swait.ge [sflag:s18], $0x2000  }
0x145: {  	[sflag:s18] =	ssyncset.done $0x0  }
0x146: {  	[sflag:s18] =	ssyncadd.s32 $0xFFFFE000  }
0x147: {  	_ =	swait.ge [sflag:s18], $0x2000  }
0x148: {  	[sflag:s18] =	ssyncset.done $0x0  }
0x149: {  	[sflag:s18] =	ssyncadd.s32 $0xFFFFE000  }
0x14a: {  	_ =	swait.ge [sflag:s18], $0x2000  }
0x14b: {  	[sflag:s18] =	ssyncset.done $0x0  }
0x14c: {  	s14 =	simm.s32 @!p0 $0x6;
	[sflag:s18] =	ssyncadd.s32 $0xFFFFE000  }
0x14d: {  	_ =	swait.ge @!p0 [sflag:s14], $0x2000  }
0x14e: {  	[sflag:s14] =	ssyncset.done @!p0 $0x0  }
0x14f: {  	s24 =	simm.s32 $0x0;
	[sflag:s14] =	ssyncadd.s32 @!p0 $0xFFFFE000  }
0x150: {  	v7 =	vld [tilespmem:s24+$0xA850]  }
0x151: {  	v10 =	vld [tilespmem:s24+$0x6830]  }
0x152: {  	v19 =	vld [tilespmem:s24+$0x6840]  }
0x153: {  	v8 =	vld [tilespmem:s24+$0x2840]  }
0x154: {  	v9 =	vld [tilespmem:s24+$0x2820]  }
0x155: {  	v22 =	vld [tilespmem:s24+$0x6850]  }
0x156: {  	v24 =	vld [tilespmem:s24+$0xE820]  }
0x157: {  	v18 =	vld [tilespmem:s24+$0xE830]  }
0x158: {  	v21 =	vld [tilespmem:s24+$0xE840]  }
0x159: {  	v25 =	vld [tilespmem:s24+$0x6810]  }
0x15a: {  	v12 =	vld [tilespmem:s24+$0xA830]  }
0x15b: {  	v13 =	vld [tilespmem:s24+$0xA840]  }
0x15c: {  	v26 =	vld [tilespmem:s24+$0x6820]  }
0x15d: {  	v16 =	vld [tilespmem:s24+$0x2810]  }
0x15e: {  	v28 =	vld [tilespmem:s24+$0xE800]  }
0x15f: {  	v17 =	vld [tilespmem:s24+$0xA800]  }
0x160: {  	v11 =	vld [tilespmem:s24+$0x2800]  }
0x161: {  	v30 =	vld [tilespmem:s24+$0x6800]  }
0x162: {  	v15 =	vld [tilespmem:s24+$0xA820]  }
0x163: {  	v14 =	vld [tilespmem:s24+$0x2850]  }
0x164: {  	v23 =	vld [tilespmem:s24+$0x2830];
	v20 =	vsub.f32 v18, v12  }
0x165: {  	s25 =	simm.s32 $0x380;
	v31 =	vld [tilespmem:s24+$0xE850];
	v27 =	vsub.f32 v26, v9;
	v21 =	vsub.f32 v21, v13  }
0x166: {  	v18 =	vld.msk [tilespmem:s25+$0x0 ss:$0x0], $0xffff;
	v26 =	vsub.f32 v25, v16;
	v29 =	vsub.f32 v28, v17  }
0x167: {  	v28 =	vsub.f32 v19, v8;
	v19 =	vsub.f32 v30, v11;
	v30 =	vld [tilespmem:s24+$0xE810]  }
0x168: {  	s26 =	simm.s32 $0x280;
	s29 =	simm.s32 $0x200;
	s28 =	simm.s32 $0x281;
	v25 =	vsub.f32 v24, v15;
	v24 =	vld [tilespmem:s24+$0xA810];
	v22 =	vsub.f32 v22, v14  }
.LBB2_7:
0x169: {  	s14 =	sshra.s32 s29, $0x2;
	v32 =	vld.msk [tilespmem:s26+$0x0 ss:$0x0], $0xffff;
	s26 =	smov.u32 s29  }
0x16a: {  	s25 =	sadd.s32 $0x1, s25;
	s31 =	sadd.s32 $0x200, s29;
	s26 =	smov.u32 s28  }
0x16b: {  	p0 =	sne.s32 s29, $0x7E00;
	v34 =	vsub.f32 v10, v23;
	v33 =	vld [tilespmem:s14+$0xA850]  }
0x16c: {  	v29 =	vmul.f32 v29, v18;
	v27 =	vmul.f32 v27, v18;
	v31 =	vsub.f32 v31, v7;
	v10 =	vld [tilespmem:s14+$0x6830]  }
0x16d: {  	v26 =	vmul.f32 v26, v18;
	v34 =	vmul.f32 v34, v18;
	v35 =	vld [tilespmem:s14+$0x6840]  }
0x16e: {  	v20 =	vmul.f32 v20, v18;
	v28 =	vmul.f32 v28, v18;
	v30 =	vsub.f32 v30, v24;
	v36 =	vld [tilespmem:s14+$0x2840]  }
0x16f: {  	v21 =	vmul.f32 v21, v18;
	v17 =	vadd.f32 v29, v17;
	v23 =	vadd.f32 v34, v23;
	v37 =	vld [tilespmem:s14+$0x2820]  }
0x170: {  	v26 =	vadd.f32 v26, v16;
	v29 =	vmul.f32 v31, v18;
	v16 =	vmul.f32 v30, v18;
	v34 =	vld [tilespmem:s14+$0x6850]  }
0x171: {  	v25 =	vmul.f32 v25, v18;
	v12 =	vadd.f32 v20, v12;
	v13 =	vadd.f32 v21, v13;
	v38 =	vld [tilespmem:s14+$0xE820]  }
0x172: {  	v22 =	vmul.f32 v22, v18;
	v21 =	vadd.f32 v27, v9;
	v16 =	vadd.f32 v16, v24;
	v20 =	vld [tilespmem:s14+$0xE830]  }
0x173: {  	v18 =	vmul.f32 v19, v18;
	v19 =	vadd.f32 v28, v8;
	v27 =	vadd.f32 v29, v7;
	v7 =	vmovc v33;
	v24 =	vld [tilespmem:s14+$0xE840]  }
0x174: {  	v15 =	vadd.f32 v25, v15;
	v25 =	vsub.f32 v12, v23;
	v8 =	vmovc v36;
	v28 =	vld [tilespmem:s14+$0x6810];
	v9 =	vmov v37  }
0x175: {  	v14 =	vadd.f32 v22, v14;
	v29 =	vsub.f32 v13, v19;
	v12 =	vld [tilespmem:s14+$0xA830]  }
0x176: {  	v15 =	vsub.f32 v15, v21;
	v25 =	vmul.f32 v25, v32;
	v22 =	vsub.f32 v16, v26;
	v13 =	vld [tilespmem:s14+$0xA840]  }
0x177: {  	v18 =	vadd.f32 v18, v11;
	v27 =	vsub.f32 v27, v14;
	v11 =	vmul.f32 v29, v32;
	v30 =	vld [tilespmem:s14+$0x6820]  }
0x178: {  	v15 =	vmul.f32 v15, v32;
	v23 =	vadd.f32 v25, v23;
	v22 =	vmul.f32 v22, v32;
	v16 =	vld [tilespmem:s14+$0x2810]  }
0x179: {  	v29 =	vsub.f32 v17, v18;
	v27 =	vmul.f32 v27, v32;
	v19 =	vadd.f32 v11, v19;
	v25 =	vld [tilespmem:s14+$0xE800]  }
0x17a: {  	v22 =	vadd.f32 v22, v26;
	v17 =	vld [tilespmem:s14+$0xA800];
	v20 =	vsub.f32 v20, v12;
	[tilespmem:s24+$0x12830] =	vst v23  }
0x17b: {  	v23 =	vmul.f32 v29, v32;
	v29 =	vadd.f32 v15, v21;
	v11 =	vld [tilespmem:s14+$0x2800];
	[tilespmem:s24+$0x12840] =	vst v19;
	v19 =	vadd.f32 v27, v14  }
0x17c: {  	v21 =	vsub.f32 v24, v13;
	v31 =	vld [tilespmem:s14+$0x6800];
	v27 =	vsub.f32 v30, v9;
	[tilespmem:s24+$0x12810] =	vst v22  }
0x17d: {  	v18 =	vadd.f32 v23, v18;
	v26 =	vsub.f32 v28, v16;
	v15 =	vld [tilespmem:s14+$0xA820];
	[tilespmem:s24+$0x12820] =	vst v29  }
0x17e: {  	v14 =	vld [tilespmem:s14+$0x2850];
	[tilespmem:s24+$0x12850] =	vst v19  }
.Ltmp2:
0x17f: {  	v29 =	vsub.f32 v25, v17;
	v23 =	vld [tilespmem:s14+$0x2830];
	[tilespmem:s24+$0x12800] =	vst v18;
	s24 =	smov.u32 s14;
	(pc) =	sbr.rel @p0 .LBB2_7-.Ltmp2, $4  }
0x180: {  	v28 =	vsub.f32 v35, v8;
	v18 =	vld.msk [tilespmem:s25+$0x0 ss:$0x0], $0xffff  }
0x181: {  	v19 =	vsub.f32 v31, v11;
	v31 =	vld [tilespmem:s24+$0xE850]  }
0x182: {  	v30 =	vld [tilespmem:s24+$0xE810];
	v25 =	vsub.f32 v38, v15  }
0x183: {  	s28 =	sadd.s32 $0x1, s28;
	s29 =	smov.u32 s31;
	v24 =	vld [tilespmem:s24+$0xA810];
	v22 =	vsub.f32 v34, v14  }
0x184: {  	_ = 	snop  }
0x185: {  	v29 =	vmul.f32 v29, v18  }
0x186: {  	v27 =	vmul.f32 v27, v18;
	v26 =	vmul.f32 v26, v18  }
0x187: {  	v10 =	vsub.f32 v10, v23;
	v20 =	vmul.f32 v20, v18;
	v21 =	vmul.f32 v21, v18  }
0x188: {  	v28 =	vmul.f32 v28, v18;
	v31 =	vsub.f32 v31, v7;
	v17 =	vadd.f32 v29, v17  }
0x189: {  	v56 =	vmul.f32 v25, v18;
	v16 =	vadd.f32 v26, v16;
	v12 =	vadd.f32 v20, v12  }
0x18a: {  	v53 =	vld.msk [tilespmem:s26+$0x0 ss:$0x0], $0xffff;
	v22 =	vmul.f32 v22, v18;
	v13 =	vadd.f32 v21, v13;
	v9 =	vadd.f32 v27, v9  }
0x18b: {  	v10 =	vmul.f32 v10, v18;
	v8 =	vadd.f32 v28, v8;
	v15 =	vadd.f32 v56, v15  }
0x18c: {  	v57 =	vmul.f32 v19, v18;
	v14 =	vadd.f32 v22, v14;
	v30 =	vsub.f32 v30, v24  }
0x18d: {  	v10 =	vadd.f32 v10, v23;
	v54 =	vmul.f32 v31, v18;
	v13 =	vsub.f32 v13, v8  }
0x18e: {  	v11 =	vadd.f32 v57, v11;
	v15 =	vsub.f32 v15, v9;
	v52 =	vmul.f32 v30, v18  }
0x18f: {  	v7 =	vadd.f32 v54, v7;
	v12 =	vsub.f32 v12, v10;
	v13 =	vmul.f32 v13, v53  }
0x190: {  	v61 =	vsub.f32 v17, v11;
	v60 =	vmul.f32 v15, v53;
	v55 =	vadd.f32 v52, v24  }
0x191: {  	v12 =	vmul.f32 v12, v53;
	v7 =	vsub.f32 v7, v14;
	v8 =	vadd.f32 v13, v8  }
0x192: {  	v63 =	vmul.f32 v61, v53;
	v9 =	vadd.f32 v60, v9;
	v58 =	vsub.f32 v55, v16  }
0x193: {  	s22 =	sadd.s32 $0x1, s22;
	v10 =	vadd.f32 v12, v10;
	v7 =	vmul.f32 v7, v53;
	[tilespmem:s24+$0x12840] =	vst v8  }
0x194: {  	p0 =	sne.s32 s22, $0x80;
	v8 =	vadd.f32 v63, v11;
	[tilespmem:s24+$0x12820] =	vst v9;
	v59 =	vmul.f32 v58, v53  }
.Ltmp3:
0x195: {  	[tilespmem:s24+$0x12830] =	vst v10;
	v7 =	vadd.f32 v7, v14;
	(pc) =	sbr.rel @p0 .LBB2_2-.Ltmp3, $4  }
0x196: {  	[tilespmem:s24+$0x12800] =	vst v8;
	v62 =	vadd.f32 v59, v16  }
0x197: {  	s14 =	sshll.u32 s23, $0x4;
	[tilespmem:s24+$0x12850] =	vst v7  }
0x198: {  	s14 =	sadd.s32 s7, s14;
	[tilespmem:s24+$0x12810] =	vst v62  }
0x199: {  	[hbm4b:s14+s4] =	stream.linear.scatter [tilespmem:s21], [sflag:$0x6], $0x2000, $0x38;
	[tilespmem:$0x14800] =	vst v63  }
0x19a: {  	s14 =	simm.s32 $0x5  }
0x19b: {  	_ =	swait.ge [sflag:s14], $0x2000  }
0x19c: {  	[sflag:s14] =	ssyncset.done $0x0  }
0x19d: {  	s22 =	simm.s32 $0x6;
	[sflag:s14] =	ssyncadd.s32 $0xFFFFE000  }
0x19e: {  	_ =	swait.ge [sflag:s22], $0x2000  }
0x19f: {  	s23 =	rddreg [dreg:$0x9]  }
0x1a0: {  	s31 =	rddreg [dreg:$0x8];
	s23 =	sadd.s32 $0x1, s23  }
0x1a1: {  	p0 =	sne.s32 s23, s31  }
.Ltmp4:
0x1a2: {  	_ = 	snop;
	(pc) =	sbr.rel @p0 .LBB2_1-.Ltmp4, $3  }
0x1a3: {  	_ =	sdelay $0x1  }
0x1a4: {  	[sflag:s22] =	ssyncset.done $0x0  }
0x1a5: {  	[sflag:s22] =	ssyncadd.s32 $0xFFFFE000  }
0x1a6: {  	_ =	sfence.sel $0x180000  }
0x1a7: {  	[bflag:$0x0] =	sbarrier.arrive $0xFFFF  }
0x1a8: {  	_ =	strace $0x9000004A  }
0x1a9: {  	s0 =	stileid.u32;
	[bflag:$0x2] =	sbarrier.arrive $0xFFFF  }
0x1aa: {  	p0 =	sne.s32 s0, $0x0;
	s0 =	rddreg [dreg:$0x2]  }
0x1ab: {  	s0 =	sadd.s32 @!p0 $0x100000, s0  }
0x1ac: {  	[sflag:s0] =	ssyncadd.tile.s32 @!p0 $0x1;
	_ =	shalt  }
.Lfunc_end2:
_tile_overlayer_lowered:
.L_overlay_start_2:
0x1ad: {  	(tag) =	ssettag $0x2  }
0x1ae: {  	s0 =	rddreg [dreg:$0x0];
	s2 =	stileid.u32  }
0x1af: {  	s1 =	rddreg [dreg:$0x1];
	p0 =	sne.s32 s2, $0x0  }
0x1b0: {  	s3 =	rddreg [dreg:$0x2];
	[bflag:$0x3] =	sbarrier.arrive $0xFFFF;
	s2 =	simm.s32 @!p0 $0x1C07  }
0x1b1: {  	[timem:s3], [sflag:s2] =	dma.local @!p0 [hbm:s0], s1  }
0x1b2: {  	s0 =	simm.s32 @!p0 $0x7  }
0x1b3: {  	_ =	swait.ge @!p0 [sflag:s0], s1  }
0x1b4: {  	s1 =	ssub.s32 @!p0 $0x0, s1;
	[sflag:s0] =	ssyncset.done @!p0 $0x0  }
0x1b5: {  	[sflag:s0] =	ssyncadd.s32 @!p0 s1  }
0x1b6: {  	[bflag:$0x3] =	sbarrier.arrive $0xFFFF  }
0x1b7: {  	_ =	shalt  }

// kernel: sparse-core-data-format-call.1.cloned.1.call-start
scs
called_computation.1_lowered:
.L_overlay_start_0:
0x0: {  	s2 =	sld [smem:$0x3FD9]  }
0x1: {  	s3 =	sld [smem:$0x3FFE];
	_ =	sdelay $0x1  }
0x2: {  	s1 =	srdreg.scid  }
0x3: {  	s0 =	sand.u32 $0x1, s1  }
0x4: {  	s18 =	sshll.u32 s0, $0xA;
	s2 =	sadd.s32 s3, s2  }
0x5: {  	s2 =	sadd.s32 s2, s18  }
0x6: {  	[smem:$0x3FC6] =	sst s2  }
0x7: {  	_ = 	snop  }
0x8: {  	s2 =	sld [smem:$0x3FC9];
	(tm) =	ssettm $0x1  }
0x9: {  	s19 =	sld [smem:$0x3FFB];
	_ =	sdelay $0x3  }
0xa: {  	_ =	strace s19  }
0xb: {  	s3 =	sld [smem:$0x3FFC];
	_ =	sdelay $0x3  }
0xc: {  	_ =	strace s3  }
0xd: {  	s3 =	sld [smem:$0x3FFD];
	_ =	sdelay $0x3  }
0xe: {  	_ =	strace s3  }
0xf: {  	_ =	strace $0x8FFFFFFF  }
0x10: {  	s20 =	sld [smem:$0x3FDB];
	_ =	sdelay $0x1  }
0x11: {  	s4 =	simm.s32 $_scs_section_size  }
0x12: {  	s5 =	simm.s32 $_size__tile_overlayer_lowered;
	s6 =	simm.s32 $_tile_overlayer_lowered  }
0x13: {  	s23 =	simm.s32 $0x1BFF;
	s22 =	sshll.u32 s6, $0x1;
	s3 =	sadd.s32 s4, s20  }
0x14: {  	s7 =	simm.s32 $0x0;
	s21 =	sshll.u32 s5, $0x1;
	s5 =	sadd.s32 s22, s3  }
0x15: {  	[timem:s7], [sflag:s23] =	dma.local [hbm:s5], s21  }
0x16: {  	_ =	swait.ge [sflag:s23], s21  }
0x17: {  	s4 =	ssub.s32 $0x0, s21;
	[sflag:s23] =	ssyncset.done $0x0  }
0x18: {  	[sflag:s23] =	ssyncadd.s32 s4;
	_ =	sdelay $0x1  }
0x19: {  	s24 =	simm.s32 $0x1B8B  }
0x1a: {  	_ =	swait.ge [sflag:s24], $0x1  }
0x1b: {  	[sflag:s24] =	ssyncset.done $0x0  }
0x1c: {  	s26 =	simm.s32 $0x1B8E;
	s25 =	sld [smem:$0x3FFE];
	[sflag:s24] =	ssyncadd.s32 $0xFFFFFFFF  }
0x1d: {  	s27 =	simm.s32 $execute0_lowered;
	[smem:$0x3FD2] =	sst s26  }
0x1e: {  	s5 =	sshll.u32 s27, $0x1;
	_ =	strace $0x80000046;
	[dreg:$0x1] =	wrdreg $0xFFFFFFFF  }
0x1f: {  	s28 =	simm.s32 $_size_execute0_lowered;
	s3 =	sadd.s32 s3, s5;
	[dreg:$0x0] =	wrdreg $0x0  }
0x20: {  	s5 =	sshll.u32 s28, $0x1;
	[dreg:$0x2] =	wrdreg s3  }
0x21: {  	[dreg:$0x3] =	wrdreg s5  }
0x22: {  	[dreg:$0x4] =	wrdreg $0xC0  }
0x23: {  	_ =	task [dreg:s7], $0x5FFFF  }
0x24: {  	[dreg:$0x1] =	wrdreg $0xFFFFFFFF  }
0x25: {  	[dreg:$0x0] =	wrdreg $0x60  }
0x26: {  	[dreg:$0x2] =	wrdreg s2  }
0x27: {  	[dreg:$0x3] =	wrdreg s25  }
0x28: {  	[dreg:$0x4] =	wrdreg $0x9  }
0x29: {  	_ =	task.clear_ibuf [dreg:s7], $0x5FFFF;
	_ =	strace $0x90000046  }
0x2a: {  	s29 =	simm.s32 $0x9;
	_ =	strace $0x80000048  }
0x2b: {  	_ =	swait.ge [sflag:s29], $0x1  }
0x2c: {  	[sflag:s29] =	ssyncadd.s32 $0xFFFFFFFF  }
0x2d: {  	_ =	strace $0x90000048  }
0x2e: {  	_ =	sfence  }
0x2f: {  	s30 =	sld [smem:$0x0];
	_ =	sdelay $0x2  }
0x30: {  	s31 =	sshll.u32 s1, $0xD;
	s1 =	sshrl.u32 s1, $0x2  }
0x31: {  	s3 =	sand.u32 $0x4000, s31;
	s1 =	sadd.s32 s1, s30  }
0x32: {  	s0 =	sor.u32 s3, s0;
	s1 =	sshll.u32 s1, $0x11  }
0x33: {  	s0 =	sor.u32 s1, s0  }
0x34: {  	s0 =	sadd.s32 $0x8F2B, s0  }
0x35: {  	[sflag:s0] =	ssyncadd.remote.s32 $0x1  }
0x36: {  	_ =	sfence.sel $0xFFFF  }
0x37: {  	[dreg:$0x0] =	wrdreg $0xFFFFFFFF;
	(pc) =	sbr.abs _section_cstart, $3  }
0x38: {  	[dreg:$0x1] =	wrdreg $0xFFFFFFFF  }
0x39: {  	_ =	task.clear_ibuf [dreg:s7], $0x2FFFF;
	_ =	strace $0x9FFFFFFF  }
0x3a: {  	(tm) =	ssettm $0x7FFFFFFF  }
0x3b: {  	_ =	shalt  }
tec
execute0_lowered:
.L_overlay_start_1:
0x0: {  	(tag) =	ssettag $0x1  }
0x1: {  	s2 =	rddreg [dreg:$0x0]  }
0x2: {  	s4 =	rddreg [dreg:$0x1]  }
0x3: {  	s0 =	rddreg [dreg:$0x2];
	s1 =	stileid.u32  }
0x4: {  	_ =	strace $0x80000047;
	s5 =	srdreg.scid;
	s9 =	simm.s32 $0x2  }
0x5: {  	s18 =	simm.s32 $0x0;
	p0 =	por $0x0, $0x0;
	s16 =	simm.s32 $0x0  }
0x6: {  	s15 =	simm.s32 $0x0;
	s17 =	simm.s32 $0x0;
	s10 =	simm.s32 $0x0  }
0x7: {  	s12 =	simm.s32 $0x0;
	s14 =	simm.s32 $0x0;
	s3 =	sand.u32 $0x1, s1  }
0x8: {  	s4 =	sadd.s32 $0x1000, s4;
	s5 =	sshll.u32 s5, $0x4;
	s6 =	ssub.s32 $0x2, s3  }
.Ltmp0:
0x9: {  	s5 =	sand.u32 $0x10, s5;
	s7 =	sshrl.u32 s6, $0x1;
	(pc) =	sbr.rel .LBB1_1-.Ltmp0, $4  }
0xa: {  	s6 =	sand.u32 $0x1, s6;
	s8 =	sor.u32 s1, s5;
	s5 =	simm.s32 $0x1  }
0xb: {  	s13 =	smov.u32 s3;
	s6 =	sadd.s32 s6, s7;
	[sflag:s5] =	ssyncpa.u1 $0x0  }
0xc: {  	s7 =	sshrl.u32 s8, $0x1;
	s6 =	sshll.u32 s6, $0x7;
	[sflag:s9] =	ssyncpa.u1 $0x0  }
0xd: {  	s9 =	simm.s32 $0x40000;
	s11 =	smov.u32 s7;
	s8 =	sor.u32 $0x1, s6  }
.LBB1_6:
0xe: {  	v5 =	vld [tilespmem:s21+$0xFFFFFFD0];
	[tilespmem:s22+$0x2040 ss:$0x81] =	vst.msk $0xffff, v1  }
0xf: {  	v58 =	vld [tilespmem:s21+$0xFFFFFFE0];
	[tilespmem:s22+$0x2850 ss:$0x81] =	vst.msk $0xffff, v2  }
0x10: {  	s23 =	sshra.s32 s23, $0x2;
	v59 =	vld [tilespmem:s21+$0xFFFFFFF0];
	[tilespmem:s22+$0x3060 ss:$0x81] =	vst.msk $0xffff, v3  }
0x11: {  	v60 =	vld [tilespmem:s21+$0x0];
	[tilespmem:s22+$0x0 ss:$0x81] =	vst.msk $0xffff, v0;
	s20 =	sadd.s32 s23, s20  }
0x12: {  	v61 =	vld [tilespmem:s21+$0x10];
	[tilespmem:s20+$0x3870 ss:$0x81] =	vst.msk $0xffff, v4  }
0x13: {  	s18 =	sshll.u32 s18, $0x7;
	s26 =	sshll.u32 s15, $0x3;
	v62 =	vld [tilespmem:s21+$0x20];
	[tilespmem:s20+$0x810 ss:$0x81] =	vst.msk $0xffff, v5  }
0x14: {  	v63 =	vld [tilespmem:s21+$0xFFFFFFC0];
	s17 =	sshll.u32 s17, $0x16;
	s27 =	sand.u32 $0xFC00, s18;
	s22 =	sand.u32 $0xFC00, s26;
	[tilespmem:s20+$0x1020 ss:$0x81] =	vst.msk $0xffff, v58  }
0x15: {  	s16 =	sshll.u32 s16, $0xD;
	s18 =	sand.u32 $0x380, s18;
	s28 =	sadd.s32 s22, s27;
	[tilespmem:s20+$0x1830 ss:$0x81] =	vst.msk $0xffff, v59  }
0x16: {  	s29 =	sshrl.u32 s15, $0x3;
	s17 =	sadd.s32 s4, s17;
	s18 =	sor.u32 s18, s28;
	[tilespmem:s20+$0x2040 ss:$0x81] =	vst.msk $0xffff, v60  }
0x17: {  	s21 =	sand.u32 $0xF, s29;
	s16 =	sadd.s32 s16, s17;
	s18 =	sshrl.u32 s18, $0x3;
	[tilespmem:s20+$0x2850 ss:$0x81] =	vst.msk $0xffff, v61  }
0x18: {  	s16 =	sadd.s32 s21, s16;
	[tilespmem:s20+$0x3060 ss:$0x81] =	vst.msk $0xffff, v62;
	s30 =	sand.u32 $0x1FF0, s18  }
0x19: {  	s31 =	sand.u32 $0x7, s15;
	[tilespmem:s20+$0x0 ss:$0x81] =	vst.msk $0xffff, v63;
	s16 =	sadd.s32 s30, s16  }
0x1a: {  	[hbm4b:s16+s31] =	stream.linear.scatter [tilespmem:s19], [sflag:$0x2], $0x4000, $0x20;
	[tilespmem:$0x10100] =	vst v63  }
.LBB1_7:
0x1b: {  	s19 =	sadd.s32 $0x80, s10  }
0x1c: {  	s15 =	sadd.s32 $0x10, s11;
	s20 =	smov.u32 s11;
	p2 =	sgt.s32 s19, $0x1FF  }
0x1d: {  	s20 =	smov.u32 @p2 s15  }
0x1e: {  	s21 =	smov.u32 s12;
	s15 =	sadd.s32 $0x80, s12;
	p3 =	sgt.s32 s20, $0x1FF  }
0x1f: {  	s21 =	smov.u32 @p3 s15  }
0x20: {  	s22 =	smov.u32 s13;
	s15 =	sadd.s32 $0x2, s13;
	p4 =	sgt.s32 s21, $0x5F  }
0x21: {  	p1 =	slt.u32 s14, $0x2;
	s22 =	smov.u32 @p4 s15  }
0x22: {  	s18 =	smov.u32 s10;
	s19 =	simm.s32 @p2 $0x0;
	p2 =	sgt.s32 s22, $0x1  }
0x23: {  	s23 =	simm.s32 @!p1 $0x2;
	s22 =	smov.u32 @p2 s3;
	p2 =	sne.s32 s14, s8  }
.Ltmp1:
0x24: {  	s16 =	smov.u32 s11;
	_ =	swait.ge @!p1 [sflag:s23], $0x4000;
	(pc) =	sbr.rel @!p2 .LBB1_8-.Ltmp1, $4  }
0x25: {  	s17 =	smov.u32 s13;
	p0 =	por !p0, !p0;
	[sflag:s23] =	ssyncset.done @!p1 $0x0  }
0x26: {  	s10 =	smov.u32 s19;
	s20 =	smov.u32 @p3 s7;
	[sflag:s23] =	ssyncadd.s32 @!p1 $0xFFFFC000  }
0x27: {  	s11 =	smov.u32 s20;
	s21 =	simm.s32 @p4 $0x0;
	s15 =	smov.u32 s12  }
0x28: {  	s12 =	smov.u32 s21;
	s14 =	sadd.s32 $0x1, s14;
	s13 =	smov.u32 s22  }
.LBB1_1:
0x29: {  	p1 =	sge.u32 s14, s6  }
.Ltmp2:
0x2a: {  	_ = 	snop;
	(pc) =	sbr.rel @p1 .LBB1_3-.Ltmp2, $1  }
0x2b: {  	_ =	sdelay $0x3  }
0x2c: {  	s19 =	sshll.u32 s11, $0x9  }
0x2d: {  	s20 =	sshll.u32 s10, $0x3;
	s31 =	sshll.u32 s11, $0x7;
	p1 =	sgt.s32 s13, $0x1  }
0x2e: {  	s22 =	smov.u32 s13;
	s23 =	sshra.s32 s13, $0x1F;
	s24 =	sshra.s32 s12, $0x1F  }
0x2f: {  	s28 =	sshra.s32 s11, $0x1F;
	s29 =	sand.u32 $0x78, s10;
	s19 =	sand.u32 $0x3F000, s19  }
0x30: {  	s20 =	sand.u32 $0x3FC00, s20;
	s21 =	sand.u32 $0x200, s31;
	s22 =	simm.s32 @!p1 $0x1  }
0x31: {  	s26 =	sand.u32 s23, s13;
	p1 =	sgt.s32 s12, $0xFFFFFFE0;
	s23 =	smov.u32 s12  }
0x32: {  	s27 =	sand.u32 s24, s12;
	s24 =	sand.u32 s28, s11;
	s28 =	sshll.u32 s12, $0xF  }
0x33: {  	s19 =	sadd.s32 s19, s20;
	s23 =	simm.s32 @!p1 $0xFFFFFFE0;
	p1 =	sgt.s32 s11, $0x1FF  }
0x34: {  	s20 =	sand.u32 $0x180, s31;
	s31 =	sshra.s32 s10, $0x1F;
	s19 =	sor.u32 s21, s19  }
0x35: {  	s21 =	sxor.u32 $0xFFFFFFFF, s26;
	s20 =	sor.u32 s29, s20;
	s29 =	sand.u32 $0x7, s10  }
0x36: {  	s21 =	sadd.s32 s21, s22;
	s22 =	ssub.s32 s23, s27;
	s23 =	smov.u32 s11  }
0x37: {  	s27 =	smul.u32 $0x300000, s13;
	s19 =	sshrl.u32 s19, $0x3;
	s20 =	sshrl.u32 s20, $0x3  }
0x38: {  	s25 =	sadd.s32 $0x20, s22;
	s23 =	simm.s32 @!p1 $0x1FF;
	p2 =	sgt.s32 s21, $0x0  }
0x39: {  	s21 =	ssub.s32 $0x1, s21;
	s22 =	ssub.s32 $0x60, s22;
	p1 =	sgt.s32 s25, $0x7F  }
0x3a: {  	s23 =	ssub.s32 s23, s24;
	s21 =	simm.s32 @p2 $0x0;
	s22 =	simm.s32 @p1 $0x0  }
0x3b: {  	p2 =	sgt.s32 s10, $0x180;
	s21 =	smul.u32 s21, s22;
	s22 =	smov.u32 s10  }
0x3c: {  	s24 =	sand.u32 s31, s10;
	s30 =	sadd.s32 $0xFFFFFE01, s23;
	s22 =	simm.s32 @!p2 $0x180  }
0x3d: {  	s23 =	ssub.s32 $0x200, s23;
	p1 =	sgt.s32 s30, $0x0;
	s22 =	ssub.s32 s22, s24  }
0x3e: {  	s19 =	sand.u32 $0x7FC0, s19;
	s23 =	simm.s32 @p1 $0x0;
	s26 =	sadd.s32 $0xFFFFFE80, s22  }
0x3f: {  	s21 =	smul.u32 s23, s21;
	s22 =	ssub.s32 $0x200, s22;
	p1 =	sgt.s32 s26, $0x7F  }
0x40: {  	s25 =	sxor.u32 $0xFFFFFFFF, s14;
	s23 =	sadd.s32 s2, s27;
	s22 =	simm.s32 @p1 $0x0  }
0x41: {  	s30 =	sshll.u32 s29, $0x12;
	s21 =	smul.u32 s22, s21;
	s22 =	sadd.s32 s28, s23  }
0x42: {  	s31 =	sor.u32 $0x80, s30;
	s24 =	sshll.u32 s25, $0xE;
	s20 =	sadd.s32 s20, s22  }
0x43: {  	s24 =	sand.u32 $0x4000, s24;
	s21 =	sand.u32 $0x3FFFFFFF, s21;
	s19 =	sadd.s32 s19, s20  }
0x44: {  	[tilespmem:s24], [sflag:$0x1] =	stream.strided.gather [hbm4b:s19+s31], s21, s9, s31, $0x38;
	[tilespmem:$0x10100] =	vst v63  }
.LBB1_3:
0x45: {  	s19 =	sadd.s32 $0xFFFFFFFF, s14  }
0x46: {  	p1 =	sge.u32 s19, s6  }
.Ltmp3:
0x47: {  	_ = 	snop;
	(pc) =	sbr.rel @p1 .LBB1_7-.Ltmp3, $1  }
0x48: {  	_ =	sdelay $0x3  }
0x49: {  	p1 =	sgt.s32 s17, $0x1;
	s19 =	smov.u32 s17;
	s20 =	sshra.s32 s17, $0x1F  }
0x4a: {  	s21 =	smov.u32 s15;
	s22 =	sshra.s32 s15, $0x1F;
	s26 =	sshra.s32 s16, $0x1F  }
0x4b: {  	s19 =	simm.s32 @!p1 $0x1;
	s20 =	sand.u32 s20, s17;
	p1 =	sgt.s32 s15, $0xFFFFFFE0  }
0x4c: {  	s22 =	sand.u32 s22, s15;
	s20 =	sxor.u32 $0xFFFFFFFF, s20;
	s21 =	simm.s32 @!p1 $0xFFFFFFE0  }
0x4d: {  	s28 =	sshra.s32 s18, $0x1F;
	s19 =	sadd.s32 s20, s19;
	s25 =	ssub.s32 s21, s22  }
0x4e: {  	p1 =	sgt.s32 s19, $0x0;
	s19 =	ssub.s32 $0x1, s19;
	s21 =	sadd.s32 $0x20, s25  }
0x4f: {  	s20 =	ssub.s32 $0x60, s25;
	s19 =	simm.s32 @p1 $0x0;
	p1 =	sgt.s32 s21, $0x7F  }
0x50: {  	s21 =	smov.u32 s16;
	s20 =	simm.s32 @p1 $0x0;
	p1 =	sgt.s32 s16, $0x1FF  }
0x51: {  	s27 =	sand.u32 s26, s16;
	s19 =	smul.u32 s19, s20;
	s21 =	simm.s32 @!p1 $0x1FF  }
0x52: {  	p1 =	sgt.s32 s18, $0x180;
	s20 =	ssub.s32 s21, s27;
	s21 =	smov.u32 s18  }
0x53: {  	s22 =	sand.u32 s28, s18;
	s23 =	sadd.s32 $0xFFFFFE01, s20;
	s21 =	simm.s32 @!p1 $0x180  }
0x54: {  	s20 =	ssub.s32 $0x200, s20;
	p1 =	sgt.s32 s23, $0x0;
	s21 =	ssub.s32 s21, s22  }
0x55: {  	s20 =	simm.s32 @p1 $0x0;
	s22 =	sadd.s32 $0xFFFFFE80, s21  }
0x56: {  	s19 =	smul.u32 s20, s19;
	p1 =	sgt.s32 s22, $0x7F;
	s20 =	ssub.s32 $0x200, s21  }
0x57: {  	s20 =	simm.s32 @p1 $0x0  }
0x58: {  	s19 =	smul.u32 s20, s19;
	_ =	sdelay $0x1  }
0x59: {  	s20 =	simm.s32 $0x1;
	s19 =	sand.u32 $0x3FFFFFFF, s19  }
0x5a: {  	s20 =	simm.s32 @!p0 $0x0;
	_ =	swait.ge [sflag:s5], s19  }
0x5b: {  	s29 =	sshll.u32 s20, $0xE;
	s19 =	ssub.s32 $0x0, s19;
	[sflag:s5] =	ssyncset.done $0x0  }
0x5c: {  	s21 =	sor.u32 $0x40, s29;
	[sflag:s5] =	ssyncadd.s32 s19  }
0x5d: {  	s30 =	smul.u32 $0x10200, s20;
	v0 =	vld [tilespmem:s21+$0x30]  }
0x5e: {  	v3 =	vld [tilespmem:s21+$0xFFFFFFD0]  }
0x5f: {  	s19 =	sshrl.u32 s30, $0x2;
	v4 =	vld [tilespmem:s21+$0xFFFFFFE0]  }
0x60: {  	s20 =	sor.u32 $0x8000, s19;
	v5 =	vld [tilespmem:s21+$0xFFFFFFF0]  }
0x61: {  	s31 =	sand.u32 $0x1, s14;
	v1 =	vld [tilespmem:s21+$0x0];
	s22 =	sadd.s32 $0x0, s20  }
0x62: {  	s19 =	smul.u32 $0x10200, s31;
	v2 =	vld [tilespmem:s21+$0x10];
	[tilespmem:s22+$0x3870 ss:$0x81] =	vst.msk $0xffff, v0  }
0x63: {  	[tilespmem:s22+$0x810 ss:$0x81] =	vst.msk $0xffff, v3;
	v3 =	vld [tilespmem:s21+$0x20]  }
0x64: {  	s19 =	sshrl.u32 s19, $0x2;
	v0 =	vld [tilespmem:s21+$0xFFFFFFC0];
	[tilespmem:s22+$0x1020 ss:$0x81] =	vst.msk $0xffff, v4;
	s21 =	sadd.s32 $0x80, s21  }
0x65: {  	s24 =	simm.s32 $0x8;
	s23 =	simm.s32 $0x4;
	s19 =	sor.u32 $0x8000, s19;
	[tilespmem:s22+$0x1830 ss:$0x81] =	vst.msk $0xffff, v5;
	v4 =	vld [tilespmem:s21+$0x30]  }
.LBB1_5:
0x66: {  	p1 =	sne.s32 s24, $0x1FC;
	v5 =	vld [tilespmem:s21+$0xFFFFFFD0];
	[tilespmem:s22+$0x2040 ss:$0x81] =	vst.msk $0xffff, v1  }
0x67: {  	v6 =	vld [tilespmem:s21+$0xFFFFFFE0];
	[tilespmem:s22+$0x2850 ss:$0x81] =	vst.msk $0xffff, v2  }
0x68: {  	s25 =	sshra.s32 s23, $0x2;
	s23 =	smov.u32 s24;
	v7 =	vld [tilespmem:s21+$0xFFFFFFF0];
	[tilespmem:s22+$0x3060 ss:$0x81] =	vst.msk $0xffff, v3  }
.Ltmp4:
0x69: {  	v1 =	vld [tilespmem:s21+$0x0];
	[tilespmem:s22+$0x0 ss:$0x81] =	vst.msk $0xffff, v0;
	s22 =	sadd.s32 s25, s20;
	(pc) =	sbr.rel @p1 .LBB1_5-.Ltmp4, $4  }
0x6a: {  	v2 =	vld [tilespmem:s21+$0x10];
	[tilespmem:s22+$0x3870 ss:$0x81] =	vst.msk $0xffff, v4  }
0x6b: {  	[tilespmem:s22+$0x810 ss:$0x81] =	vst.msk $0xffff, v5;
	v3 =	vld [tilespmem:s21+$0x20]  }
0x6c: {  	v0 =	vld [tilespmem:s21+$0xFFFFFFC0];
	[tilespmem:s22+$0x1020 ss:$0x81] =	vst.msk $0xffff, v6;
	s21 =	sadd.s32 $0x80, s21  }
0x6d: {  	s24 =	sadd.s32 $0x4, s24;
	v4 =	vld [tilespmem:s21+$0x30];
	[tilespmem:s22+$0x1830 ss:$0x81] =	vst.msk $0xffff, v7  }
.Ltmp5:
0x6e: {  	_ = 	snop;
	(pc) =	sbr.rel .LBB1_6-.Ltmp5, $1  }
0x6f: {  	_ =	sdelay $0x3  }
.LBB1_8:
0x70: {  	_ =	sfence.sel $0x180000  }
0x71: {  	s2 =	simm.s32 $0x1;
	[bflag:$0x0] =	sbarrier.arrive $0xFFFF  }
0x72: {  	s31 =	simm.s32 $0x2;
	[sflag:s2] =	ssyncpa.u1 $0x1  }
0x73: {  	[sflag:s31] =	ssyncpa.u1 $0x1  }
0x74: {  	p0 =	sne.s32 s1, $0x0;
	_ =	strace $0x90000047  }
0x75: {  	s0 =	sadd.s32 @!p0 $0x100000, s0;
	[bflag:$0x2] =	sbarrier.arrive $0xFFFF  }
0x76: {  	[sflag:s0] =	ssyncadd.tile.s32 @!p0 $0x1;
	_ =	shalt  }
.Lfunc_end1:
_tile_overlayer_lowered:
.L_overlay_start_2:
0x77: {  	(tag) =	ssettag $0x2  }
0x78: {  	s0 =	rddreg [dreg:$0x0];
	s2 =	stileid.u32  }
0x79: {  	s1 =	rddreg [dreg:$0x1];
	p0 =	sne.s32 s2, $0x0  }
0x7a: {  	s3 =	rddreg [dreg:$0x2];
	[bflag:$0x3] =	sbarrier.arrive $0xFFFF;
	s2 =	simm.s32 @!p0 $0x1C01  }
0x7b: {  	[timem:s3], [sflag:s2] =	dma.local @!p0 [hbm:s0], s1  }
0x7c: {  	s0 =	simm.s32 @!p0 $0x1  }
0x7d: {  	_ =	swait.ge @!p0 [sflag:s0], s1  }
0x7e: {  	s1 =	ssub.s32 @!p0 $0x0, s1;
	[sflag:s0] =	ssyncset.done @!p0 $0x0  }
0x7f: {  	[sflag:s0] =	ssyncadd.s32 @!p0 s1  }
0x80: {  	[bflag:$0x3] =	sbarrier.arrive $0xFFFF  }
0x81: {  	_ =	shalt  }

// kernel: sparse-core-data-format-call.cloned.1.call-start
scs
called_computation_lowered:
.L_overlay_start_0:
0x0: {  	s2 =	sld [smem:$0x3FD9]  }
0x1: {  	s3 =	sld [smem:$0x3FFE];
	_ =	sdelay $0x1  }
0x2: {  	s1 =	srdreg.scid  }
0x3: {  	s0 =	sand.u32 $0x1, s1  }
0x4: {  	s18 =	sshll.u32 s0, $0xA;
	s2 =	sadd.s32 s3, s2  }
0x5: {  	s2 =	sadd.s32 s2, s18  }
0x6: {  	[smem:$0x3FC6] =	sst s2  }
0x7: {  	_ = 	snop  }
0x8: {  	s2 =	sld [smem:$0x3FD0];
	(tm) =	ssettm $0x1  }
0x9: {  	s19 =	sld [smem:$0x3FFB];
	_ =	sdelay $0x3  }
0xa: {  	_ =	strace s19  }
0xb: {  	s3 =	sld [smem:$0x3FFC];
	_ =	sdelay $0x3  }
0xc: {  	_ =	strace s3  }
0xd: {  	s3 =	sld [smem:$0x3FFD];
	_ =	sdelay $0x3  }
0xe: {  	_ =	strace s3  }
0xf: {  	_ =	strace $0x8FFFFFFF  }
0x10: {  	s20 =	sld [smem:$0x3FDB];
	_ =	sdelay $0x1  }
0x11: {  	s4 =	simm.s32 $_scs_section_size  }
0x12: {  	s5 =	simm.s32 $_size__tile_overlayer_lowered;
	s6 =	simm.s32 $_tile_overlayer_lowered  }
0x13: {  	s23 =	simm.s32 $0x1BFF;
	s22 =	sshll.u32 s6, $0x1;
	s3 =	sadd.s32 s4, s20  }
0x14: {  	s7 =	simm.s32 $0x0;
	s21 =	sshll.u32 s5, $0x1;
	s5 =	sadd.s32 s22, s3  }
0x15: {  	[timem:s7], [sflag:s23] =	dma.local [hbm:s5], s21  }
0x16: {  	_ =	swait.ge [sflag:s23], s21  }
0x17: {  	s4 =	ssub.s32 $0x0, s21;
	[sflag:s23] =	ssyncset.done $0x0  }
0x18: {  	[sflag:s23] =	ssyncadd.s32 s4;
	_ =	sdelay $0x1  }
0x19: {  	s24 =	simm.s32 $0x1B8B  }
0x1a: {  	_ =	swait.ge [sflag:s24], $0x1  }
0x1b: {  	[sflag:s24] =	ssyncset.done $0x0  }
0x1c: {  	s26 =	simm.s32 $0x1B8E;
	s25 =	sld [smem:$0x3FFE];
	[sflag:s24] =	ssyncadd.s32 $0xFFFFFFFF  }
0x1d: {  	s27 =	simm.s32 $execute0_lowered;
	[smem:$0x3FD2] =	sst s26  }
0x1e: {  	s5 =	sshll.u32 s27, $0x1;
	_ =	strace $0x8000004C;
	[dreg:$0x1] =	wrdreg $0xFFFFFFFF  }
0x1f: {  	s28 =	simm.s32 $_size_execute0_lowered;
	s3 =	sadd.s32 s3, s5;
	[dreg:$0x0] =	wrdreg $0x0  }
0x20: {  	s5 =	sshll.u32 s28, $0x1;
	[dreg:$0x2] =	wrdreg s3  }
0x21: {  	[dreg:$0x3] =	wrdreg s5  }
0x22: {  	[dreg:$0x4] =	wrdreg $0xC0  }
0x23: {  	_ =	task [dreg:s7], $0x5FFFF  }
0x24: {  	[dreg:$0x1] =	wrdreg $0xFFFFFFFF  }
0x25: {  	[dreg:$0x0] =	wrdreg $0x60  }
0x26: {  	[dreg:$0x2] =	wrdreg s25  }
0x27: {  	[dreg:$0x3] =	wrdreg s2  }
0x28: {  	[dreg:$0x4] =	wrdreg $0x9  }
0x29: {  	_ =	task.clear_ibuf [dreg:s7], $0x5FFFF;
	_ =	strace $0x9000004C  }
0x2a: {  	s29 =	simm.s32 $0x9;
	_ =	strace $0x8000004E  }
0x2b: {  	_ =	swait.ge [sflag:s29], $0x1  }
0x2c: {  	[sflag:s29] =	ssyncadd.s32 $0xFFFFFFFF  }
0x2d: {  	_ =	strace $0x9000004E  }
0x2e: {  	_ =	sfence  }
0x2f: {  	s30 =	sld [smem:$0x0];
	_ =	sdelay $0x2  }
0x30: {  	s31 =	sshll.u32 s1, $0xD;
	s1 =	sshrl.u32 s1, $0x2  }
0x31: {  	s3 =	sand.u32 $0x4000, s31;
	s1 =	sadd.s32 s1, s30  }
0x32: {  	s0 =	sor.u32 s3, s0;
	s1 =	sshll.u32 s1, $0x11  }
0x33: {  	s0 =	sor.u32 s1, s0  }
0x34: {  	s0 =	sadd.s32 $0x8F2B, s0  }
0x35: {  	[sflag:s0] =	ssyncadd.remote.s32 $0x1  }
0x36: {  	_ =	sfence.sel $0xFFFF  }
0x37: {  	[dreg:$0x0] =	wrdreg $0xFFFFFFFF;
	(pc) =	sbr.abs _section_cstart, $3  }
0x38: {  	[dreg:$0x1] =	wrdreg $0xFFFFFFFF  }
0x39: {  	_ =	task.clear_ibuf [dreg:s7], $0x2FFFF;
	_ =	strace $0x9FFFFFFF  }
0x3a: {  	(tm) =	ssettm $0x7FFFFFFF  }
0x3b: {  	_ =	shalt  }
tec
execute0_lowered:
.L_overlay_start_1:
0x0: {  	(tag) =	ssettag $0x1  }
0x1: {  	s4 =	rddreg [dreg:$0x0]  }
0x2: {  	s2 =	rddreg [dreg:$0x1]  }
0x3: {  	s0 =	rddreg [dreg:$0x2]  }
0x4: {  	s1 =	stileid.u32;
	s3 =	srdreg.scid  }
0x5: {  	_ =	strace $0x8000004D;
	s31 =	simm.s32 $0x2;
	s17 =	simm.s32 $0x0  }
0x6: {  	p0 =	por $0x0, $0x0;
	s9 =	simm.s32 $0x40000;
	s18 =	simm.s32 $0x0  }
0x7: {  	s19 =	simm.s32 $0x0;
	s10 =	simm.s32 $0x0;
	s11 =	simm.s32 $0x0  }
0x8: {  	s12 =	simm.s32 $0x0;
	s13 =	simm.s32 $0x0;
	s16 =	simm.s32 $0x0  }
0x9: {  	s5 =	sshll.u32 s3, $0x4;
	s3 =	sand.u32 $0x1, s1;
	s4 =	sadd.s32 $0x1000, s4  }
.Ltmp0:
0xa: {  	s5 =	sand.u32 $0x10, s5;
	s6 =	ssub.s32 $0x2, s3;
	(pc) =	sbr.rel .LBB1_1-.Ltmp0, $4  }
0xb: {  	s15 =	smov.u32 s3;
	s7 =	sshrl.u32 s6, $0x1;
	s8 =	sand.u32 $0x1, s6  }
0xc: {  	s5 =	sor.u32 s1, s5;
	s6 =	simm.s32 $0x1;
	s7 =	sadd.s32 s8, s7  }
0xd: {  	s5 =	sshrl.u32 s5, $0x1;
	[sflag:s6] =	ssyncpa.u1 $0x0;
	s7 =	sshll.u32 s7, $0x7  }
0xe: {  	[sflag:s31] =	ssyncpa.u1 $0x0;
	s14 =	smov.u32 s5;
	s8 =	sor.u32 $0x1, s7  }
.LBB1_4:
0xf: {  	s24 =	sshra.s32 s24, $0x2;
	s30 =	sshra.s32 s12, $0x1F;
	s25 =	sshll.u32 s11, $0x9  }
0x10: {  	p1 =	sgt.s32 s12, $0x1;
	s26 =	smov.u32 s12;
	s27 =	sshll.u32 s10, $0x3  }
0x11: {  	s28 =	smov.u32 s11;
	s29 =	sshra.s32 s11, $0x1F;
	s23 =	sadd.s32 s24, s23  }
0x12: {  	[tilespmem:s22+$0x2040 ss:$0x81] =	vst.msk $0xffff, v4;
	s24 =	sand.u32 s30, s12;
	s26 =	simm.s32 @!p1 $0x1;
	s25 =	sand.u32 $0x3F000, s25  }
0x13: {  	[tilespmem:s22+$0x2850 ss:$0x81] =	vst.msk $0xffff, v3;
	s27 =	sand.u32 $0x3FC00, s27;
	p1 =	sgt.s32 s11, $0x1FF;
	s29 =	sand.u32 s29, s11  }
0x14: {  	v5 =	vld [tilespmem:s21+$0xFFFFFFD0];
	[tilespmem:s22+$0x3060 ss:$0x81] =	vst.msk $0xffff, v2;
	s30 =	sshll.u32 s11, $0x7;
	s24 =	sxor.u32 $0xFFFFFFFF, s24;
	s28 =	simm.s32 @!p1 $0x1FF  }
0x15: {  	v58 =	vld [tilespmem:s21+$0xFFFFFFE0];
	[tilespmem:s22+$0x0 ss:$0x81] =	vst.msk $0xffff, v0;
	s25 =	sadd.s32 s25, s27;
	s22 =	sand.u32 $0x180, s30;
	s24 =	sadd.s32 s24, s26  }
0x16: {  	v59 =	vld [tilespmem:s21+$0xFFFFFFF0];
	s26 =	ssub.s32 $0x1, s24;
	p1 =	sgt.s32 s24, $0x0;
	s24 =	ssub.s32 s28, s29  }
0x17: {  	v60 =	vld [tilespmem:s21+$0x0];
	s28 =	smov.u32 s10;
	s29 =	sshra.s32 s10, $0x1F;
	s26 =	smul.u32 $0x60, s26  }
0x18: {  	v61 =	vld [tilespmem:s21+$0x10];
	s31 =	sadd.s32 $0xFFFFFE01, s24;
	s24 =	ssub.s32 $0x200, s24;
	s27 =	sand.u32 s29, s10  }
0x19: {  	v62 =	vld [tilespmem:s21+$0x20];
	s29 =	sand.u32 $0x78, s10;
	s26 =	simm.s32 @p1 $0x0;
	p1 =	sgt.s32 s10, $0x180  }
0x1a: {  	v63 =	vld [tilespmem:s21+$0xFFFFFFC0];
	[tilespmem:s23+$0x3870 ss:$0x81] =	vst.msk $0xffff, v1;
	s21 =	sor.u32 s29, s22;
	s28 =	simm.s32 @!p1 $0x180;
	p1 =	sgt.s32 s31, $0x0  }
0x1b: {  	[tilespmem:s23+$0x810 ss:$0x81] =	vst.msk $0xffff, v5;
	s31 =	sand.u32 $0x200, s30;
	s30 =	smul.u32 $0x300000, s12;
	s27 =	ssub.s32 s28, s27  }
0x1c: {  	[tilespmem:s23+$0x1020 ss:$0x81] =	vst.msk $0xffff, v58;
	s24 =	simm.s32 @p1 $0x0;
	s25 =	sor.u32 s31, s25;
	s28 =	sadd.s32 $0xFFFFFE80, s27  }
0x1d: {  	[tilespmem:s23+$0x1830 ss:$0x81] =	vst.msk $0xffff, v59;
	s24 =	smul.u32 s26, s24;
	s26 =	ssub.s32 $0x200, s27;
	p1 =	sgt.s32 s28, $0x7F  }
0x1e: {  	[tilespmem:s23+$0x2040 ss:$0x81] =	vst.msk $0xffff, v60;
	s21 =	sshrl.u32 s21, $0x3;
	s31 =	sshrl.u32 s25, $0x3;
	s26 =	simm.s32 @p1 $0x0  }
0x1f: {  	[tilespmem:s23+$0x2850 ss:$0x81] =	vst.msk $0xffff, v61;
	s27 =	sadd.s32 s2, s30;
	s28 =	sand.u32 $0x7, s10;
	s24 =	smul.u32 s26, s24  }
0x20: {  	[tilespmem:s23+$0x3060 ss:$0x81] =	vst.msk $0xffff, v62;
	s21 =	sadd.s32 s21, s27;
	s22 =	sand.u32 $0x7FC0, s31;
	s29 =	sshll.u32 s28, $0x12  }
0x21: {  	[tilespmem:s23+$0x0 ss:$0x81] =	vst.msk $0xffff, v63;
	s21 =	sadd.s32 s22, s21;
	s31 =	sor.u32 $0x80, s29;
	s30 =	sand.u32 $0x3FFFFFE0, s24  }
0x22: {  	[hbm4b:s21+s31] =	stream.strided.scatter [tilespmem:s20], [sflag:$0x2], s30, s9, s31, $0x20;
	[tilespmem:$0x10100] =	vst v63  }
.LBB1_5:
0x23: {  	p1 =	slt.u32 s16, $0x2  }
0x24: {  	s20 =	smov.u32 s19;
	p2 =	sgt.s32 @!p1 s19, $0x1;
	s21 =	sshra.s32 @!p1 s19, $0x1F  }
0x25: {  	s22 =	sshra.s32 @!p1 s18, $0x1F;
	p3 =	sgt.s32 @!p1 s17, $0x180;
	p2 =	por !p2, p1  }
0x26: {  	s19 =	sand.u32 @!p1 s21, s19;
	s20 =	simm.s32 @p2 $0x1;
	p2 =	sgt.s32 @!p1 s18, $0x1FF  }
0x27: {  	s21 =	smov.u32 s18;
	s19 =	sxor.u32 @!p1 $0xFFFFFFFF, s19;
	p2 =	por !p2, p1  }
0x28: {  	s18 =	sand.u32 @!p1 s22, s18;
	s19 =	sadd.s32 @!p1 s19, s20;
	s21 =	simm.s32 @p2 $0x1FF  }
0x29: {  	p3 =	por !p3, p1;
	p2 =	sgt.s32 @!p1 s19, $0x0;
	s18 =	ssub.s32 @!p1 s21, s18  }
0x2a: {  	s19 =	ssub.s32 @!p1 $0x1, s19;
	s21 =	smov.u32 s17;
	s20 =	sadd.s32 @!p1 $0xFFFFFE01, s18  }
0x2b: {  	s21 =	simm.s32 @p3 $0x180;
	p3 =	sgt.s32 @!p1 s20, $0x0;
	s20 =	sshra.s32 @!p1 s17, $0x1F  }
0x2c: {  	s19 =	smul.u32 @!p1 $0x60, s19;
	p2 =	por !p2, p1;
	s17 =	sand.u32 @!p1 s20, s17  }
0x2d: {  	s18 =	ssub.s32 @!p1 $0x200, s18;
	p3 =	por !p3, p1;
	s17 =	ssub.s32 @!p1 s21, s17  }
0x2e: {  	s19 =	simm.s32 @!p2 $0x0;
	s18 =	simm.s32 @!p3 $0x0;
	s20 =	sadd.s32 @!p1 $0xFFFFFE80, s17  }
0x2f: {  	s21 =	smov.u32 s14;
	s18 =	smul.u32 @!p1 s19, s18;
	p2 =	sgt.s32 @!p1 s20, $0x7F  }
0x30: {  	s17 =	ssub.s32 @!p1 $0x200, s17;
	s20 =	sadd.s32 $0x80, s13;
	p2 =	por !p2, p1  }
0x31: {  	s19 =	sadd.s32 $0x10, s14;
	s17 =	simm.s32 @!p2 $0x0;
	p2 =	sgt.s32 s20, $0x1FF  }
0x32: {  	s22 =	smov.u32 s15;
	s21 =	smov.u32 @p2 s19  }
0x33: {  	s17 =	smul.u32 @!p1 s17, s18;
	s18 =	sadd.s32 $0x2, s15;
	p3 =	sgt.s32 s21, $0x1FF  }
0x34: {  	p0 =	por !p0, !p0;
	s23 =	simm.s32 @!p1 $0x2;
	s22 =	smov.u32 @p3 s18  }
0x35: {  	s20 =	simm.s32 @p2 $0x0;
	s19 =	smov.u32 s12;
	p2 =	sgt.s32 s22, $0x1  }
0x36: {  	s12 =	smov.u32 s15;
	s22 =	smov.u32 @p2 s3;
	p2 =	sne.s32 s16, s8  }
.Ltmp1:
0x37: {  	s17 =	sand.u32 @!p1 $0x3FFFFFE0, s17;
	s21 =	smov.u32 @p3 s5;
	(pc) =	sbr.rel @!p2 .LBB1_6-.Ltmp1, $4  }
0x38: {  	s18 =	smov.u32 s11;
	s11 =	smov.u32 s14;
	_ =	swait.ge @!p1 [sflag:s23], s17  }
0x39: {  	s24 =	ssub.s32 @!p1 $0x0, s17;
	s17 =	smov.u32 s10;
	s10 =	smov.u32 s13  }
0x3a: {  	s13 =	smov.u32 s20;
	s14 =	smov.u32 s21;
	[sflag:s23] =	ssyncset.done @!p1 $0x0  }
0x3b: {  	s16 =	sadd.s32 $0x1, s16;
	[sflag:s23] =	ssyncadd.s32 @!p1 s24;
	s15 =	smov.u32 s22  }
.LBB1_1:
0x3c: {  	p1 =	sge.u32 s16, s7  }
0x3d: {  	s31 =	sadd.s32 $0xFFFFFFFF, s16;
	s20 =	sxor.u32 @!p1 $0xFFFFFFFF, s16;
	s21 =	sshll.u32 @!p1 s15, $0x16  }
0x3e: {  	s22 =	sshll.u32 @!p1 s14, $0xD;
	s23 =	sshll.u32 @!p1 s13, $0x4;
	s21 =	sadd.s32 @!p1 s4, s21  }
0x3f: {  	s20 =	sshll.u32 @!p1 s20, $0xE;
	s23 =	sand.u32 @!p1 $0x1FF0, s23;
	s21 =	sadd.s32 @!p1 s22, s21  }
0x40: {  	s20 =	sand.u32 @!p1 $0x4000, s20;
	s22 =	simm.s32 @!p1 $0x0;
	s21 =	sadd.s32 @!p1 s23, s21  }
0x41: {  	[tilespmem:s20], [sflag:$0x1] =	stream.linear.gather @!p1 [hbm4b:s21+s22], $0x4000, $0x38;
	[tilespmem:$0x10100] =	vst v63  }
0x42: {  	p1 =	sge.u32 s31, s7  }
.Ltmp2:
0x43: {  	_ = 	snop;
	(pc) =	sbr.rel @p1 .LBB1_5-.Ltmp2, $1  }
0x44: {  	_ =	sdelay $0x3  }
0x45: {  	s20 =	simm.s32 $0x1  }
0x46: {  	_ =	swait.ge [sflag:s6], $0x4000;
	s20 =	simm.s32 @!p0 $0x0  }
0x47: {  	[sflag:s6] =	ssyncset.done $0x0;
	s21 =	sshll.u32 s20, $0xE  }
0x48: {  	[sflag:s6] =	ssyncadd.s32 $0xFFFFC000;
	s21 =	sor.u32 $0x40, s21  }
0x49: {  	s20 =	smul.u32 $0x10200, s20;
	v0 =	vld [tilespmem:s21+$0x30]  }
0x4a: {  	v1 =	vld [tilespmem:s21+$0xFFFFFFD0]  }
0x4b: {  	s20 =	sshrl.u32 s20, $0x2;
	v5 =	vld [tilespmem:s21+$0xFFFFFFE0]  }
0x4c: {  	v6 =	vld [tilespmem:s21+$0xFFFFFFF0];
	s23 =	sor.u32 $0x8000, s20  }
0x4d: {  	s31 =	sand.u32 $0x1, s16;
	v4 =	vld [tilespmem:s21+$0x0];
	s22 =	sadd.s32 $0x0, s23  }
0x4e: {  	v3 =	vld [tilespmem:s21+$0x10];
	s20 =	smul.u32 $0x10200, s31;
	[tilespmem:s22+$0x3870 ss:$0x81] =	vst.msk $0xffff, v0  }
0x4f: {  	v2 =	vld [tilespmem:s21+$0x20];
	[tilespmem:s22+$0x810 ss:$0x81] =	vst.msk $0xffff, v1  }
0x50: {  	s20 =	sshrl.u32 s20, $0x2;
	v0 =	vld [tilespmem:s21+$0xFFFFFFC0];
	[tilespmem:s22+$0x1020 ss:$0x81] =	vst.msk $0xffff, v5;
	s21 =	sadd.s32 $0x80, s21  }
0x51: {  	s24 =	simm.s32 $0x4;
	s25 =	simm.s32 $0x8;
	s20 =	sor.u32 $0x8000, s20;
	[tilespmem:s22+$0x1830 ss:$0x81] =	vst.msk $0xffff, v6;
	v1 =	vld [tilespmem:s21+$0x30]  }
.LBB1_3:
0x52: {  	p1 =	sne.s32 s25, $0x1FC;
	v5 =	vld [tilespmem:s21+$0xFFFFFFD0];
	[tilespmem:s22+$0x2040 ss:$0x81] =	vst.msk $0xffff, v4  }
0x53: {  	v6 =	vld [tilespmem:s21+$0xFFFFFFE0];
	[tilespmem:s22+$0x2850 ss:$0x81] =	vst.msk $0xffff, v3  }
0x54: {  	s26 =	sshra.s32 s24, $0x2;
	s24 =	smov.u32 s25;
	v7 =	vld [tilespmem:s21+$0xFFFFFFF0];
	[tilespmem:s22+$0x3060 ss:$0x81] =	vst.msk $0xffff, v2  }
.Ltmp3:
0x55: {  	v4 =	vld [tilespmem:s21+$0x0];
	[tilespmem:s22+$0x0 ss:$0x81] =	vst.msk $0xffff, v0;
	s22 =	sadd.s32 s26, s23;
	(pc) =	sbr.rel @p1 .LBB1_3-.Ltmp3, $4  }
0x56: {  	v3 =	vld [tilespmem:s21+$0x10];
	[tilespmem:s22+$0x3870 ss:$0x81] =	vst.msk $0xffff, v1  }
0x57: {  	[tilespmem:s22+$0x810 ss:$0x81] =	vst.msk $0xffff, v5;
	v2 =	vld [tilespmem:s21+$0x20]  }
0x58: {  	v0 =	vld [tilespmem:s21+$0xFFFFFFC0];
	[tilespmem:s22+$0x1020 ss:$0x81] =	vst.msk $0xffff, v6;
	s21 =	sadd.s32 $0x80, s21  }
0x59: {  	s25 =	sadd.s32 $0x4, s25;
	v1 =	vld [tilespmem:s21+$0x30];
	[tilespmem:s22+$0x1830 ss:$0x81] =	vst.msk $0xffff, v7  }
.Ltmp4:
0x5a: {  	_ = 	snop;
	(pc) =	sbr.rel .LBB1_4-.Ltmp4, $1  }
0x5b: {  	_ =	sdelay $0x3  }
.LBB1_6:
0x5c: {  	_ =	sfence.sel $0x180000  }
0x5d: {  	s2 =	simm.s32 $0x1;
	[bflag:$0x0] =	sbarrier.arrive $0xFFFF  }
0x5e: {  	s31 =	simm.s32 $0x2;
	[sflag:s2] =	ssyncpa.u1 $0x1  }
0x5f: {  	[sflag:s31] =	ssyncpa.u1 $0x1  }
0x60: {  	p0 =	sne.s32 s1, $0x0;
	_ =	strace $0x9000004D  }
0x61: {  	s0 =	sadd.s32 @!p0 $0x100000, s0;
	[bflag:$0x2] =	sbarrier.arrive $0xFFFF  }
0x62: {  	[sflag:s0] =	ssyncadd.tile.s32 @!p0 $0x1;
	_ =	shalt  }
.Lfunc_end1:
_tile_overlayer_lowered:
.L_overlay_start_2:
0x63: {  	(tag) =	ssettag $0x2  }
0x64: {  	s0 =	rddreg [dreg:$0x0];
	s2 =	stileid.u32  }
0x65: {  	s1 =	rddreg [dreg:$0x1];
	p0 =	sne.s32 s2, $0x0  }
0x66: {  	s3 =	rddreg [dreg:$0x2];
	[bflag:$0x3] =	sbarrier.arrive $0xFFFF;
	s2 =	simm.s32 @!p0 $0x1C01  }
0x67: {  	[timem:s3], [sflag:s2] =	dma.local @!p0 [hbm:s0], s1  }
0x68: {  	s0 =	simm.s32 @!p0 $0x1  }
0x69: {  	_ =	swait.ge @!p0 [sflag:s0], s1  }
0x6a: {  	s1 =	ssub.s32 @!p0 $0x0, s1;
	[sflag:s0] =	ssyncset.done @!p0 $0x0  }
0x6b: {  	[sflag:s0] =	ssyncadd.s32 @!p0 s1  }
0x6c: {  	[bflag:$0x3] =	sbarrier.arrive $0xFFFF  }
0x6d: {  	_ =	shalt  }

</sc_bundles>
